<compile_context>
chip_gen: v7x
topology: tpu7x:2x2x1
jax: 0.10.2.dev20260603
libtpu: 0.0.44.dev20260713+nightly
codegen_flags: <defaults>
</compile_context>

<pallas_src>
import functools

import jax
import jax.numpy as jnp
from jax import lax
from jax.experimental import pallas as pl
from jax.experimental.pallas import tpu as pltpu
from jax.experimental.pallas import tpu_sc as plsc

_N = 10000
_E = 320000
_D = 128
_R_CUT = 5.0


def _lin1_body(x_ref, wT_ref, o_ref):
    o_ref[...] = jnp.dot(x_ref[...], wT_ref[...],
                         preferred_element_type=jnp.float32)


def _lin1(x, wT):
    return pl.pallas_call(
        _lin1_body,
        out_shape=jax.ShapeDtypeStruct((_N, _D), jnp.float32),
    )(x, wT)



_BE = 12800
_GE = _E // _BE


def _col128(row):
    rid = lax.broadcasted_iota(jnp.int32, (128, 128), 0)
    lid = lax.broadcasted_iota(jnp.int32, (128, 128), 1)
    b = jnp.broadcast_to(row, (128, 128))
    return jnp.sum(jnp.where(rid == lid, b, 0.0), axis=1, keepdims=True)


def _filter_body(attrs_ref, ew_ref, wf1T_ref, bf1_ref, wf2T_ref, w_ref):
    a = attrs_ref[...].astype(jnp.bfloat16)
    h = jnp.dot(a, wf1T_ref[...], preferred_element_type=jnp.float32)
    h = h + bf1_ref[...]
    h = h * jax.nn.sigmoid(h)
    w = jnp.dot(h.astype(jnp.bfloat16), wf2T_ref[...],
                preferred_element_type=jnp.float32)
    ew = ew_ref[0]
    c = 0.5 * (jnp.cos(jnp.pi * ew / _R_CUT) + 1.0)
    c = c * (ew < _R_CUT).astype(jnp.float32)
    ccol = jnp.concatenate(
        [_col128(c[r:r + 1, :]) for r in range(_BE // 128)], axis=0)
    w_ref[...] = w * ccol


def _edge_filter(edge_attrs, edge_weights, wf1T, bf1, wf2T):
    ew2 = edge_weights.reshape(_GE, _BE // 128, 128)
    return pl.pallas_call(
        _filter_body,
        grid=(_GE,),
        in_specs=[
            pl.BlockSpec((_BE, _D), lambda i: (i, 0)),
            pl.BlockSpec((1, _BE // 128, 128), lambda i: (i, 0, 0)),
            pl.BlockSpec((_D, _D), lambda i: (0, 0)),
            pl.BlockSpec((1, _D), lambda i: (0, 0)),
            pl.BlockSpec((_D, _D), lambda i: (0, 0)),
        ],
        out_specs=pl.BlockSpec((_BE, _D), lambda i: (i, 0)),
        out_shape=jax.ShapeDtypeStruct((_E, _D), jnp.float32),
    )(edge_attrs, ew2, wf1T, bf1.reshape(1, _D), wf2T)



_NC, _NS, _L = 2, 16, 16
_NW = _NC * _NS
_CH = 48
_PERW = _E // _NW
_NCH = 208
_TL = _PERW - _NCH * _CH
_NP = 10112
_RPT = _NP // _NS

_sc_mesh = plsc.VectorSubcoreMesh(core_axis_name="c", subcore_axis_name="s")


@functools.partial(
    pl.kernel,
    out_type=jax.ShapeDtypeStruct((_NC, _NP, _D), jnp.float32),
    mesh=_sc_mesh,
    scratch_types=[
        pltpu.VMEM((_PERW,), jnp.int32),
        pltpu.VMEM((_CH,), jnp.int32),
        pltpu.VMEM((_CH,), jnp.int32),
        pltpu.VMEM((_CH,), jnp.int32),
        pltpu.VMEM((_CH,), jnp.int32),
        pltpu.VMEM((_CH,), jnp.int32),
        pltpu.VMEM((_CH,), jnp.int32),
        pltpu.VMEM((_TL,), jnp.int32),
        pltpu.VMEM((_TL,), jnp.int32),
        pltpu.VMEM((_CH, _D), jnp.float32),
        pltpu.VMEM((_CH, _D), jnp.float32),
        pltpu.VMEM((_CH, _D), jnp.float32),
        pltpu.VMEM((_CH, _D), jnp.float32),
        pltpu.VMEM((_CH, _D), jnp.float32),
        pltpu.VMEM((_CH, _D), jnp.float32),
        pltpu.VMEM_SHARED((_NP, _D), jnp.float32),
        pltpu.SemaphoreType.DMA,
        pltpu.SemaphoreType.DMA,
        pltpu.SemaphoreType.DMA,
        pltpu.SemaphoreType.DMA,
        pltpu.SemaphoreType.DMA,
        pltpu.SemaphoreType.DMA,
        pltpu.SemaphoreType.DMA,
        pltpu.SemaphoreType.DMA,
        pltpu.SemaphoreType.DMA,
    ],
)
def _sc_scatter(w_hbm, s_hbm, pk_hbm, z_hbm, out_hbm,
                pk, srcb0, srcb1, srcb2, dstb0, dstb1, dstb2, srct, dstt,
                w0, w1, w2, v0, v1, v2, acc,
                semw0, semw1, semw2, semg0, semg1, semg2,
                sems0, sems1, sems2):
    cid = lax.axis_index("c")
    sid = lax.axis_index("s")
    wid = cid * _NS + sid
    pltpu.sync_copy(z_hbm, acc.at[pl.ds(sid * _RPT, _RPT)])
    pltpu.sync_copy(pk_hbm.at[wid], pk)
    plsc.subcore_barrier()

    mask = jnp.full((_L,), 0xFFFF, jnp.int32)

    def unpack_idx(j, srcb, dstb):
        for k in range(_CH // _L):
            x = pk[pl.ds(j * _CH + k * _L, _L)]
            srcb[pl.ds(k * _L, _L)] = x & mask
            dstb[pl.ds(k * _L, _L)] = lax.shift_right_logical(x, 16)

    def start_loads(j, w_v, v_v, srcb, dstb, semw, semg):
        unpack_idx(j, srcb, dstb)
        base = wid * _PERW + j * _CH
        pltpu.async_copy(w_hbm.at[pl.ds(base, _CH)], w_v, semw)
        pltpu.async_copy(s_hbm.at[srcb], v_v, semg)

    def wait_loads(j, w_v, v_v, srcb, semw, semg):
        base = wid * _PERW + j * _CH
        pltpu.make_async_copy(w_hbm.at[pl.ds(base, _CH)], w_v, semw).wait()
        pltpu.make_async_copy(s_hbm.at[srcb], v_v, semg).wait()

    def multiply(w_v, v_v, nrow):
        def row(r, c2):
            for c in range(_D // _L):
                sl = pl.ds(c * _L, _L)
                v_v[r, sl] = v_v[r, sl] * w_v[r, sl]
            return c2
        lax.fori_loop(0, nrow, row, 0)

    def start_scatter(v_v, dstb, sems):
        pltpu.async_copy(v_v, acc.at[dstb], sems, add=True)

    def wait_scatter(v_v, dstb, sems):
        pltpu.make_async_copy(v_v, acc.at[dstb], sems).wait()

    sets = (
        (srcb0, dstb0, w0, v0, semw0, semg0, sems0),
        (srcb1, dstb1, w1, v1, semw1, semg1, sems1),
        (srcb2, dstb2, w2, v2, semw2, semg2, sems2),
    )

    def process(j, cur, nxt):
        srcb, dstb, w_v, v_v, semw, semg, sems = cur
        srcbq, dstbq, w_q, v_q, semw_q, semg_q, sems_q = nxt

        @pl.when(jnp.logical_and(j >= 1, j + 2 < _NCH))
        def _():
            wait_scatter(v_q, dstbq, sems_q)

        @pl.when(j + 2 < _NCH)
        def _():
            start_loads(j + 2, w_q, v_q, srcbq, dstbq, semw_q, semg_q)

        wait_loads(j, w_v, v_v, srcb, semw, semg)
        multiply(w_v, v_v, _CH)
        start_scatter(v_v, dstb, sems)

    start_loads(0, w0, v0, srcb0, dstb0, semw0, semg0)
    start_loads(1, w1, v1, srcb1, dstb1, semw1, semg1)

    def body(j, carry):
        p = j % 3
        for i in range(3):
            @pl.when(p == i)
            def _(i=i):
                process(j, sets[i], sets[(i + 2) % 3])
        return carry

    lax.fori_loop(0, _NCH, body, 0)
    for c in (_NCH - 3, _NCH - 2, _NCH - 1):
        srcb, dstb, w_v, v_v, semw, semg, sems = sets[c % 3]
        wait_scatter(v_v, dstb, sems)

    xt = pk[pl.ds(_NCH * _CH, _TL)]
    srct[...] = xt & mask
    dstt[...] = lax.shift_right_logical(xt, 16)
    tbase = wid * _PERW + _NCH * _CH
    pltpu.sync_copy(w_hbm.at[pl.ds(tbase, _TL)], w0.at[pl.ds(0, _TL)])
    pltpu.async_copy(s_hbm.at[srct], v0.at[pl.ds(0, _TL)], semg0).wait()
    multiply(w0, v0, _TL)
    pltpu.sync_copy(v0.at[pl.ds(0, _TL)], acc.at[dstt], add=True)

    plsc.subcore_barrier()
    pltpu.sync_copy(acc.at[pl.ds(sid * _RPT, _RPT)],
                    out_hbm.at[cid, pl.ds(sid * _RPT, _RPT)])



_BN = 1000
_GN = _N // _BN


def _node_body(p_ref, recv_ref, w2T_ref, b2_ref, g_ref, be_ref, w3T_ref,
               b3_ref, o_ref):
    upd = p_ref[0] + p_ref[1]
    y = jnp.dot(upd, w2T_ref[...], preferred_element_type=jnp.float32)
    y = y + b2_ref[...]
    mu = jnp.mean(y, axis=-1, keepdims=True)
    yc = y - mu
    var = jnp.mean(yc * yc, axis=-1, keepdims=True)
    y = yc * lax.rsqrt(var + 1e-5) * g_ref[...] + be_ref[...]
    y = y * jax.nn.sigmoid(y)
    o_ref[...] = (jnp.dot(y, w3T_ref[...], preferred_element_type=jnp.float32)
                  + b3_ref[...] + recv_ref[...])


def _node_mlp(partials, recv, w2T, b2, gamma, beta, w3T, b3):
    return pl.pallas_call(
        _node_body,
        grid=(_GN,),
        in_specs=[
            pl.BlockSpec((_NC, _BN, _D), lambda i: (0, i, 0)),
            pl.BlockSpec((_BN, _D), lambda i: (i, 0)),
            pl.BlockSpec((_D, _D), lambda i: (0, 0)),
            pl.BlockSpec((1, _D), lambda i: (0, 0)),
            pl.BlockSpec((1, _D), lambda i: (0, 0)),
            pl.BlockSpec((1, _D), lambda i: (0, 0)),
            pl.BlockSpec((_D, _D), lambda i: (0, 0)),
            pl.BlockSpec((1, _D), lambda i: (0, 0)),
        ],
        out_specs=pl.BlockSpec((_BN, _D), lambda i: (i, 0)),
        out_shape=jax.ShapeDtypeStruct((_N, _D), jnp.float32),
    )(partials, recv, w2T, b2.reshape(1, _D), gamma.reshape(1, _D),
      beta.reshape(1, _D), w3T, b3.reshape(1, _D))



def kernel(senders, receivers, edge_indices, edge_weights, edge_versors,
           edge_attrs, W1, Wf1, bf1, Wf2, W2, b2, gamma, beta, W3, b3):
    del edge_versors
    s = _lin1(senders[0], W1.T)
    w = _edge_filter(edge_attrs, edge_weights,
                     Wf1.T.astype(jnp.bfloat16), bf1,
                     Wf2.T.astype(jnp.bfloat16))
    zeros = jnp.zeros((_RPT, _D), jnp.float32)
    packed = (edge_indices[0] | (edge_indices[1] << 16)).reshape(_NW, _PERW)
    partials = _sc_scatter(w, s, packed, zeros)
    return _node_mlp(partials, receivers[0], W2.T, b2, gamma, beta,
                     W3.T, b3)

# --- scband reference (transcript-rebuilt; emitter-appended) ---
"""Pipeline reference for scband-schnet-block-54400055771904 (READ-ONLY COPY).

The authoritative reference and input builder live on the scoring server;
editing this copy changes nothing except your own understanding.
"""

import jax, jax.numpy as jnp
import numpy as np

N = 10000
E = 320000
IN = 128
OUT = 128
ED = 128
BD = 128
R_CUT = 5.0


def cosine_cutoff(r, r_cut=R_CUT):
    return 0.5 * (jnp.cos(jnp.pi * r / r_cut) + 1.0) * (r < r_cut).astype(r.dtype)


def setup_inputs(seed: int = 0) -> dict:
    key = jax.random.key(seed)
    ks = jax.random.split(key, 16)
    senders = jax.random.normal(ks[0], (1, N, IN), dtype=jnp.float32)
    receivers = jax.random.normal(ks[1], (1, N, OUT), dtype=jnp.float32)
    edge_indices = jax.random.randint(ks[2], (2, E), 0, N, dtype=jnp.int32)
    edge_weights = jax.random.uniform(ks[3], (E,), dtype=jnp.float32) * R_CUT
    edge_versors = jax.random.normal(ks[4], (E, 3), dtype=jnp.float32)
    edge_attrs = jax.random.normal(ks[5], (E, BD), dtype=jnp.float32)
    # learned parameters
    W1 = jax.random.normal(ks[6], (ED, IN), dtype=jnp.float32) * 0.05   # lin1 (no bias)
    Wf1 = jax.random.normal(ks[7], (ED, BD), dtype=jnp.float32) * 0.05  # filter MLP layer 1
    bf1 = jnp.zeros((ED,), dtype=jnp.float32)
    Wf2 = jax.random.normal(ks[8], (ED, ED), dtype=jnp.float32) * 0.05  # filter MLP layer 2 (no bias)
    W2 = jax.random.normal(ks[9], (OUT, ED), dtype=jnp.float32) * 0.05  # lin2
    b2 = jnp.zeros((OUT,), dtype=jnp.float32)
    gamma = jnp.ones((OUT,), dtype=jnp.float32)                          # LayerNorm
    beta = jnp.zeros((OUT,), dtype=jnp.float32)
    W3 = jax.random.normal(ks[10], (OUT, OUT), dtype=jnp.float32) * 0.05 # lin3
    b3 = jnp.zeros((OUT,), dtype=jnp.float32)
    return {
        'senders': senders, 'receivers': receivers, 'edge_indices': edge_indices,
        'edge_weights': edge_weights, 'edge_versors': edge_versors, 'edge_attrs': edge_attrs,
        'W1': W1, 'Wf1': Wf1, 'bf1': bf1, 'Wf2': Wf2, 'W2': W2, 'b2': b2,
        'gamma': gamma, 'beta': beta, 'W3': W3, 'b3': b3,
    }


def reference(senders, receivers, edge_indices, edge_weights, edge_versors, edge_attrs,
              W1, Wf1, bf1, Wf2, W2, b2, gamma, beta, W3, b3):
    # C = self.cutoff(edge_weights)
    C = cosine_cutoff(edge_weights)
    # weights = self.filter_network(edge_attrs) * C.view(-1, 1)
    h = jax.nn.silu(edge_attrs @ Wf1.T + bf1)
    w = h @ Wf2.T
    w = w * C[:, None]
    # V = self.lin1(senders[0])[edge_indices[0]]
    V = (senders[0] @ W1.T)[edge_indices[0]]
    # embedding_update = scatter(weights * V, edge_indices[1], reduce='add', dim=0)
    upd = jax.ops.segment_sum(w * V, edge_indices[1], num_segments=senders.shape[1])
    # lin3(act(layer_norm(lin2(upd))))
    y = upd @ W2.T + b2
    mu = jnp.mean(y, axis=-1, keepdims=True)
    var = jnp.var(y, axis=-1, keepdims=True)
    y = (y - mu) / jnp.sqrt(var + 1e-5) * gamma + beta
    y = jax.nn.silu(y)
    y = y @ W3.T + b3
    return receivers[0] + y

if __name__ == "__main__":
    import jax
    _d = setup_inputs()
    print(jax.jit(kernel)(*tuple(_d.values())))

</pallas_src>

<mosaic_0001>
#map = affine_map<(d0, d1) -> (0, 0)>
#map1 = affine_map<(d0, d1) -> (0, 0, 0)>
module attributes {stable_mosaic.version = 14 : i64} {
  func.func @_sc_scatter(%arg0: i32, %arg1: i32, %arg2: memref<320000x128xf32, #tpu.memory_space<hbm>>, %arg3: memref<10000x128xf32, #tpu.memory_space<hbm>>, %arg4: memref<32x10000xi32, #tpu.memory_space<hbm>>, %arg5: memref<632x128xf32, #tpu.memory_space<hbm>>, %arg6: memref<2x10112x128xf32, #tpu.memory_space<hbm>>, %arg7: memref<10000xi32, #tpu.memory_space<vmem>>, %arg8: memref<48xi32, #tpu.memory_space<vmem>>, %arg9: memref<48xi32, #tpu.memory_space<vmem>>, %arg10: memref<48xi32, #tpu.memory_space<vmem>>, %arg11: memref<48xi32, #tpu.memory_space<vmem>>, %arg12: memref<48xi32, #tpu.memory_space<vmem>>, %arg13: memref<48xi32, #tpu.memory_space<vmem>>, %arg14: memref<16xi32, #tpu.memory_space<vmem>>, %arg15: memref<16xi32, #tpu.memory_space<vmem>>, %arg16: memref<48x128xf32, #tpu.memory_space<vmem>>, %arg17: memref<48x128xf32, #tpu.memory_space<vmem>>, %arg18: memref<48x128xf32, #tpu.memory_space<vmem>>, %arg19: memref<48x128xf32, #tpu.memory_space<vmem>>, %arg20: memref<48x128xf32, #tpu.memory_space<vmem>>, %arg21: memref<48x128xf32, #tpu.memory_space<vmem>>, %arg22: memref<10112x128xf32, #tpu.memory_space<vmem_shared>>, %arg23: memref<!tpu.dma_semaphore, #tpu.memory_space<semaphore_mem>>, %arg24: memref<!tpu.dma_semaphore, #tpu.memory_space<semaphore_mem>>, %arg25: memref<!tpu.dma_semaphore, #tpu.memory_space<semaphore_mem>>, %arg26: memref<!tpu.dma_semaphore, #tpu.memory_space<semaphore_mem>>, %arg27: memref<!tpu.dma_semaphore, #tpu.memory_space<semaphore_mem>>, %arg28: memref<!tpu.dma_semaphore, #tpu.memory_space<semaphore_mem>>, %arg29: memref<!tpu.dma_semaphore, #tpu.memory_space<semaphore_mem>>, %arg30: memref<!tpu.dma_semaphore, #tpu.memory_space<semaphore_mem>>, %arg31: memref<!tpu.dma_semaphore, #tpu.memory_space<semaphore_mem>>) attributes {dimension_semantics = [#tpu.dimension_semantics<core_parallel>, #tpu.dimension_semantics<subcore_parallel>], iteration_bounds = array<i64: 2, 16>, scalar_prefetch = 0 : i64, scratch_operands = 25 : i64, tpu.core_type = #tpu.core_type<sc_vector_subcore>, window_params = [{transform_indices = #map}, {transform_indices = #map}, {transform_indices = #map}, {transform_indices = #map}, {transform_indices = #map1}]} {
    %mul3A = arith.constant 16 : i32
    %mul3A_0 = arith.muli %arg0, %mul3A : i32
    %add3A = arith.addi %mul3A_0, %arg1 : i32
    %mul3A_1 = arith.constant 632 : i32
    %mul3A_2 = arith.muli %arg1, %mul3A_1 : i32
    "tpu.region"() ({
      %run_scoped3A = tpu.sem_alloc : memref<!tpu.dma_semaphore, #tpu.memory_space<semaphore_mem>>
      %dma_start3A_166 = arith.constant 0 : i32
      %dma_start3A_167 = tpu.memref_slice %arg22[%mul3A_2, %dma_start3A_166] : memref<10112x128xf32, #tpu.memory_space<vmem_shared>> -> memref<632x128xf32, #tpu.memory_space<vmem_shared>>
      tpu.enqueue_dma source(%arg5 : memref<632x128xf32, #tpu.memory_space<hbm>>) target(%dma_start3A_167 : memref<632x128xf32, #tpu.memory_space<vmem_shared>>) target_semaphore(%run_scoped3A : memref<!tpu.dma_semaphore, #tpu.memory_space<semaphore_mem>>)
      %dma_wait3A_168 = arith.constant 0 : i32
      %dma_wait3A_169 = tpu.memref_slice %arg22[%mul3A_2, %dma_wait3A_168] : memref<10112x128xf32, #tpu.memory_space<vmem_shared>> -> memref<632x128xf32, #tpu.memory_space<vmem_shared>>
      tpu.wait_dma2 semaphore(%run_scoped3A : memref<!tpu.dma_semaphore, #tpu.memory_space<semaphore_mem>>) src(%arg5 : memref<632x128xf32, #tpu.memory_space<hbm>>) dst(%dma_wait3A_169 : memref<632x128xf32, #tpu.memory_space<vmem_shared>>)
      tpu.yield
    }) : () -> ()
    "tpu.region"() ({
      %run_scoped3A = tpu.sem_alloc : memref<!tpu.dma_semaphore, #tpu.memory_space<semaphore_mem>>
      %dma_start3A_166 = arith.constant 0 : i32
      %dma_start3A_167 = tpu.memref_slice %arg4[%add3A, %dma_start3A_166] : memref<32x10000xi32, #tpu.memory_space<hbm>> -> memref<1x10000xi32, #tpu.memory_space<hbm>>
      %dma_start3A_168 = tpu.memref_squeeze %dma_start3A_167 : memref<1x10000xi32, #tpu.memory_space<hbm>> -> memref<10000xi32, #tpu.memory_space<hbm>>
      %dma_start3A_169 = arith.constant 0 : i32
      %dma_start3A_170 = tpu.memref_slice %arg4[%add3A, %dma_start3A_169] : memref<32x10000xi32, #tpu.memory_space<hbm>> -> memref<1x10000xi32, #tpu.memory_space<hbm>>
      %dma_start3A_171 = tpu.memref_squeeze %dma_start3A_170 : memref<1x10000xi32, #tpu.memory_space<hbm>> -> memref<10000xi32, #tpu.memory_space<hbm>>
      tpu.enqueue_dma source(%dma_start3A_171 : memref<10000xi32, #tpu.memory_space<hbm>>) target(%arg7 : memref<10000xi32, #tpu.memory_space<vmem>>) target_semaphore(%run_scoped3A : memref<!tpu.dma_semaphore, #tpu.memory_space<semaphore_mem>>)
      %dma_wait3A_172 = arith.constant 0 : i32
      %dma_wait3A_173 = tpu.memref_slice %arg4[%add3A, %dma_wait3A_172] : memref<32x10000xi32, #tpu.memory_space<hbm>> -> memref<1x10000xi32, #tpu.memory_space<hbm>>
      %dma_wait3A_174 = tpu.memref_squeeze %dma_wait3A_173 : memref<1x10000xi32, #tpu.memory_space<hbm>> -> memref<10000xi32, #tpu.memory_space<hbm>>
      %dma_wait3A_175 = arith.constant 0 : i32
      %dma_wait3A_176 = tpu.memref_slice %arg4[%add3A, %dma_wait3A_175] : memref<32x10000xi32, #tpu.memory_space<hbm>> -> memref<1x10000xi32, #tpu.memory_space<hbm>>
      %dma_wait3A_177 = tpu.memref_squeeze %dma_wait3A_176 : memref<1x10000xi32, #tpu.memory_space<hbm>> -> memref<10000xi32, #tpu.memory_space<hbm>>
      tpu.wait_dma2 semaphore(%run_scoped3A : memref<!tpu.dma_semaphore, #tpu.memory_space<semaphore_mem>>) src(%dma_wait3A_177 : memref<10000xi32, #tpu.memory_space<hbm>>) dst(%arg7 : memref<10000xi32, #tpu.memory_space<vmem>>)
      tpu.yield
    }) : () -> ()
    %barrier3A = arith.constant 0 : index
    tpu.barrier barrier_id(%barrier3A)
    %broadcast_in_dim3A = arith.constant 65535 : i32
    %broadcast_in_dim3A_3 = vector.broadcast %broadcast_in_dim3A : i32 to vector<16xi32>
    %get3A = arith.constant 0 : index
    %get3A_4 = tpu.vector_load %arg7[%get3A] {strides = array<i32>} : memref<10000xi32, #tpu.memory_space<vmem>>, vector<16xi32>,
    %get3A_5 = vector.shape_cast %get3A_4 : vector<16xi32> to vector<16xi32>
    %and3A = arith.andi %get3A_5, %broadcast_in_dim3A_3 : vector<16xi32>
    %swap3A = arith.constant 0 : index
    %swap3A_6 = tpu.vector_load %arg8[%swap3A] {strides = array<i32>} : memref<48xi32, #tpu.memory_space<vmem>>, vector<16xi32>,
    %swap3A_7 = vector.shape_cast %swap3A_6 : vector<16xi32> to vector<16xi32>
    %swap3A_8 = vector.shape_cast %and3A : vector<16xi32> to vector<16xi32>
    tpu.vector_store %arg8[%swap3A], %swap3A_8 {strides = array<i32>} : memref<48xi32, #tpu.memory_space<vmem>>, vector<16xi32>,
    %shift_right_logical3A = arith.constant 16 : i32
    %shift_right_logical3A_9 = vector.broadcast %shift_right_logical3A : i32 to vector<16xi32>
    %shift_right_logical3A_10 = arith.shrui %get3A_5, %shift_right_logical3A_9 : vector<16xi32>
    %swap3A_11 = arith.constant 0 : index
    %swap3A_12 = tpu.vector_load %arg11[%swap3A_11] {strides = array<i32>} : memref<48xi32, #tpu.memory_space<vmem>>, vector<16xi32>,
    %swap3A_13 = vector.shape_cast %swap3A_12 : vector<16xi32> to vector<16xi32>
    %swap3A_14 = vector.shape_cast %shift_right_logical3A_10 : vector<16xi32> to vector<16xi32>
    tpu.vector_store %arg11[%swap3A_11], %swap3A_14 {strides = array<i32>} : memref<48xi32, #tpu.memory_space<vmem>>, vector<16xi32>,
    %get3A_15 = arith.constant 16 : index
    %get3A_16 = tpu.vector_load %arg7[%get3A_15] {strides = array<i32>} : memref<10000xi32, #tpu.memory_space<vmem>>, vector<16xi32>,
    %get3A_17 = vector.shape_cast %get3A_16 : vector<16xi32> to vector<16xi32>
    %and3A_18 = arith.andi %get3A_17, %broadcast_in_dim3A_3 : vector<16xi32>
    %swap3A_19 = arith.constant 16 : index
    %swap3A_20 = tpu.vector_load %arg8[%swap3A_19] {strides = array<i32>} : memref<48xi32, #tpu.memory_space<vmem>>, vector<16xi32>,
    %swap3A_21 = vector.shape_cast %swap3A_20 : vector<16xi32> to vector<16xi32>
    %swap3A_22 = vector.shape_cast %and3A_18 : vector<16xi32> to vector<16xi32>
    tpu.vector_store %arg8[%swap3A_19], %swap3A_22 {strides = array<i32>} : memref<48xi32, #tpu.memory_space<vmem>>, vector<16xi32>,
    %shift_right_logical3A_23 = arith.constant 16 : i32
    %shift_right_logical3A_24 = vector.broadcast %shift_right_logical3A_23 : i32 to vector<16xi32>
    %shift_right_logical3A_25 = arith.shrui %get3A_17, %shift_right_logical3A_24 : vector<16xi32>
    %swap3A_26 = arith.constant 16 : index
    %swap3A_27 = tpu.vector_load %arg11[%swap3A_26] {strides = array<i32>} : memref<48xi32, #tpu.memory_space<vmem>>, vector<16xi32>,
    %swap3A_28 = vector.shape_cast %swap3A_27 : vector<16xi32> to vector<16xi32>
    %swap3A_29 = vector.shape_cast %shift_right_logical3A_25 : vector<16xi32> to vector<16xi32>
    tpu.vector_store %arg11[%swap3A_26], %swap3A_29 {strides = array<i32>} : memref<48xi32, #tpu.memory_space<vmem>>, vector<16xi32>,
    %get3A_30 = arith.constant 32 : index
    %get3A_31 = tpu.vector_load %arg7[%get3A_30] {strides = array<i32>} : memref<10000xi32, #tpu.memory_space<vmem>>, vector<16xi32>,
    %get3A_32 = vector.shape_cast %get3A_31 : vector<16xi32> to vector<16xi32>
    %and3A_33 = arith.andi %get3A_32, %broadcast_in_dim3A_3 : vector<16xi32>
    %swap3A_34 = arith.constant 32 : index
    %swap3A_35 = tpu.vector_load %arg8[%swap3A_34] {strides = array<i32>} : memref<48xi32, #tpu.memory_space<vmem>>, vector<16xi32>,
    %swap3A_36 = vector.shape_cast %swap3A_35 : vector<16xi32> to vector<16xi32>
    %swap3A_37 = vector.shape_cast %and3A_33 : vector<16xi32> to vector<16xi32>
    tpu.vector_store %arg8[%swap3A_34], %swap3A_37 {strides = array<i32>} : memref<48xi32, #tpu.memory_space<vmem>>, vector<16xi32>,
    %shift_right_logical3A_38 = arith.constant 16 : i32
    %shift_right_logical3A_39 = vector.broadcast %shift_right_logical3A_38 : i32 to vector<16xi32>
    %shift_right_logical3A_40 = arith.shrui %get3A_32, %shift_right_logical3A_39 : vector<16xi32>
    %swap3A_41 = arith.constant 32 : index
    %swap3A_42 = tpu.vector_load %arg11[%swap3A_41] {strides = array<i32>} : memref<48xi32, #tpu.memory_space<vmem>>, vector<16xi32>,
    %swap3A_43 = vector.shape_cast %swap3A_42 : vector<16xi32> to vector<16xi32>
    %swap3A_44 = vector.shape_cast %shift_right_logical3A_40 : vector<16xi32> to vector<16xi32>
    tpu.vector_store %arg11[%swap3A_41], %swap3A_44 {strides = array<i32>} : memref<48xi32, #tpu.memory_space<vmem>>, vector<16xi32>,
    %mul3A_45 = arith.constant 10000 : i32
    %mul3A_46 = arith.muli %add3A, %mul3A_45 : i32
    %add3A_47 = arith.constant 0 : i32
    %add3A_48 = arith.addi %mul3A_46, %add3A_47 : i32
    %dma_start3A = arith.constant 0 : i32
    %dma_start3A_49 = tpu.memref_slice %arg2[%add3A_48, %dma_start3A] : memref<320000x128xf32, #tpu.memory_space<hbm>> -> memref<48x128xf32, #tpu.memory_space<hbm>>
    %dma_start3A_50 = arith.constant 0 : i32
    %dma_start3A_51 = tpu.memref_slice %arg2[%add3A_48, %dma_start3A_50] : memref<320000x128xf32, #tpu.memory_space<hbm>> -> memref<48x128xf32, #tpu.memory_space<hbm>>
    tpu.enqueue_dma source(%dma_start3A_51 : memref<48x128xf32, #tpu.memory_space<hbm>>) target(%arg16 : memref<48x128xf32, #tpu.memory_space<vmem>>) target_semaphore(%arg23 : memref<!tpu.dma_semaphore, #tpu.memory_space<semaphore_mem>>)
    %dma_start3A_52 = arith.constant 0 : i32
    %dma_start3A_53 = arith.constant 0 : i32
    %dma_start3A_54 = tpu.memref_slice %arg3[%dma_start3A_52, %dma_start3A_53] : memref<10000x128xf32, #tpu.memory_space<hbm>> -> memref<10000x128xf32, #tpu.memory_space<hbm>>
    tpu.enqueue_indirect_dma source(%dma_start3A_54 : memref<10000x128xf32, #tpu.memory_space<hbm>>) target(%arg19 : memref<48x128xf32, #tpu.memory_space<vmem>>) offsets(%arg8 : memref<48xi32, #tpu.memory_space<vmem>>) semaphore(%arg26 : memref<!tpu.dma_semaphore, #tpu.memory_space<semaphore_mem>>)
    %get3A_55 = arith.constant 48 : index
    %get3A_56 = tpu.vector_load %arg7[%get3A_55] {strides = array<i32>} : memref<10000xi32, #tpu.memory_space<vmem>>, vector<16xi32>,
    %get3A_57 = vector.shape_cast %get3A_56 : vector<16xi32> to vector<16xi32>
    %and3A_58 = arith.andi %get3A_57, %broadcast_in_dim3A_3 : vector<16xi32>
    %swap3A_59 = arith.constant 0 : index
    %swap3A_60 = tpu.vector_load %arg9[%swap3A_59] {strides = array<i32>} : memref<48xi32, #tpu.memory_space<vmem>>, vector<16xi32>,
    %swap3A_61 = vector.shape_cast %swap3A_60 : vector<16xi32> to vector<16xi32>
    %swap3A_62 = vector.shape_cast %and3A_58 : vector<16xi32> to vector<16xi32>
    tpu.vector_store %arg9[%swap3A_59], %swap3A_62 {strides = array<i32>} : memref<48xi32, #tpu.memory_space<vmem>>, vector<16xi32>,
    %shift_right_logical3A_63 = arith.constant 16 : i32
    %shift_right_logical3A_64 = vector.broadcast %shift_right_logical3A_63 : i32 to vector<16xi32>
    %shift_right_logical3A_65 = arith.shrui %get3A_57, %shift_right_logical3A_64 : vector<16xi32>
    %swap3A_66 = arith.constant 0 : index
    %swap3A_67 = tpu.vector_load %arg12[%swap3A_66] {strides = array<i32>} : memref<48xi32, #tpu.memory_space<vmem>>, vector<16xi32>,
    %swap3A_68 = vector.shape_cast %swap3A_67 : vector<16xi32> to vector<16xi32>
    %swap3A_69 = vector.shape_cast %shift_right_logical3A_65 : vector<16xi32> to vector<16xi32>
    tpu.vector_store %arg12[%swap3A_66], %swap3A_69 {strides = array<i32>} : memref<48xi32, #tpu.memory_space<vmem>>, vector<16xi32>,
    %get3A_70 = arith.constant 64 : index
    %get3A_71 = tpu.vector_load %arg7[%get3A_70] {strides = array<i32>} : memref<10000xi32, #tpu.memory_space<vmem>>, vector<16xi32>,
    %get3A_72 = vector.shape_cast %get3A_71 : vector<16xi32> to vector<16xi32>
    %and3A_73 = arith.andi %get3A_72, %broadcast_in_dim3A_3 : vector<16xi32>
    %swap3A_74 = arith.constant 16 : index
    %swap3A_75 = tpu.vector_load %arg9[%swap3A_74] {strides = array<i32>} : memref<48xi32, #tpu.memory_space<vmem>>, vector<16xi32>,
    %swap3A_76 = vector.shape_cast %swap3A_75 : vector<16xi32> to vector<16xi32>
    %swap3A_77 = vector.shape_cast %and3A_73 : vector<16xi32> to vector<16xi32>
    tpu.vector_store %arg9[%swap3A_74], %swap3A_77 {strides = array<i32>} : memref<48xi32, #tpu.memory_space<vmem>>, vector<16xi32>,
    %shift_right_logical3A_78 = arith.constant 16 : i32
    %shift_right_logical3A_79 = vector.broadcast %shift_right_logical3A_78 : i32 to vector<16xi32>
    %shift_right_logical3A_80 = arith.shrui %get3A_72, %shift_right_logical3A_79 : vector<16xi32>
    %swap3A_81 = arith.constant 16 : index
    %swap3A_82 = tpu.vector_load %arg12[%swap3A_81] {strides = array<i32>} : memref<48xi32, #tpu.memory_space<vmem>>, vector<16xi32>,
    %swap3A_83 = vector.shape_cast %swap3A_82 : vector<16xi32> to vector<16xi32>
    %swap3A_84 = vector.shape_cast %shift_right_logical3A_80 : vector<16xi32> to vector<16xi32>
    tpu.vector_store %arg12[%swap3A_81], %swap3A_84 {strides = array<i32>} : memref<48xi32, #tpu.memory_space<vmem>>, vector<16xi32>,
    %get3A_85 = arith.constant 80 : index
    %get3A_86 = tpu.vector_load %arg7[%get3A_85] {strides = array<i32>} : memref<10000xi32, #tpu.memory_space<vmem>>, vector<16xi32>,
    %get3A_87 = vector.shape_cast %get3A_86 : vector<16xi32> to vector<16xi32>
    %and3A_88 = arith.andi %get3A_87, %broadcast_in_dim3A_3 : vector<16xi32>
    %swap3A_89 = arith.constant 32 : index
    %swap3A_90 = tpu.vector_load %arg9[%swap3A_89] {strides = array<i32>} : memref<48xi32, #tpu.memory_space<vmem>>, vector<16xi32>,
    %swap3A_91 = vector.shape_cast %swap3A_90 : vector<16xi32> to vector<16xi32>
    %swap3A_92 = vector.shape_cast %and3A_88 : vector<16xi32> to vector<16xi32>
    tpu.vector_store %arg9[%swap3A_89], %swap3A_92 {strides = array<i32>} : memref<48xi32, #tpu.memory_space<vmem>>, vector<16xi32>,
    %shift_right_logical3A_93 = arith.constant 16 : i32
    %shift_right_logical3A_94 = vector.broadcast %shift_right_logical3A_93 : i32 to vector<16xi32>
    %shift_right_logical3A_95 = arith.shrui %get3A_87, %shift_right_logical3A_94 : vector<16xi32>
    %swap3A_96 = arith.constant 32 : index
    %swap3A_97 = tpu.vector_load %arg12[%swap3A_96] {strides = array<i32>} : memref<48xi32, #tpu.memory_space<vmem>>, vector<16xi32>,
    %swap3A_98 = vector.shape_cast %swap3A_97 : vector<16xi32> to vector<16xi32>
    %swap3A_99 = vector.shape_cast %shift_right_logical3A_95 : vector<16xi32> to vector<16xi32>
    tpu.vector_store %arg12[%swap3A_96], %swap3A_99 {strides = array<i32>} : memref<48xi32, #tpu.memory_space<vmem>>, vector<16xi32>,
    %mul3A_100 = arith.constant 10000 : i32
    %mul3A_101 = arith.muli %add3A, %mul3A_100 : i32
    %add3A_102 = arith.constant 48 : i32
    %add3A_103 = arith.addi %mul3A_101, %add3A_102 : i32
    %dma_start3A_104 = arith.constant 0 : i32
    %dma_start3A_105 = tpu.memref_slice %arg2[%add3A_103, %dma_start3A_104] : memref<320000x128xf32, #tpu.memory_space<hbm>> -> memref<48x128xf32, #tpu.memory_space<hbm>>
    %dma_start3A_106 = arith.constant 0 : i32
    %dma_start3A_107 = tpu.memref_slice %arg2[%add3A_103, %dma_start3A_106] : memref<320000x128xf32, #tpu.memory_space<hbm>> -> memref<48x128xf32, #tpu.memory_space<hbm>>
    tpu.enqueue_dma source(%dma_start3A_107 : memref<48x128xf32, #tpu.memory_space<hbm>>) target(%arg17 : memref<48x128xf32, #tpu.memory_space<vmem>>) target_semaphore(%arg24 : memref<!tpu.dma_semaphore, #tpu.memory_space<semaphore_mem>>)
    %dma_start3A_108 = arith.constant 0 : i32
    %dma_start3A_109 = arith.constant 0 : i32
    %dma_start3A_110 = tpu.memref_slice %arg3[%dma_start3A_108, %dma_start3A_109] : memref<10000x128xf32, #tpu.memory_space<hbm>> -> memref<10000x128xf32, #tpu.memory_space<hbm>>
    tpu.enqueue_indirect_dma source(%dma_start3A_110 : memref<10000x128xf32, #tpu.memory_space<hbm>>) target(%arg20 : memref<48x128xf32, #tpu.memory_space<vmem>>) offsets(%arg9 : memref<48xi32, #tpu.memory_space<vmem>>) semaphore(%arg27 : memref<!tpu.dma_semaphore, #tpu.memory_space<semaphore_mem>>)
    %scan3A = arith.constant 0 : i32
    %scan3A_111 = arith.constant 0 : i32
    %scan3A_112 = arith.constant 208 : i32
    %scan3A_113 = arith.addi %scan3A_111, %scan3A_112 : i32
    %scan3A_114 = arith.constant 1 : i32
    scf.for %scan3A_166 = %scan3A_111 to %scan3A_113 step %scan3A_114  : i32 {
      %jit3A = arith.constant 3 : i32
      %eq3A = arith.constant 0 : i32
      %eq3A_167 = arith.cmpi eq, %jit3A, %eq3A : i32
      %jit3A_168 = arith.constant 1 : i32
      %select_n3A = arith.select %eq3A_167, %jit3A_168, %jit3A : i32
      %rem3A = arith.remsi %scan3A_166, %select_n3A : i32
      %ne3A = arith.constant 0 : i32
      %ne3A_169 = arith.cmpi ne, %rem3A, %ne3A : i32
      %lt3A = arith.constant 0 : i32
      %lt3A_170 = arith.cmpi slt, %rem3A, %lt3A : i32
      %lt3A_171 = arith.constant 0 : i32
      %lt3A_172 = arith.cmpi slt, %select_n3A, %lt3A_171 : i32
      %ne3A_173 = arith.xori %lt3A_170, %lt3A_172 : i1
      %and3A_174 = arith.andi %ne3A_173, %ne3A_169 : i1
      %add3A_175 = arith.addi %rem3A, %select_n3A : i32
      %select_n3A_176 = arith.select %and3A_174, %add3A_175, %rem3A : i32
      %eq3A_177 = arith.constant 0 : i32
      %eq3A_178 = arith.cmpi eq, %select_n3A_176, %eq3A_177 : i32
      %convert_element_type3A = arith.extui %eq3A_178 : i1 to i32
      %cond3A = arith.constant 0 : i32
      %cond3A_179 = arith.cmpi ne, %convert_element_type3A, %cond3A : i32
      scf.if %cond3A_179 {
        %ge3A = arith.constant 1 : i32
        %ge3A_190 = arith.cmpi sge, %scan3A_166, %ge3A : i32
        %add3A_191 = arith.constant 2 : i32
        %add3A_192 = arith.addi %scan3A_166, %add3A_191 : i32
        %lt3A_193 = arith.constant 208 : i32
        %lt3A_194 = arith.cmpi slt, %add3A_192, %lt3A_193 : i32
        %and3A_195 = arith.andi %ge3A_190, %lt3A_194 : i1
        %convert_element_type3A_196 = arith.extui %and3A_195 : i1 to i32
        %cond3A_197 = arith.constant 0 : i32
        %cond3A_198 = arith.cmpi ne, %convert_element_type3A_196, %cond3A_197 : i32
        scf.if %cond3A_198 {
          %dma_wait3A_227 = arith.constant 0 : i32
          %dma_wait3A_228 = arith.constant 0 : i32
          %dma_wait3A_229 = tpu.memref_slice %arg22[%dma_wait3A_227, %dma_wait3A_228] : memref<10112x128xf32, #tpu.memory_space<vmem_shared>> -> memref<10112x128xf32, #tpu.memory_space<vmem_shared>>
          tpu.wait_indirect_dma semaphore(%arg31 : memref<!tpu.dma_semaphore, #tpu.memory_space<semaphore_mem>>) src(%arg21 : memref<48x128xf32, #tpu.memory_space<vmem>>) dst(%dma_wait3A_229 : memref<10112x128xf32, #tpu.memory_space<vmem_shared>>)
        } else {
        }
        %add3A_199 = arith.constant 2 : i32
        %add3A_200 = arith.addi %scan3A_166, %add3A_199 : i32
        %lt3A_201 = arith.constant 208 : i32
        %lt3A_202 = arith.cmpi slt, %add3A_200, %lt3A_201 : i32
        %convert_element_type3A_203 = arith.extui %lt3A_202 : i1 to i32
        %cond3A_204 = arith.constant 0 : i32
        %cond3A_205 = arith.cmpi ne, %convert_element_type3A_203, %cond3A_204 : i32
        scf.if %cond3A_205 {
          %add3A_227 = arith.constant 2 : i32
          %add3A_228 = arith.addi %scan3A_166, %add3A_227 : i32
          %mul3A_229 = arith.constant 48 : i32
          %mul3A_230 = arith.muli %add3A_228, %mul3A_229 : i32
          %add3A_231 = arith.constant 0 : i32
          %add3A_232 = arith.addi %mul3A_230, %add3A_231 : i32
          %get3A_233 = arith.index_cast %add3A_232 : i32 to index
          %get3A_234 = tpu.vector_load %arg7[%get3A_233] {strides = array<i32>} : memref<10000xi32, #tpu.memory_space<vmem>>, vector<16xi32>,
          %get3A_235 = vector.shape_cast %get3A_234 : vector<16xi32> to vector<16xi32>
          %and3A_236 = arith.andi %get3A_235, %broadcast_in_dim3A_3 : vector<16xi32>
          %swap3A_237 = arith.constant 0 : index
          %swap3A_238 = tpu.vector_load %arg10[%swap3A_237] {strides = array<i32>} : memref<48xi32, #tpu.memory_space<vmem>>, vector<16xi32>,
          %swap3A_239 = vector.shape_cast %swap3A_238 : vector<16xi32> to vector<16xi32>
          %swap3A_240 = vector.shape_cast %and3A_236 : vector<16xi32> to vector<16xi32>
          tpu.vector_store %arg10[%swap3A_237], %swap3A_240 {strides = array<i32>} : memref<48xi32, #tpu.memory_space<vmem>>, vector<16xi32>,
          %shift_right_logical3A_241 = arith.constant 16 : i32
          %shift_right_logical3A_242 = vector.broadcast %shift_right_logical3A_241 : i32 to vector<16xi32>
          %shift_right_logical3A_243 = arith.shrui %get3A_235, %shift_right_logical3A_242 : vector<16xi32>
          %swap3A_244 = arith.constant 0 : index
          %swap3A_245 = tpu.vector_load %arg13[%swap3A_244] {strides = array<i32>} : memref<48xi32, #tpu.memory_space<vmem>>, vector<16xi32>,
          %swap3A_246 = vector.shape_cast %swap3A_245 : vector<16xi32> to vector<16xi32>
          %swap3A_247 = vector.shape_cast %shift_right_logical3A_243 : vector<16xi32> to vector<16xi32>
          tpu.vector_store %arg13[%swap3A_244], %swap3A_247 {strides = array<i32>} : memref<48xi32, #tpu.memory_space<vmem>>, vector<16xi32>,
          %mul3A_248 = arith.constant 48 : i32
          %mul3A_249 = arith.muli %add3A_228, %mul3A_248 : i32
          %add3A_250 = arith.constant 16 : i32
          %add3A_251 = arith.addi %mul3A_249, %add3A_250 : i32
          %get3A_252 = arith.index_cast %add3A_251 : i32 to index
          %get3A_253 = tpu.vector_load %arg7[%get3A_252] {strides = array<i32>} : memref<10000xi32, #tpu.memory_space<vmem>>, vector<16xi32>,
          %get3A_254 = vector.shape_cast %get3A_253 : vector<16xi32> to vector<16xi32>
          %and3A_255 = arith.andi %get3A_254, %broadcast_in_dim3A_3 : vector<16xi32>
          %swap3A_256 = arith.constant 16 : index
          %swap3A_257 = tpu.vector_load %arg10[%swap3A_256] {strides = array<i32>} : memref<48xi32, #tpu.memory_space<vmem>>, vector<16xi32>,
          %swap3A_258 = vector.shape_cast %swap3A_257 : vector<16xi32> to vector<16xi32>
          %swap3A_259 = vector.shape_cast %and3A_255 : vector<16xi32> to vector<16xi32>
          tpu.vector_store %arg10[%swap3A_256], %swap3A_259 {strides = array<i32>} : memref<48xi32, #tpu.memory_space<vmem>>, vector<16xi32>,
          %shift_right_logical3A_260 = arith.constant 16 : i32
          %shift_right_logical3A_261 = vector.broadcast %shift_right_logical3A_260 : i32 to vector<16xi32>
          %shift_right_logical3A_262 = arith.shrui %get3A_254, %shift_right_logical3A_261 : vector<16xi32>
          %swap3A_263 = arith.constant 16 : index
          %swap3A_264 = tpu.vector_load %arg13[%swap3A_263] {strides = array<i32>} : memref<48xi32, #tpu.memory_space<vmem>>, vector<16xi32>,
          %swap3A_265 = vector.shape_cast %swap3A_264 : vector<16xi32> to vector<16xi32>
          %swap3A_266 = vector.shape_cast %shift_right_logical3A_262 : vector<16xi32> to vector<16xi32>
          tpu.vector_store %arg13[%swap3A_263], %swap3A_266 {strides = array<i32>} : memref<48xi32, #tpu.memory_space<vmem>>, vector<16xi32>,
          %mul3A_267 = arith.constant 48 : i32
          %mul3A_268 = arith.muli %add3A_228, %mul3A_267 : i32
          %add3A_269 = arith.constant 32 : i32
          %add3A_270 = arith.addi %mul3A_268, %add3A_269 : i32
          %get3A_271 = arith.index_cast %add3A_270 : i32 to index
          %get3A_272 = tpu.vector_load %arg7[%get3A_271] {strides = array<i32>} : memref<10000xi32, #tpu.memory_space<vmem>>, vector<16xi32>,
          %get3A_273 = vector.shape_cast %get3A_272 : vector<16xi32> to vector<16xi32>
          %and3A_274 = arith.andi %get3A_273, %broadcast_in_dim3A_3 : vector<16xi32>
          %swap3A_275 = arith.constant 32 : index
          %swap3A_276 = tpu.vector_load %arg10[%swap3A_275] {strides = array<i32>} : memref<48xi32, #tpu.memory_space<vmem>>, vector<16xi32>,
          %swap3A_277 = vector.shape_cast %swap3A_276 : vector<16xi32> to vector<16xi32>
          %swap3A_278 = vector.shape_cast %and3A_274 : vector<16xi32> to vector<16xi32>
          tpu.vector_store %arg10[%swap3A_275], %swap3A_278 {strides = array<i32>} : memref<48xi32, #tpu.memory_space<vmem>>, vector<16xi32>,
          %shift_right_logical3A_279 = arith.constant 16 : i32
          %shift_right_logical3A_280 = vector.broadcast %shift_right_logical3A_279 : i32 to vector<16xi32>
          %shift_right_logical3A_281 = arith.shrui %get3A_273, %shift_right_logical3A_280 : vector<16xi32>
          %swap3A_282 = arith.constant 32 : index
          %swap3A_283 = tpu.vector_load %arg13[%swap3A_282] {strides = array<i32>} : memref<48xi32, #tpu.memory_space<vmem>>, vector<16xi32>,
          %swap3A_284 = vector.shape_cast %swap3A_283 : vector<16xi32> to vector<16xi32>
          %swap3A_285 = vector.shape_cast %shift_right_logical3A_281 : vector<16xi32> to vector<16xi32>
          tpu.vector_store %arg13[%swap3A_282], %swap3A_285 {strides = array<i32>} : memref<48xi32, #tpu.memory_space<vmem>>, vector<16xi32>,
          %mul3A_286 = arith.constant 10000 : i32
          %mul3A_287 = arith.muli %add3A, %mul3A_286 : i32
          %mul3A_288 = arith.constant 48 : i32
          %mul3A_289 = arith.muli %add3A_228, %mul3A_288 : i32
          %add3A_290 = arith.addi %mul3A_287, %mul3A_289 : i32
          %dma_start3A_291 = arith.constant 0 : i32
          %dma_start3A_292 = tpu.memref_slice %arg2[%add3A_290, %dma_start3A_291] : memref<320000x128xf32, #tpu.memory_space<hbm>> -> memref<48x128xf32, #tpu.memory_space<hbm>>
          %dma_start3A_293 = arith.constant 0 : i32
          %dma_start3A_294 = tpu.memref_slice %arg2[%add3A_290, %dma_start3A_293] : memref<320000x128xf32, #tpu.memory_space<hbm>> -> memref<48x128xf32, #tpu.memory_space<hbm>>
          tpu.enqueue_dma source(%dma_start3A_294 : memref<48x128xf32, #tpu.memory_space<hbm>>) target(%arg18 : memref<48x128xf32, #tpu.memory_space<vmem>>) target_semaphore(%arg25 : memref<!tpu.dma_semaphore, #tpu.memory_space<semaphore_mem>>)
          %dma_start3A_295 = arith.constant 0 : i32
          %dma_start3A_296 = arith.constant 0 : i32
          %dma_start3A_297 = tpu.memref_slice %arg3[%dma_start3A_295, %dma_start3A_296] : memref<10000x128xf32, #tpu.memory_space<hbm>> -> memref<10000x128xf32, #tpu.memory_space<hbm>>
          tpu.enqueue_indirect_dma source(%dma_start3A_297 : memref<10000x128xf32, #tpu.memory_space<hbm>>) target(%arg21 : memref<48x128xf32, #tpu.memory_space<vmem>>) offsets(%arg10 : memref<48xi32, #tpu.memory_space<vmem>>) semaphore(%arg28 : memref<!tpu.dma_semaphore, #tpu.memory_space<semaphore_mem>>)
        } else {
        }
        %mul3A_206 = arith.constant 10000 : i32
        %mul3A_207 = arith.muli %add3A, %mul3A_206 : i32
        %mul3A_208 = arith.constant 48 : i32
        %mul3A_209 = arith.muli %scan3A_166, %mul3A_208 : i32
        %add3A_210 = arith.addi %mul3A_207, %mul3A_209 : i32
        %dma_wait3A_211 = arith.constant 0 : i32
        %dma_wait3A_212 = tpu.memref_slice %arg2[%add3A_210, %dma_wait3A_211] : memref<320000x128xf32, #tpu.memory_space<hbm>> -> memref<48x128xf32, #tpu.memory_space<hbm>>
        %dma_wait3A_213 = arith.constant 0 : i32
        %dma_wait3A_214 = tpu.memref_slice %arg2[%add3A_210, %dma_wait3A_213] : memref<320000x128xf32, #tpu.memory_space<hbm>> -> memref<48x128xf32, #tpu.memory_space<hbm>>
        tpu.wait_dma2 semaphore(%arg23 : memref<!tpu.dma_semaphore, #tpu.memory_space<semaphore_mem>>) src(%dma_wait3A_214 : memref<48x128xf32, #tpu.memory_space<hbm>>) dst(%arg16 : memref<48x128xf32, #tpu.memory_space<vmem>>)
        %dma_wait3A_215 = arith.constant 0 : i32
        %dma_wait3A_216 = arith.constant 0 : i32
        %dma_wait3A_217 = tpu.memref_slice %arg3[%dma_wait3A_215, %dma_wait3A_216] : memref<10000x128xf32, #tpu.memory_space<hbm>> -> memref<10000x128xf32, #tpu.memory_space<hbm>>
        tpu.wait_indirect_dma semaphore(%arg26 : memref<!tpu.dma_semaphore, #tpu.memory_space<semaphore_mem>>) src(%dma_wait3A_217 : memref<10000x128xf32, #tpu.memory_space<hbm>>) dst(%arg19 : memref<48x128xf32, #tpu.memory_space<vmem>>)
        %scan3A_218 = arith.constant 0 : i32
        %scan3A_219 = arith.constant 0 : i32
        %scan3A_220 = arith.constant 48 : i32
        %scan3A_221 = arith.addi %scan3A_219, %scan3A_220 : i32
        %scan3A_222 = arith.constant 1 : i32
        scf.for %scan3A_227 = %scan3A_219 to %scan3A_221 step %scan3A_222  : i32 {
          %get3A_228 = arith.index_cast %scan3A_227 : i32 to index
          %get3A_229 = arith.constant 0 : index
          %get3A_230 = tpu.vector_load %arg19[%get3A_228, %get3A_229] {strides = array<i32>} : memref<48x128xf32, #tpu.memory_space<vmem>>, vector<1x16xf32>,
          %get3A_231 = vector.shape_cast %get3A_230 : vector<1x16xf32> to vector<16xf32>
          %get3A_232 = arith.index_cast %scan3A_227 : i32 to index
          %get3A_233 = arith.constant 0 : index
          %get3A_234 = tpu.vector_load %arg16[%get3A_232, %get3A_233] {strides = array<i32>} : memref<48x128xf32, #tpu.memory_space<vmem>>, vector<1x16xf32>,
          %get3A_235 = vector.shape_cast %get3A_234 : vector<1x16xf32> to vector<16xf32>
          %mul3A_236 = arith.mulf %get3A_231, %get3A_235 : vector<16xf32>
          %swap3A_237 = arith.index_cast %scan3A_227 : i32 to index
          %swap3A_238 = arith.constant 0 : index
          %swap3A_239 = tpu.vector_load %arg19[%swap3A_237, %swap3A_238] {strides = array<i32>} : memref<48x128xf32, #tpu.memory_space<vmem>>, vector<1x16xf32>,
          %swap3A_240 = vector.shape_cast %swap3A_239 : vector<1x16xf32> to vector<16xf32>
          %swap3A_241 = vector.shape_cast %mul3A_236 : vector<16xf32> to vector<1x16xf32>
          tpu.vector_store %arg19[%swap3A_237, %swap3A_238], %swap3A_241 {strides = array<i32>} : memref<48x128xf32, #tpu.memory_space<vmem>>, vector<1x16xf32>,
          %get3A_242 = arith.index_cast %scan3A_227 : i32 to index
          %get3A_243 = arith.constant 16 : index
          %get3A_244 = tpu.vector_load %arg19[%get3A_242, %get3A_243] {strides = array<i32>} : memref<48x128xf32, #tpu.memory_space<vmem>>, vector<1x16xf32>,
          %get3A_245 = vector.shape_cast %get3A_244 : vector<1x16xf32> to vector<16xf32>
          %get3A_246 = arith.index_cast %scan3A_227 : i32 to index
          %get3A_247 = arith.constant 16 : index
          %get3A_248 = tpu.vector_load %arg16[%get3A_246, %get3A_247] {strides = array<i32>} : memref<48x128xf32, #tpu.memory_space<vmem>>, vector<1x16xf32>,
          %get3A_249 = vector.shape_cast %get3A_248 : vector<1x16xf32> to vector<16xf32>
          %mul3A_250 = arith.mulf %get3A_245, %get3A_249 : vector<16xf32>
          %swap3A_251 = arith.index_cast %scan3A_227 : i32 to index
          %swap3A_252 = arith.constant 16 : index
          %swap3A_253 = tpu.vector_load %arg19[%swap3A_251, %swap3A_252] {strides = array<i32>} : memref<48x128xf32, #tpu.memory_space<vmem>>, vector<1x16xf32>,
          %swap3A_254 = vector.shape_cast %swap3A_253 : vector<1x16xf32> to vector<16xf32>
          %swap3A_255 = vector.shape_cast %mul3A_250 : vector<16xf32> to vector<1x16xf32>
          tpu.vector_store %arg19[%swap3A_251, %swap3A_252], %swap3A_255 {strides = array<i32>} : memref<48x128xf32, #tpu.memory_space<vmem>>, vector<1x16xf32>,
          %get3A_256 = arith.index_cast %scan3A_227 : i32 to index
          %get3A_257 = arith.constant 32 : index
          %get3A_258 = tpu.vector_load %arg19[%get3A_256, %get3A_257] {strides = array<i32>} : memref<48x128xf32, #tpu.memory_space<vmem>>, vector<1x16xf32>,
          %get3A_259 = vector.shape_cast %get3A_258 : vector<1x16xf32> to vector<16xf32>
          %get3A_260 = arith.index_cast %scan3A_227 : i32 to index
          %get3A_261 = arith.constant 32 : index
          %get3A_262 = tpu.vector_load %arg16[%get3A_260, %get3A_261] {strides = array<i32>} : memref<48x128xf32, #tpu.memory_space<vmem>>, vector<1x16xf32>,
          %get3A_263 = vector.shape_cast %get3A_262 : vector<1x16xf32> to vector<16xf32>
          %mul3A_264 = arith.mulf %get3A_259, %get3A_263 : vector<16xf32>
          %swap3A_265 = arith.index_cast %scan3A_227 : i32 to index
          %swap3A_266 = arith.constant 32 : index
          %swap3A_267 = tpu.vector_load %arg19[%swap3A_265, %swap3A_266] {strides = array<i32>} : memref<48x128xf32, #tpu.memory_space<vmem>>, vector<1x16xf32>,
          %swap3A_268 = vector.shape_cast %swap3A_267 : vector<1x16xf32> to vector<16xf32>
          %swap3A_269 = vector.shape_cast %mul3A_264 : vector<16xf32> to vector<1x16xf32>
          tpu.vector_store %arg19[%swap3A_265, %swap3A_266], %swap3A_269 {strides = array<i32>} : memref<48x128xf32, #tpu.memory_space<vmem>>, vector<1x16xf32>,
          %get3A_270 = arith.index_cast %scan3A_227 : i32 to index
          %get3A_271 = arith.constant 48 : index
          %get3A_272 = tpu.vector_load %arg19[%get3A_270, %get3A_271] {strides = array<i32>} : memref<48x128xf32, #tpu.memory_space<vmem>>, vector<1x16xf32>,
          %get3A_273 = vector.shape_cast %get3A_272 : vector<1x16xf32> to vector<16xf32>
          %get3A_274 = arith.index_cast %scan3A_227 : i32 to index
          %get3A_275 = arith.constant 48 : index
          %get3A_276 = tpu.vector_load %arg16[%get3A_274, %get3A_275] {strides = array<i32>} : memref<48x128xf32, #tpu.memory_space<vmem>>, vector<1x16xf32>,
          %get3A_277 = vector.shape_cast %get3A_276 : vector<1x16xf32> to vector<16xf32>
          %mul3A_278 = arith.mulf %get3A_273, %get3A_277 : vector<16xf32>
          %swap3A_279 = arith.index_cast %scan3A_227 : i32 to index
          %swap3A_280 = arith.constant 48 : index
          %swap3A_281 = tpu.vector_load %arg19[%swap3A_279, %swap3A_280] {strides = array<i32>} : memref<48x128xf32, #tpu.memory_space<vmem>>, vector<1x16xf32>,
          %swap3A_282 = vector.shape_cast %swap3A_281 : vector<1x16xf32> to vector<16xf32>
          %swap3A_283 = vector.shape_cast %mul3A_278 : vector<16xf32> to vector<1x16xf32>
          tpu.vector_store %arg19[%swap3A_279, %swap3A_280], %swap3A_283 {strides = array<i32>} : memref<48x128xf32, #tpu.memory_space<vmem>>, vector<1x16xf32>,
          %get3A_284 = arith.index_cast %scan3A_227 : i32 to index
          %get3A_285 = arith.constant 64 : index
          %get3A_286 = tpu.vector_load %arg19[%get3A_284, %get3A_285] {strides = array<i32>} : memref<48x128xf32, #tpu.memory_space<vmem>>, vector<1x16xf32>,
          %get3A_287 = vector.shape_cast %get3A_286 : vector<1x16xf32> to vector<16xf32>
          %get3A_288 = arith.index_cast %scan3A_227 : i32 to index
          %get3A_289 = arith.constant 64 : index
          %get3A_290 = tpu.vector_load %arg16[%get3A_288, %get3A_289] {strides = array<i32>} : memref<48x128xf32, #tpu.memory_space<vmem>>, vector<1x16xf32>,
          %get3A_291 = vector.shape_cast %get3A_290 : vector<1x16xf32> to vector<16xf32>
          %mul3A_292 = arith.mulf %get3A_287, %get3A_291 : vector<16xf32>
          %swap3A_293 = arith.index_cast %scan3A_227 : i32 to index
          %swap3A_294 = arith.constant 64 : index
          %swap3A_295 = tpu.vector_load %arg19[%swap3A_293, %swap3A_294] {strides = array<i32>} : memref<48x128xf32, #tpu.memory_space<vmem>>, vector<1x16xf32>,
          %swap3A_296 = vector.shape_cast %swap3A_295 : vector<1x16xf32> to vector<16xf32>
          %swap3A_297 = vector.shape_cast %mul3A_292 : vector<16xf32> to vector<1x16xf32>
          tpu.vector_store %arg19[%swap3A_293, %swap3A_294], %swap3A_297 {strides = array<i32>} : memref<48x128xf32, #tpu.memory_space<vmem>>, vector<1x16xf32>,
          %get3A_298 = arith.index_cast %scan3A_227 : i32 to index
          %get3A_299 = arith.constant 80 : index
          %get3A_300 = tpu.vector_load %arg19[%get3A_298, %get3A_299] {strides = array<i32>} : memref<48x128xf32, #tpu.memory_space<vmem>>, vector<1x16xf32>,
          %get3A_301 = vector.shape_cast %get3A_300 : vector<1x16xf32> to vector<16xf32>
          %get3A_302 = arith.index_cast %scan3A_227 : i32 to index
          %get3A_303 = arith.constant 80 : index
          %get3A_304 = tpu.vector_load %arg16[%get3A_302, %get3A_303] {strides = array<i32>} : memref<48x128xf32, #tpu.memory_space<vmem>>, vector<1x16xf32>,
          %get3A_305 = vector.shape_cast %get3A_304 : vector<1x16xf32> to vector<16xf32>
          %mul3A_306 = arith.mulf %get3A_301, %get3A_305 : vector<16xf32>
          %swap3A_307 = arith.index_cast %scan3A_227 : i32 to index
          %swap3A_308 = arith.constant 80 : index
          %swap3A_309 = tpu.vector_load %arg19[%swap3A_307, %swap3A_308] {strides = array<i32>} : memref<48x128xf32, #tpu.memory_space<vmem>>, vector<1x16xf32>,
          %swap3A_310 = vector.shape_cast %swap3A_309 : vector<1x16xf32> to vector<16xf32>
          %swap3A_311 = vector.shape_cast %mul3A_306 : vector<16xf32> to vector<1x16xf32>
          tpu.vector_store %arg19[%swap3A_307, %swap3A_308], %swap3A_311 {strides = array<i32>} : memref<48x128xf32, #tpu.memory_space<vmem>>, vector<1x16xf32>,
          %get3A_312 = arith.index_cast %scan3A_227 : i32 to index
          %get3A_313 = arith.constant 96 : index
          %get3A_314 = tpu.vector_load %arg19[%get3A_312, %get3A_313] {strides = array<i32>} : memref<48x128xf32, #tpu.memory_space<vmem>>, vector<1x16xf32>,
          %get3A_315 = vector.shape_cast %get3A_314 : vector<1x16xf32> to vector<16xf32>
          %get3A_316 = arith.index_cast %scan3A_227 : i32 to index
          %get3A_317 = arith.constant 96 : index
          %get3A_318 = tpu.vector_load %arg16[%get3A_316, %get3A_317] {strides = array<i32>} : memref<48x128xf32, #tpu.memory_space<vmem>>, vector<1x16xf32>,
          %get3A_319 = vector.shape_cast %get3A_318 : vector<1x16xf32> to vector<16xf32>
          %mul3A_320 = arith.mulf %get3A_315, %get3A_319 : vector<16xf32>
          %swap3A_321 = arith.index_cast %scan3A_227 : i32 to index
          %swap3A_322 = arith.constant 96 : index
          %swap3A_323 = tpu.vector_load %arg19[%swap3A_321, %swap3A_322] {strides = array<i32>} : memref<48x128xf32, #tpu.memory_space<vmem>>, vector<1x16xf32>,
          %swap3A_324 = vector.shape_cast %swap3A_323 : vector<1x16xf32> to vector<16xf32>
          %swap3A_325 = vector.shape_cast %mul3A_320 : vector<16xf32> to vector<1x16xf32>
          tpu.vector_store %arg19[%swap3A_321, %swap3A_322], %swap3A_325 {strides = array<i32>} : memref<48x128xf32, #tpu.memory_space<vmem>>, vector<1x16xf32>,
          %get3A_326 = arith.index_cast %scan3A_227 : i32 to index
          %get3A_327 = arith.constant 112 : index
          %get3A_328 = tpu.vector_load %arg19[%get3A_326, %get3A_327] {strides = array<i32>} : memref<48x128xf32, #tpu.memory_space<vmem>>, vector<1x16xf32>,
          %get3A_329 = vector.shape_cast %get3A_328 : vector<1x16xf32> to vector<16xf32>
          %get3A_330 = arith.index_cast %scan3A_227 : i32 to index
          %get3A_331 = arith.constant 112 : index
          %get3A_332 = tpu.vector_load %arg16[%get3A_330, %get3A_331] {strides = array<i32>} : memref<48x128xf32, #tpu.memory_space<vmem>>, vector<1x16xf32>,
          %get3A_333 = vector.shape_cast %get3A_332 : vector<1x16xf32> to vector<16xf32>
          %mul3A_334 = arith.mulf %get3A_329, %get3A_333 : vector<16xf32>
          %swap3A_335 = arith.index_cast %scan3A_227 : i32 to index
          %swap3A_336 = arith.constant 112 : index
          %swap3A_337 = tpu.vector_load %arg19[%swap3A_335, %swap3A_336] {strides = array<i32>} : memref<48x128xf32, #tpu.memory_space<vmem>>, vector<1x16xf32>,
          %swap3A_338 = vector.shape_cast %swap3A_337 : vector<1x16xf32> to vector<16xf32>
          %swap3A_339 = vector.shape_cast %mul3A_334 : vector<16xf32> to vector<1x16xf32>
          tpu.vector_store %arg19[%swap3A_335, %swap3A_336], %swap3A_339 {strides = array<i32>} : memref<48x128xf32, #tpu.memory_space<vmem>>, vector<1x16xf32>,
        }
        %scan3A_223 = arith.constant 48 : i32
        %dma_start3A_224 = arith.constant 0 : i32
        %dma_start3A_225 = arith.constant 0 : i32
        %dma_start3A_226 = tpu.memref_slice %arg22[%dma_start3A_224, %dma_start3A_225] : memref<10112x128xf32, #tpu.memory_space<vmem_shared>> -> memref<10112x128xf32, #tpu.memory_space<vmem_shared>>
        tpu.enqueue_indirect_dma source(%arg19 : memref<48x128xf32, #tpu.memory_space<vmem>>) target(%dma_start3A_226 : memref<10112x128xf32, #tpu.memory_space<vmem_shared>>) offsets(%arg11 : memref<48xi32, #tpu.memory_space<vmem>>) semaphore(%arg29 : memref<!tpu.dma_semaphore, #tpu.memory_space<semaphore_mem>>) {add = true}
      } else {
      }
      %eq3A_180 = arith.constant 1 : i32
      %eq3A_181 = arith.cmpi eq, %select_n3A_176, %eq3A_180 : i32
      %convert_element_type3A_182 = arith.extui %eq3A_181 : i1 to i32
      %cond3A_183 = arith.constant 0 : i32
      %cond3A_184 = arith.cmpi ne, %convert_element_type3A_182, %cond3A_183 : i32
      scf.if %cond3A_184 {
        %ge3A = arith.constant 1 : i32
        %ge3A_190 = arith.cmpi sge, %scan3A_166, %ge3A : i32
        %add3A_191 = arith.constant 2 : i32
        %add3A_192 = arith.addi %scan3A_166, %add3A_191 : i32
        %lt3A_193 = arith.constant 208 : i32
        %lt3A_194 = arith.cmpi slt, %add3A_192, %lt3A_193 : i32
        %and3A_195 = arith.andi %ge3A_190, %lt3A_194 : i1
        %convert_element_type3A_196 = arith.extui %and3A_195 : i1 to i32
        %cond3A_197 = arith.constant 0 : i32
        %cond3A_198 = arith.cmpi ne, %convert_element_type3A_196, %cond3A_197 : i32
        scf.if %cond3A_198 {
          %dma_wait3A_227 = arith.constant 0 : i32
          %dma_wait3A_228 = arith.constant 0 : i32
          %dma_wait3A_229 = tpu.memref_slice %arg22[%dma_wait3A_227, %dma_wait3A_228] : memref<10112x128xf32, #tpu.memory_space<vmem_shared>> -> memref<10112x128xf32, #tpu.memory_space<vmem_shared>>
          tpu.wait_indirect_dma semaphore(%arg29 : memref<!tpu.dma_semaphore, #tpu.memory_space<semaphore_mem>>) src(%arg19 : memref<48x128xf32, #tpu.memory_space<vmem>>) dst(%dma_wait3A_229 : memref<10112x128xf32, #tpu.memory_space<vmem_shared>>)
        } else {
        }
        %add3A_199 = arith.constant 2 : i32
        %add3A_200 = arith.addi %scan3A_166, %add3A_199 : i32
        %lt3A_201 = arith.constant 208 : i32
        %lt3A_202 = arith.cmpi slt, %add3A_200, %lt3A_201 : i32
        %convert_element_type3A_203 = arith.extui %lt3A_202 : i1 to i32
        %cond3A_204 = arith.constant 0 : i32
        %cond3A_205 = arith.cmpi ne, %convert_element_type3A_203, %cond3A_204 : i32
        scf.if %cond3A_205 {
          %add3A_227 = arith.constant 2 : i32
          %add3A_228 = arith.addi %scan3A_166, %add3A_227 : i32
          %mul3A_229 = arith.constant 48 : i32
          %mul3A_230 = arith.muli %add3A_228, %mul3A_229 : i32
          %add3A_231 = arith.constant 0 : i32
          %add3A_232 = arith.addi %mul3A_230, %add3A_231 : i32
          %get3A_233 = arith.index_cast %add3A_232 : i32 to index
          %get3A_234 = tpu.vector_load %arg7[%get3A_233] {strides = array<i32>} : memref<10000xi32, #tpu.memory_space<vmem>>, vector<16xi32>,
          %get3A_235 = vector.shape_cast %get3A_234 : vector<16xi32> to vector<16xi32>
          %and3A_236 = arith.andi %get3A_235, %broadcast_in_dim3A_3 : vector<16xi32>
          %swap3A_237 = arith.constant 0 : index
          %swap3A_238 = tpu.vector_load %arg8[%swap3A_237] {strides = array<i32>} : memref<48xi32, #tpu.memory_space<vmem>>, vector<16xi32>,
          %swap3A_239 = vector.shape_cast %swap3A_238 : vector<16xi32> to vector<16xi32>
          %swap3A_240 = vector.shape_cast %and3A_236 : vector<16xi32> to vector<16xi32>
          tpu.vector_store %arg8[%swap3A_237], %swap3A_240 {strides = array<i32>} : memref<48xi32, #tpu.memory_space<vmem>>, vector<16xi32>,
          %shift_right_logical3A_241 = arith.constant 16 : i32
          %shift_right_logical3A_242 = vector.broadcast %shift_right_logical3A_241 : i32 to vector<16xi32>
          %shift_right_logical3A_243 = arith.shrui %get3A_235, %shift_right_logical3A_242 : vector<16xi32>
          %swap3A_244 = arith.constant 0 : index
          %swap3A_245 = tpu.vector_load %arg11[%swap3A_244] {strides = array<i32>} : memref<48xi32, #tpu.memory_space<vmem>>, vector<16xi32>,
          %swap3A_246 = vector.shape_cast %swap3A_245 : vector<16xi32> to vector<16xi32>
          %swap3A_247 = vector.shape_cast %shift_right_logical3A_243 : vector<16xi32> to vector<16xi32>
          tpu.vector_store %arg11[%swap3A_244], %swap3A_247 {strides = array<i32>} : memref<48xi32, #tpu.memory_space<vmem>>, vector<16xi32>,
          %mul3A_248 = arith.constant 48 : i32
          %mul3A_249 = arith.muli %add3A_228, %mul3A_248 : i32
          %add3A_250 = arith.constant 16 : i32
          %add3A_251 = arith.addi %mul3A_249, %add3A_250 : i32
          %get3A_252 = arith.index_cast %add3A_251 : i32 to index
          %get3A_253 = tpu.vector_load %arg7[%get3A_252] {strides = array<i32>} : memref<10000xi32, #tpu.memory_space<vmem>>, vector<16xi32>,
          %get3A_254 = vector.shape_cast %get3A_253 : vector<16xi32> to vector<16xi32>
          %and3A_255 = arith.andi %get3A_254, %broadcast_in_dim3A_3 : vector<16xi32>
          %swap3A_256 = arith.constant 16 : index
          %swap3A_257 = tpu.vector_load %arg8[%swap3A_256] {strides = array<i32>} : memref<48xi32, #tpu.memory_space<vmem>>, vector<16xi32>,
          %swap3A_258 = vector.shape_cast %swap3A_257 : vector<16xi32> to vector<16xi32>
          %swap3A_259 = vector.shape_cast %and3A_255 : vector<16xi32> to vector<16xi32>
          tpu.vector_store %arg8[%swap3A_256], %swap3A_259 {strides = array<i32>} : memref<48xi32, #tpu.memory_space<vmem>>, vector<16xi32>,
          %shift_right_logical3A_260 = arith.constant 16 : i32
          %shift_right_logical3A_261 = vector.broadcast %shift_right_logical3A_260 : i32 to vector<16xi32>
          %shift_right_logical3A_262 = arith.shrui %get3A_254, %shift_right_logical3A_261 : vector<16xi32>
          %swap3A_263 = arith.constant 16 : index
          %swap3A_264 = tpu.vector_load %arg11[%swap3A_263] {strides = array<i32>} : memref<48xi32, #tpu.memory_space<vmem>>, vector<16xi32>,
          %swap3A_265 = vector.shape_cast %swap3A_264 : vector<16xi32> to vector<16xi32>
          %swap3A_266 = vector.shape_cast %shift_right_logical3A_262 : vector<16xi32> to vector<16xi32>
          tpu.vector_store %arg11[%swap3A_263], %swap3A_266 {strides = array<i32>} : memref<48xi32, #tpu.memory_space<vmem>>, vector<16xi32>,
          %mul3A_267 = arith.constant 48 : i32
          %mul3A_268 = arith.muli %add3A_228, %mul3A_267 : i32
          %add3A_269 = arith.constant 32 : i32
          %add3A_270 = arith.addi %mul3A_268, %add3A_269 : i32
          %get3A_271 = arith.index_cast %add3A_270 : i32 to index
          %get3A_272 = tpu.vector_load %arg7[%get3A_271] {strides = array<i32>} : memref<10000xi32, #tpu.memory_space<vmem>>, vector<16xi32>,
          %get3A_273 = vector.shape_cast %get3A_272 : vector<16xi32> to vector<16xi32>
          %and3A_274 = arith.andi %get3A_273, %broadcast_in_dim3A_3 : vector<16xi32>
          %swap3A_275 = arith.constant 32 : index
          %swap3A_276 = tpu.vector_load %arg8[%swap3A_275] {strides = array<i32>} : memref<48xi32, #tpu.memory_space<vmem>>, vector<16xi32>,
          %swap3A_277 = vector.shape_cast %swap3A_276 : vector<16xi32> to vector<16xi32>
          %swap3A_278 = vector.shape_cast %and3A_274 : vector<16xi32> to vector<16xi32>
          tpu.vector_store %arg8[%swap3A_275], %swap3A_278 {strides = array<i32>} : memref<48xi32, #tpu.memory_space<vmem>>, vector<16xi32>,
          %shift_right_logical3A_279 = arith.constant 16 : i32
          %shift_right_logical3A_280 = vector.broadcast %shift_right_logical3A_279 : i32 to vector<16xi32>
          %shift_right_logical3A_281 = arith.shrui %get3A_273, %shift_right_logical3A_280 : vector<16xi32>
          %swap3A_282 = arith.constant 32 : index
          %swap3A_283 = tpu.vector_load %arg11[%swap3A_282] {strides = array<i32>} : memref<48xi32, #tpu.memory_space<vmem>>, vector<16xi32>,
          %swap3A_284 = vector.shape_cast %swap3A_283 : vector<16xi32> to vector<16xi32>
          %swap3A_285 = vector.shape_cast %shift_right_logical3A_281 : vector<16xi32> to vector<16xi32>
          tpu.vector_store %arg11[%swap3A_282], %swap3A_285 {strides = array<i32>} : memref<48xi32, #tpu.memory_space<vmem>>, vector<16xi32>,
          %mul3A_286 = arith.constant 10000 : i32
          %mul3A_287 = arith.muli %add3A, %mul3A_286 : i32
          %mul3A_288 = arith.constant 48 : i32
          %mul3A_289 = arith.muli %add3A_228, %mul3A_288 : i32
          %add3A_290 = arith.addi %mul3A_287, %mul3A_289 : i32
          %dma_start3A_291 = arith.constant 0 : i32
          %dma_start3A_292 = tpu.memref_slice %arg2[%add3A_290, %dma_start3A_291] : memref<320000x128xf32, #tpu.memory_space<hbm>> -> memref<48x128xf32, #tpu.memory_space<hbm>>
          %dma_start3A_293 = arith.constant 0 : i32
          %dma_start3A_294 = tpu.memref_slice %arg2[%add3A_290, %dma_start3A_293] : memref<320000x128xf32, #tpu.memory_space<hbm>> -> memref<48x128xf32, #tpu.memory_space<hbm>>
          tpu.enqueue_dma source(%dma_start3A_294 : memref<48x128xf32, #tpu.memory_space<hbm>>) target(%arg16 : memref<48x128xf32, #tpu.memory_space<vmem>>) target_semaphore(%arg23 : memref<!tpu.dma_semaphore, #tpu.memory_space<semaphore_mem>>)
          %dma_start3A_295 = arith.constant 0 : i32
          %dma_start3A_296 = arith.constant 0 : i32
          %dma_start3A_297 = tpu.memref_slice %arg3[%dma_start3A_295, %dma_start3A_296] : memref<10000x128xf32, #tpu.memory_space<hbm>> -> memref<10000x128xf32, #tpu.memory_space<hbm>>
          tpu.enqueue_indirect_dma source(%dma_start3A_297 : memref<10000x128xf32, #tpu.memory_space<hbm>>) target(%arg19 : memref<48x128xf32, #tpu.memory_space<vmem>>) offsets(%arg8 : memref<48xi32, #tpu.memory_space<vmem>>) semaphore(%arg26 : memref<!tpu.dma_semaphore, #tpu.memory_space<semaphore_mem>>)
        } else {
        }
        %mul3A_206 = arith.constant 10000 : i32
        %mul3A_207 = arith.muli %add3A, %mul3A_206 : i32
        %mul3A_208 = arith.constant 48 : i32
        %mul3A_209 = arith.muli %scan3A_166, %mul3A_208 : i32
        %add3A_210 = arith.addi %mul3A_207, %mul3A_209 : i32
        %dma_wait3A_211 = arith.constant 0 : i32
        %dma_wait3A_212 = tpu.memref_slice %arg2[%add3A_210, %dma_wait3A_211] : memref<320000x128xf32, #tpu.memory_space<hbm>> -> memref<48x128xf32, #tpu.memory_space<hbm>>
        %dma_wait3A_213 = arith.constant 0 : i32
        %dma_wait3A_214 = tpu.memref_slice %arg2[%add3A_210, %dma_wait3A_213] : memref<320000x128xf32, #tpu.memory_space<hbm>> -> memref<48x128xf32, #tpu.memory_space<hbm>>
        tpu.wait_dma2 semaphore(%arg24 : memref<!tpu.dma_semaphore, #tpu.memory_space<semaphore_mem>>) src(%dma_wait3A_214 : memref<48x128xf32, #tpu.memory_space<hbm>>) dst(%arg17 : memref<48x128xf32, #tpu.memory_space<vmem>>)
        %dma_wait3A_215 = arith.constant 0 : i32
        %dma_wait3A_216 = arith.constant 0 : i32
        %dma_wait3A_217 = tpu.memref_slice %arg3[%dma_wait3A_215, %dma_wait3A_216] : memref<10000x128xf32, #tpu.memory_space<hbm>> -> memref<10000x128xf32, #tpu.memory_space<hbm>>
        tpu.wait_indirect_dma semaphore(%arg27 : memref<!tpu.dma_semaphore, #tpu.memory_space<semaphore_mem>>) src(%dma_wait3A_217 : memref<10000x128xf32, #tpu.memory_space<hbm>>) dst(%arg20 : memref<48x128xf32, #tpu.memory_space<vmem>>)
        %scan3A_218 = arith.constant 0 : i32
        %scan3A_219 = arith.constant 0 : i32
        %scan3A_220 = arith.constant 48 : i32
        %scan3A_221 = arith.addi %scan3A_219, %scan3A_220 : i32
        %scan3A_222 = arith.constant 1 : i32
        scf.for %scan3A_227 = %scan3A_219 to %scan3A_221 step %scan3A_222  : i32 {
          %get3A_228 = arith.index_cast %scan3A_227 : i32 to index
          %get3A_229 = arith.constant 0 : index
          %get3A_230 = tpu.vector_load %arg20[%get3A_228, %get3A_229] {strides = array<i32>} : memref<48x128xf32, #tpu.memory_space<vmem>>, vector<1x16xf32>,
          %get3A_231 = vector.shape_cast %get3A_230 : vector<1x16xf32> to vector<16xf32>
          %get3A_232 = arith.index_cast %scan3A_227 : i32 to index
          %get3A_233 = arith.constant 0 : index
          %get3A_234 = tpu.vector_load %arg17[%get3A_232, %get3A_233] {strides = array<i32>} : memref<48x128xf32, #tpu.memory_space<vmem>>, vector<1x16xf32>,
          %get3A_235 = vector.shape_cast %get3A_234 : vector<1x16xf32> to vector<16xf32>
          %mul3A_236 = arith.mulf %get3A_231, %get3A_235 : vector<16xf32>
          %swap3A_237 = arith.index_cast %scan3A_227 : i32 to index
          %swap3A_238 = arith.constant 0 : index
          %swap3A_239 = tpu.vector_load %arg20[%swap3A_237, %swap3A_238] {strides = array<i32>} : memref<48x128xf32, #tpu.memory_space<vmem>>, vector<1x16xf32>,
          %swap3A_240 = vector.shape_cast %swap3A_239 : vector<1x16xf32> to vector<16xf32>
          %swap3A_241 = vector.shape_cast %mul3A_236 : vector<16xf32> to vector<1x16xf32>
          tpu.vector_store %arg20[%swap3A_237, %swap3A_238], %swap3A_241 {strides = array<i32>} : memref<48x128xf32, #tpu.memory_space<vmem>>, vector<1x16xf32>,
          %get3A_242 = arith.index_cast %scan3A_227 : i32 to index
          %get3A_243 = arith.constant 16 : index
          %get3A_244 = tpu.vector_load %arg20[%get3A_242, %get3A_243] {strides = array<i32>} : memref<48x128xf32, #tpu.memory_space<vmem>>, vector<1x16xf32>,
          %get3A_245 = vector.shape_cast %get3A_244 : vector<1x16xf32> to vector<16xf32>
          %get3A_246 = arith.index_cast %scan3A_227 : i32 to index
          %get3A_247 = arith.constant 16 : index
          %get3A_248 = tpu.vector_load %arg17[%get3A_246, %get3A_247] {strides = array<i32>} : memref<48x128xf32, #tpu.memory_space<vmem>>, vector<1x16xf32>,
          %get3A_249 = vector.shape_cast %get3A_248 : vector<1x16xf32> to vector<16xf32>
          %mul3A_250 = arith.mulf %get3A_245, %get3A_249 : vector<16xf32>
          %swap3A_251 = arith.index_cast %scan3A_227 : i32 to index
          %swap3A_252 = arith.constant 16 : index
          %swap3A_253 = tpu.vector_load %arg20[%swap3A_251, %swap3A_252] {strides = array<i32>} : memref<48x128xf32, #tpu.memory_space<vmem>>, vector<1x16xf32>,
          %swap3A_254 = vector.shape_cast %swap3A_253 : vector<1x16xf32> to vector<16xf32>
          %swap3A_255 = vector.shape_cast %mul3A_250 : vector<16xf32> to vector<1x16xf32>
          tpu.vector_store %arg20[%swap3A_251, %swap3A_252], %swap3A_255 {strides = array<i32>} : memref<48x128xf32, #tpu.memory_space<vmem>>, vector<1x16xf32>,
          %get3A_256 = arith.index_cast %scan3A_227 : i32 to index
          %get3A_257 = arith.constant 32 : index
          %get3A_258 = tpu.vector_load %arg20[%get3A_256, %get3A_257] {strides = array<i32>} : memref<48x128xf32, #tpu.memory_space<vmem>>, vector<1x16xf32>,
          %get3A_259 = vector.shape_cast %get3A_258 : vector<1x16xf32> to vector<16xf32>
          %get3A_260 = arith.index_cast %scan3A_227 : i32 to index
          %get3A_261 = arith.constant 32 : index
          %get3A_262 = tpu.vector_load %arg17[%get3A_260, %get3A_261] {strides = array<i32>} : memref<48x128xf32, #tpu.memory_space<vmem>>, vector<1x16xf32>,
          %get3A_263 = vector.shape_cast %get3A_262 : vector<1x16xf32> to vector<16xf32>
          %mul3A_264 = arith.mulf %get3A_259, %get3A_263 : vector<16xf32>
          %swap3A_265 = arith.index_cast %scan3A_227 : i32 to index
          %swap3A_266 = arith.constant 32 : index
          %swap3A_267 = tpu.vector_load %arg20[%swap3A_265, %swap3A_266] {strides = array<i32>} : memref<48x128xf32, #tpu.memory_space<vmem>>, vector<1x16xf32>,
          %swap3A_268 = vector.shape_cast %swap3A_267 : vector<1x16xf32> to vector<16xf32>
          %swap3A_269 = vector.shape_cast %mul3A_264 : vector<16xf32> to vector<1x16xf32>
          tpu.vector_store %arg20[%swap3A_265, %swap3A_266], %swap3A_269 {strides = array<i32>} : memref<48x128xf32, #tpu.memory_space<vmem>>, vector<1x16xf32>,
          %get3A_270 = arith.index_cast %scan3A_227 : i32 to index
          %get3A_271 = arith.constant 48 : index
          %get3A_272 = tpu.vector_load %arg20[%get3A_270, %get3A_271] {strides = array<i32>} : memref<48x128xf32, #tpu.memory_space<vmem>>, vector<1x16xf32>,
          %get3A_273 = vector.shape_cast %get3A_272 : vector<1x16xf32> to vector<16xf32>
          %get3A_274 = arith.index_cast %scan3A_227 : i32 to index
          %get3A_275 = arith.constant 48 : index
          %get3A_276 = tpu.vector_load %arg17[%get3A_274, %get3A_275] {strides = array<i32>} : memref<48x128xf32, #tpu.memory_space<vmem>>, vector<1x16xf32>,
          %get3A_277 = vector.shape_cast %get3A_276 : vector<1x16xf32> to vector<16xf32>
          %mul3A_278 = arith.mulf %get3A_273, %get3A_277 : vector<16xf32>
          %swap3A_279 = arith.index_cast %scan3A_227 : i32 to index
          %swap3A_280 = arith.constant 48 : index
          %swap3A_281 = tpu.vector_load %arg20[%swap3A_279, %swap3A_280] {strides = array<i32>} : memref<48x128xf32, #tpu.memory_space<vmem>>, vector<1x16xf32>,
          %swap3A_282 = vector.shape_cast %swap3A_281 : vector<1x16xf32> to vector<16xf32>
          %swap3A_283 = vector.shape_cast %mul3A_278 : vector<16xf32> to vector<1x16xf32>
          tpu.vector_store %arg20[%swap3A_279, %swap3A_280], %swap3A_283 {strides = array<i32>} : memref<48x128xf32, #tpu.memory_space<vmem>>, vector<1x16xf32>,
          %get3A_284 = arith.index_cast %scan3A_227 : i32 to index
          %get3A_285 = arith.constant 64 : index
          %get3A_286 = tpu.vector_load %arg20[%get3A_284, %get3A_285] {strides = array<i32>} : memref<48x128xf32, #tpu.memory_space<vmem>>, vector<1x16xf32>,
          %get3A_287 = vector.shape_cast %get3A_286 : vector<1x16xf32> to vector<16xf32>
          %get3A_288 = arith.index_cast %scan3A_227 : i32 to index
          %get3A_289 = arith.constant 64 : index
          %get3A_290 = tpu.vector_load %arg17[%get3A_288, %get3A_289] {strides = array<i32>} : memref<48x128xf32, #tpu.memory_space<vmem>>, vector<1x16xf32>,
          %get3A_291 = vector.shape_cast %get3A_290 : vector<1x16xf32> to vector<16xf32>
          %mul3A_292 = arith.mulf %get3A_287, %get3A_291 : vector<16xf32>
          %swap3A_293 = arith.index_cast %scan3A_227 : i32 to index
          %swap3A_294 = arith.constant 64 : index
          %swap3A_295 = tpu.vector_load %arg20[%swap3A_293, %swap3A_294] {strides = array<i32>} : memref<48x128xf32, #tpu.memory_space<vmem>>, vector<1x16xf32>,
          %swap3A_296 = vector.shape_cast %swap3A_295 : vector<1x16xf32> to vector<16xf32>
          %swap3A_297 = vector.shape_cast %mul3A_292 : vector<16xf32> to vector<1x16xf32>
          tpu.vector_store %arg20[%swap3A_293, %swap3A_294], %swap3A_297 {strides = array<i32>} : memref<48x128xf32, #tpu.memory_space<vmem>>, vector<1x16xf32>,
          %get3A_298 = arith.index_cast %scan3A_227 : i32 to index
          %get3A_299 = arith.constant 80 : index
          %get3A_300 = tpu.vector_load %arg20[%get3A_298, %get3A_299] {strides = array<i32>} : memref<48x128xf32, #tpu.memory_space<vmem>>, vector<1x16xf32>,
          %get3A_301 = vector.shape_cast %get3A_300 : vector<1x16xf32> to vector<16xf32>
          %get3A_302 = arith.index_cast %scan3A_227 : i32 to index
          %get3A_303 = arith.constant 80 : index
          %get3A_304 = tpu.vector_load %arg17[%get3A_302, %get3A_303] {strides = array<i32>} : memref<48x128xf32, #tpu.memory_space<vmem>>, vector<1x16xf32>,
          %get3A_305 = vector.shape_cast %get3A_304 : vector<1x16xf32> to vector<16xf32>
          %mul3A_306 = arith.mulf %get3A_301, %get3A_305 : vector<16xf32>
          %swap3A_307 = arith.index_cast %scan3A_227 : i32 to index
          %swap3A_308 = arith.constant 80 : index
          %swap3A_309 = tpu.vector_load %arg20[%swap3A_307, %swap3A_308] {strides = array<i32>} : memref<48x128xf32, #tpu.memory_space<vmem>>, vector<1x16xf32>,
          %swap3A_310 = vector.shape_cast %swap3A_309 : vector<1x16xf32> to vector<16xf32>
          %swap3A_311 = vector.shape_cast %mul3A_306 : vector<16xf32> to vector<1x16xf32>
          tpu.vector_store %arg20[%swap3A_307, %swap3A_308], %swap3A_311 {strides = array<i32>} : memref<48x128xf32, #tpu.memory_space<vmem>>, vector<1x16xf32>,
          %get3A_312 = arith.index_cast %scan3A_227 : i32 to index
          %get3A_313 = arith.constant 96 : index
          %get3A_314 = tpu.vector_load %arg20[%get3A_312, %get3A_313] {strides = array<i32>} : memref<48x128xf32, #tpu.memory_space<vmem>>, vector<1x16xf32>,
          %get3A_315 = vector.shape_cast %get3A_314 : vector<1x16xf32> to vector<16xf32>
          %get3A_316 = arith.index_cast %scan3A_227 : i32 to index
          %get3A_317 = arith.constant 96 : index
          %get3A_318 = tpu.vector_load %arg17[%get3A_316, %get3A_317] {strides = array<i32>} : memref<48x128xf32, #tpu.memory_space<vmem>>, vector<1x16xf32>,
          %get3A_319 = vector.shape_cast %get3A_318 : vector<1x16xf32> to vector<16xf32>
          %mul3A_320 = arith.mulf %get3A_315, %get3A_319 : vector<16xf32>
          %swap3A_321 = arith.index_cast %scan3A_227 : i32 to index
          %swap3A_322 = arith.constant 96 : index
          %swap3A_323 = tpu.vector_load %arg20[%swap3A_321, %swap3A_322] {strides = array<i32>} : memref<48x128xf32, #tpu.memory_space<vmem>>, vector<1x16xf32>,
          %swap3A_324 = vector.shape_cast %swap3A_323 : vector<1x16xf32> to vector<16xf32>
          %swap3A_325 = vector.shape_cast %mul3A_320 : vector<16xf32> to vector<1x16xf32>
          tpu.vector_store %arg20[%swap3A_321, %swap3A_322], %swap3A_325 {strides = array<i32>} : memref<48x128xf32, #tpu.memory_space<vmem>>, vector<1x16xf32>,
          %get3A_326 = arith.index_cast %scan3A_227 : i32 to index
          %get3A_327 = arith.constant 112 : index
          %get3A_328 = tpu.vector_load %arg20[%get3A_326, %get3A_327] {strides = array<i32>} : memref<48x128xf32, #tpu.memory_space<vmem>>, vector<1x16xf32>,
          %get3A_329 = vector.shape_cast %get3A_328 : vector<1x16xf32> to vector<16xf32>
          %get3A_330 = arith.index_cast %scan3A_227 : i32 to index
          %get3A_331 = arith.constant 112 : index
          %get3A_332 = tpu.vector_load %arg17[%get3A_330, %get3A_331] {strides = array<i32>} : memref<48x128xf32, #tpu.memory_space<vmem>>, vector<1x16xf32>,
          %get3A_333 = vector.shape_cast %get3A_332 : vector<1x16xf32> to vector<16xf32>
          %mul3A_334 = arith.mulf %get3A_329, %get3A_333 : vector<16xf32>
          %swap3A_335 = arith.index_cast %scan3A_227 : i32 to index
          %swap3A_336 = arith.constant 112 : index
          %swap3A_337 = tpu.vector_load %arg20[%swap3A_335, %swap3A_336] {strides = array<i32>} : memref<48x128xf32, #tpu.memory_space<vmem>>, vector<1x16xf32>,
          %swap3A_338 = vector.shape_cast %swap3A_337 : vector<1x16xf32> to vector<16xf32>
          %swap3A_339 = vector.shape_cast %mul3A_334 : vector<16xf32> to vector<1x16xf32>
          tpu.vector_store %arg20[%swap3A_335, %swap3A_336], %swap3A_339 {strides = array<i32>} : memref<48x128xf32, #tpu.memory_space<vmem>>, vector<1x16xf32>,
        }
        %scan3A_223 = arith.constant 48 : i32
        %dma_start3A_224 = arith.constant 0 : i32
        %dma_start3A_225 = arith.constant 0 : i32
        %dma_start3A_226 = tpu.memref_slice %arg22[%dma_start3A_224, %dma_start3A_225] : memref<10112x128xf32, #tpu.memory_space<vmem_shared>> -> memref<10112x128xf32, #tpu.memory_space<vmem_shared>>
        tpu.enqueue_indirect_dma source(%arg20 : memref<48x128xf32, #tpu.memory_space<vmem>>) target(%dma_start3A_226 : memref<10112x128xf32, #tpu.memory_space<vmem_shared>>) offsets(%arg12 : memref<48xi32, #tpu.memory_space<vmem>>) semaphore(%arg30 : memref<!tpu.dma_semaphore, #tpu.memory_space<semaphore_mem>>) {add = true}
      } else {
      }
      %eq3A_185 = arith.constant 2 : i32
      %eq3A_186 = arith.cmpi eq, %select_n3A_176, %eq3A_185 : i32
      %convert_element_type3A_187 = arith.extui %eq3A_186 : i1 to i32
      %cond3A_188 = arith.constant 0 : i32
      %cond3A_189 = arith.cmpi ne, %convert_element_type3A_187, %cond3A_188 : i32
      scf.if %cond3A_189 {
        %ge3A = arith.constant 1 : i32
        %ge3A_190 = arith.cmpi sge, %scan3A_166, %ge3A : i32
        %add3A_191 = arith.constant 2 : i32
        %add3A_192 = arith.addi %scan3A_166, %add3A_191 : i32
        %lt3A_193 = arith.constant 208 : i32
        %lt3A_194 = arith.cmpi slt, %add3A_192, %lt3A_193 : i32
        %and3A_195 = arith.andi %ge3A_190, %lt3A_194 : i1
        %convert_element_type3A_196 = arith.extui %and3A_195 : i1 to i32
        %cond3A_197 = arith.constant 0 : i32
        %cond3A_198 = arith.cmpi ne, %convert_element_type3A_196, %cond3A_197 : i32
        scf.if %cond3A_198 {
          %dma_wait3A_227 = arith.constant 0 : i32
          %dma_wait3A_228 = arith.constant 0 : i32
          %dma_wait3A_229 = tpu.memref_slice %arg22[%dma_wait3A_227, %dma_wait3A_228] : memref<10112x128xf32, #tpu.memory_space<vmem_shared>> -> memref<10112x128xf32, #tpu.memory_space<vmem_shared>>
          tpu.wait_indirect_dma semaphore(%arg30 : memref<!tpu.dma_semaphore, #tpu.memory_space<semaphore_mem>>) src(%arg20 : memref<48x128xf32, #tpu.memory_space<vmem>>) dst(%dma_wait3A_229 : memref<10112x128xf32, #tpu.memory_space<vmem_shared>>)
        } else {
        }
        %add3A_199 = arith.constant 2 : i32
        %add3A_200 = arith.addi %scan3A_166, %add3A_199 : i32
        %lt3A_201 = arith.constant 208 : i32
        %lt3A_202 = arith.cmpi slt, %add3A_200, %lt3A_201 : i32
        %convert_element_type3A_203 = arith.extui %lt3A_202 : i1 to i32
        %cond3A_204 = arith.constant 0 : i32
        %cond3A_205 = arith.cmpi ne, %convert_element_type3A_203, %cond3A_204 : i32
        scf.if %cond3A_205 {
          %add3A_227 = arith.constant 2 : i32
          %add3A_228 = arith.addi %scan3A_166, %add3A_227 : i32
          %mul3A_229 = arith.constant 48 : i32
          %mul3A_230 = arith.muli %add3A_228, %mul3A_229 : i32
          %add3A_231 = arith.constant 0 : i32
          %add3A_232 = arith.addi %mul3A_230, %add3A_231 : i32
          %get3A_233 = arith.index_cast %add3A_232 : i32 to index
          %get3A_234 = tpu.vector_load %arg7[%get3A_233] {strides = array<i32>} : memref<10000xi32, #tpu.memory_space<vmem>>, vector<16xi32>,
          %get3A_235 = vector.shape_cast %get3A_234 : vector<16xi32> to vector<16xi32>
          %and3A_236 = arith.andi %get3A_235, %broadcast_in_dim3A_3 : vector<16xi32>
          %swap3A_237 = arith.constant 0 : index
          %swap3A_238 = tpu.vector_load %arg9[%swap3A_237] {strides = array<i32>} : memref<48xi32, #tpu.memory_space<vmem>>, vector<16xi32>,
          %swap3A_239 = vector.shape_cast %swap3A_238 : vector<16xi32> to vector<16xi32>
          %swap3A_240 = vector.shape_cast %and3A_236 : vector<16xi32> to vector<16xi32>
          tpu.vector_store %arg9[%swap3A_237], %swap3A_240 {strides = array<i32>} : memref<48xi32, #tpu.memory_space<vmem>>, vector<16xi32>,
          %shift_right_logical3A_241 = arith.constant 16 : i32
          %shift_right_logical3A_242 = vector.broadcast %shift_right_logical3A_241 : i32 to vector<16xi32>
          %shift_right_logical3A_243 = arith.shrui %get3A_235, %shift_right_logical3A_242 : vector<16xi32>
          %swap3A_244 = arith.constant 0 : index
          %swap3A_245 = tpu.vector_load %arg12[%swap3A_244] {strides = array<i32>} : memref<48xi32, #tpu.memory_space<vmem>>, vector<16xi32>,
          %swap3A_246 = vector.shape_cast %swap3A_245 : vector<16xi32> to vector<16xi32>
          %swap3A_247 = vector.shape_cast %shift_right_logical3A_243 : vector<16xi32> to vector<16xi32>
          tpu.vector_store %arg12[%swap3A_244], %swap3A_247 {strides = array<i32>} : memref<48xi32, #tpu.memory_space<vmem>>, vector<16xi32>,
          %mul3A_248 = arith.constant 48 : i32
          %mul3A_249 = arith.muli %add3A_228, %mul3A_248 : i32
          %add3A_250 = arith.constant 16 : i32
          %add3A_251 = arith.addi %mul3A_249, %add3A_250 : i32
          %get3A_252 = arith.index_cast %add3A_251 : i32 to index
          %get3A_253 = tpu.vector_load %arg7[%get3A_252] {strides = array<i32>} : memref<10000xi32, #tpu.memory_space<vmem>>, vector<16xi32>,
          %get3A_254 = vector.shape_cast %get3A_253 : vector<16xi32> to vector<16xi32>
          %and3A_255 = arith.andi %get3A_254, %broadcast_in_dim3A_3 : vector<16xi32>
          %swap3A_256 = arith.constant 16 : index
          %swap3A_257 = tpu.vector_load %arg9[%swap3A_256] {strides = array<i32>} : memref<48xi32, #tpu.memory_space<vmem>>, vector<16xi32>,
          %swap3A_258 = vector.shape_cast %swap3A_257 : vector<16xi32> to vector<16xi32>
          %swap3A_259 = vector.shape_cast %and3A_255 : vector<16xi32> to vector<16xi32>
          tpu.vector_store %arg9[%swap3A_256], %swap3A_259 {strides = array<i32>} : memref<48xi32, #tpu.memory_space<vmem>>, vector<16xi32>,
          %shift_right_logical3A_260 = arith.constant 16 : i32
          %shift_right_logical3A_261 = vector.broadcast %shift_right_logical3A_260 : i32 to vector<16xi32>
          %shift_right_logical3A_262 = arith.shrui %get3A_254, %shift_right_logical3A_261 : vector<16xi32>
          %swap3A_263 = arith.constant 16 : index
          %swap3A_264 = tpu.vector_load %arg12[%swap3A_263] {strides = array<i32>} : memref<48xi32, #tpu.memory_space<vmem>>, vector<16xi32>,
          %swap3A_265 = vector.shape_cast %swap3A_264 : vector<16xi32> to vector<16xi32>
          %swap3A_266 = vector.shape_cast %shift_right_logical3A_262 : vector<16xi32> to vector<16xi32>
          tpu.vector_store %arg12[%swap3A_263], %swap3A_266 {strides = array<i32>} : memref<48xi32, #tpu.memory_space<vmem>>, vector<16xi32>,
          %mul3A_267 = arith.constant 48 : i32
          %mul3A_268 = arith.muli %add3A_228, %mul3A_267 : i32
          %add3A_269 = arith.constant 32 : i32
          %add3A_270 = arith.addi %mul3A_268, %add3A_269 : i32
          %get3A_271 = arith.index_cast %add3A_270 : i32 to index
          %get3A_272 = tpu.vector_load %arg7[%get3A_271] {strides = array<i32>} : memref<10000xi32, #tpu.memory_space<vmem>>, vector<16xi32>,
          %get3A_273 = vector.shape_cast %get3A_272 : vector<16xi32> to vector<16xi32>
          %and3A_274 = arith.andi %get3A_273, %broadcast_in_dim3A_3 : vector<16xi32>
          %swap3A_275 = arith.constant 32 : index
          %swap3A_276 = tpu.vector_load %arg9[%swap3A_275] {strides = array<i32>} : memref<48xi32, #tpu.memory_space<vmem>>, vector<16xi32>,
          %swap3A_277 = vector.shape_cast %swap3A_276 : vector<16xi32> to vector<16xi32>
          %swap3A_278 = vector.shape_cast %and3A_274 : vector<16xi32> to vector<16xi32>
          tpu.vector_store %arg9[%swap3A_275], %swap3A_278 {strides = array<i32>} : memref<48xi32, #tpu.memory_space<vmem>>, vector<16xi32>,
          %shift_right_logical3A_279 = arith.constant 16 : i32
          %shift_right_logical3A_280 = vector.broadcast %shift_right_logical3A_279 : i32 to vector<16xi32>
          %shift_right_logical3A_281 = arith.shrui %get3A_273, %shift_right_logical3A_280 : vector<16xi32>
          %swap3A_282 = arith.constant 32 : index
          %swap3A_283 = tpu.vector_load %arg12[%swap3A_282] {strides = array<i32>} : memref<48xi32, #tpu.memory_space<vmem>>, vector<16xi32>,
          %swap3A_284 = vector.shape_cast %swap3A_283 : vector<16xi32> to vector<16xi32>
          %swap3A_285 = vector.shape_cast %shift_right_logical3A_281 : vector<16xi32> to vector<16xi32>
          tpu.vector_store %arg12[%swap3A_282], %swap3A_285 {strides = array<i32>} : memref<48xi32, #tpu.memory_space<vmem>>, vector<16xi32>,
          %mul3A_286 = arith.constant 10000 : i32
          %mul3A_287 = arith.muli %add3A, %mul3A_286 : i32
          %mul3A_288 = arith.constant 48 : i32
          %mul3A_289 = arith.muli %add3A_228, %mul3A_288 : i32
          %add3A_290 = arith.addi %mul3A_287, %mul3A_289 : i32
          %dma_start3A_291 = arith.constant 0 : i32
          %dma_start3A_292 = tpu.memref_slice %arg2[%add3A_290, %dma_start3A_291] : memref<320000x128xf32, #tpu.memory_space<hbm>> -> memref<48x128xf32, #tpu.memory_space<hbm>>
          %dma_start3A_293 = arith.constant 0 : i32
          %dma_start3A_294 = tpu.memref_slice %arg2[%add3A_290, %dma_start3A_293] : memref<320000x128xf32, #tpu.memory_space<hbm>> -> memref<48x128xf32, #tpu.memory_space<hbm>>
          tpu.enqueue_dma source(%dma_start3A_294 : memref<48x128xf32, #tpu.memory_space<hbm>>) target(%arg17 : memref<48x128xf32, #tpu.memory_space<vmem>>) target_semaphore(%arg24 : memref<!tpu.dma_semaphore, #tpu.memory_space<semaphore_mem>>)
          %dma_start3A_295 = arith.constant 0 : i32
          %dma_start3A_296 = arith.constant 0 : i32
          %dma_start3A_297 = tpu.memref_slice %arg3[%dma_start3A_295, %dma_start3A_296] : memref<10000x128xf32, #tpu.memory_space<hbm>> -> memref<10000x128xf32, #tpu.memory_space<hbm>>
          tpu.enqueue_indirect_dma source(%dma_start3A_297 : memref<10000x128xf32, #tpu.memory_space<hbm>>) target(%arg20 : memref<48x128xf32, #tpu.memory_space<vmem>>) offsets(%arg9 : memref<48xi32, #tpu.memory_space<vmem>>) semaphore(%arg27 : memref<!tpu.dma_semaphore, #tpu.memory_space<semaphore_mem>>)
        } else {
        }
        %mul3A_206 = arith.constant 10000 : i32
        %mul3A_207 = arith.muli %add3A, %mul3A_206 : i32
        %mul3A_208 = arith.constant 48 : i32
        %mul3A_209 = arith.muli %scan3A_166, %mul3A_208 : i32
        %add3A_210 = arith.addi %mul3A_207, %mul3A_209 : i32
        %dma_wait3A_211 = arith.constant 0 : i32
        %dma_wait3A_212 = tpu.memref_slice %arg2[%add3A_210, %dma_wait3A_211] : memref<320000x128xf32, #tpu.memory_space<hbm>> -> memref<48x128xf32, #tpu.memory_space<hbm>>
        %dma_wait3A_213 = arith.constant 0 : i32
        %dma_wait3A_214 = tpu.memref_slice %arg2[%add3A_210, %dma_wait3A_213] : memref<320000x128xf32, #tpu.memory_space<hbm>> -> memref<48x128xf32, #tpu.memory_space<hbm>>
        tpu.wait_dma2 semaphore(%arg25 : memref<!tpu.dma_semaphore, #tpu.memory_space<semaphore_mem>>) src(%dma_wait3A_214 : memref<48x128xf32, #tpu.memory_space<hbm>>) dst(%arg18 : memref<48x128xf32, #tpu.memory_space<vmem>>)
        %dma_wait3A_215 = arith.constant 0 : i32
        %dma_wait3A_216 = arith.constant 0 : i32
        %dma_wait3A_217 = tpu.memref_slice %arg3[%dma_wait3A_215, %dma_wait3A_216] : memref<10000x128xf32, #tpu.memory_space<hbm>> -> memref<10000x128xf32, #tpu.memory_space<hbm>>
        tpu.wait_indirect_dma semaphore(%arg28 : memref<!tpu.dma_semaphore, #tpu.memory_space<semaphore_mem>>) src(%dma_wait3A_217 : memref<10000x128xf32, #tpu.memory_space<hbm>>) dst(%arg21 : memref<48x128xf32, #tpu.memory_space<vmem>>)
        %scan3A_218 = arith.constant 0 : i32
        %scan3A_219 = arith.constant 0 : i32
        %scan3A_220 = arith.constant 48 : i32
        %scan3A_221 = arith.addi %scan3A_219, %scan3A_220 : i32
        %scan3A_222 = arith.constant 1 : i32
        scf.for %scan3A_227 = %scan3A_219 to %scan3A_221 step %scan3A_222  : i32 {
          %get3A_228 = arith.index_cast %scan3A_227 : i32 to index
          %get3A_229 = arith.constant 0 : index
          %get3A_230 = tpu.vector_load %arg21[%get3A_228, %get3A_229] {strides = array<i32>} : memref<48x128xf32, #tpu.memory_space<vmem>>, vector<1x16xf32>,
          %get3A_231 = vector.shape_cast %get3A_230 : vector<1x16xf32> to vector<16xf32>
          %get3A_232 = arith.index_cast %scan3A_227 : i32 to index
          %get3A_233 = arith.constant 0 : index
          %get3A_234 = tpu.vector_load %arg18[%get3A_232, %get3A_233] {strides = array<i32>} : memref<48x128xf32, #tpu.memory_space<vmem>>, vector<1x16xf32>,
          %get3A_235 = vector.shape_cast %get3A_234 : vector<1x16xf32> to vector<16xf32>
          %mul3A_236 = arith.mulf %get3A_231, %get3A_235 : vector<16xf32>
          %swap3A_237 = arith.index_cast %scan3A_227 : i32 to index
          %swap3A_238 = arith.constant 0 : index
          %swap3A_239 = tpu.vector_load %arg21[%swap3A_237, %swap3A_238] {strides = array<i32>} : memref<48x128xf32, #tpu.memory_space<vmem>>, vector<1x16xf32>,
          %swap3A_240 = vector.shape_cast %swap3A_239 : vector<1x16xf32> to vector<16xf32>
          %swap3A_241 = vector.shape_cast %mul3A_236 : vector<16xf32> to vector<1x16xf32>
          tpu.vector_store %arg21[%swap3A_237, %swap3A_238], %swap3A_241 {strides = array<i32>} : memref<48x128xf32, #tpu.memory_space<vmem>>, vector<1x16xf32>,
          %get3A_242 = arith.index_cast %scan3A_227 : i32 to index
          %get3A_243 = arith.constant 16 : index
          %get3A_244 = tpu.vector_load %arg21[%get3A_242, %get3A_243] {strides = array<i32>} : memref<48x128xf32, #tpu.memory_space<vmem>>, vector<1x16xf32>,
          %get3A_245 = vector.shape_cast %get3A_244 : vector<1x16xf32> to vector<16xf32>
          %get3A_246 = arith.index_cast %scan3A_227 : i32 to index
          %get3A_247 = arith.constant 16 : index
          %get3A_248 = tpu.vector_load %arg18[%get3A_246, %get3A_247] {strides = array<i32>} : memref<48x128xf32, #tpu.memory_space<vmem>>, vector<1x16xf32>,
          %get3A_249 = vector.shape_cast %get3A_248 : vector<1x16xf32> to vector<16xf32>
          %mul3A_250 = arith.mulf %get3A_245, %get3A_249 : vector<16xf32>
          %swap3A_251 = arith.index_cast %scan3A_227 : i32 to index
          %swap3A_252 = arith.constant 16 : index
          %swap3A_253 = tpu.vector_load %arg21[%swap3A_251, %swap3A_252] {strides = array<i32>} : memref<48x128xf32, #tpu.memory_space<vmem>>, vector<1x16xf32>,
          %swap3A_254 = vector.shape_cast %swap3A_253 : vector<1x16xf32> to vector<16xf32>
          %swap3A_255 = vector.shape_cast %mul3A_250 : vector<16xf32> to vector<1x16xf32>
          tpu.vector_store %arg21[%swap3A_251, %swap3A_252], %swap3A_255 {strides = array<i32>} : memref<48x128xf32, #tpu.memory_space<vmem>>, vector<1x16xf32>,
          %get3A_256 = arith.index_cast %scan3A_227 : i32 to index
          %get3A_257 = arith.constant 32 : index
          %get3A_258 = tpu.vector_load %arg21[%get3A_256, %get3A_257] {strides = array<i32>} : memref<48x128xf32, #tpu.memory_space<vmem>>, vector<1x16xf32>,
          %get3A_259 = vector.shape_cast %get3A_258 : vector<1x16xf32> to vector<16xf32>
          %get3A_260 = arith.index_cast %scan3A_227 : i32 to index
          %get3A_261 = arith.constant 32 : index
          %get3A_262 = tpu.vector_load %arg18[%get3A_260, %get3A_261] {strides = array<i32>} : memref<48x128xf32, #tpu.memory_space<vmem>>, vector<1x16xf32>,
          %get3A_263 = vector.shape_cast %get3A_262 : vector<1x16xf32> to vector<16xf32>
          %mul3A_264 = arith.mulf %get3A_259, %get3A_263 : vector<16xf32>
          %swap3A_265 = arith.index_cast %scan3A_227 : i32 to index
          %swap3A_266 = arith.constant 32 : index
          %swap3A_267 = tpu.vector_load %arg21[%swap3A_265, %swap3A_266] {strides = array<i32>} : memref<48x128xf32, #tpu.memory_space<vmem>>, vector<1x16xf32>,
          %swap3A_268 = vector.shape_cast %swap3A_267 : vector<1x16xf32> to vector<16xf32>
          %swap3A_269 = vector.shape_cast %mul3A_264 : vector<16xf32> to vector<1x16xf32>
          tpu.vector_store %arg21[%swap3A_265, %swap3A_266], %swap3A_269 {strides = array<i32>} : memref<48x128xf32, #tpu.memory_space<vmem>>, vector<1x16xf32>,
          %get3A_270 = arith.index_cast %scan3A_227 : i32 to index
          %get3A_271 = arith.constant 48 : index
          %get3A_272 = tpu.vector_load %arg21[%get3A_270, %get3A_271] {strides = array<i32>} : memref<48x128xf32, #tpu.memory_space<vmem>>, vector<1x16xf32>,
          %get3A_273 = vector.shape_cast %get3A_272 : vector<1x16xf32> to vector<16xf32>
          %get3A_274 = arith.index_cast %scan3A_227 : i32 to index
          %get3A_275 = arith.constant 48 : index
          %get3A_276 = tpu.vector_load %arg18[%get3A_274, %get3A_275] {strides = array<i32>} : memref<48x128xf32, #tpu.memory_space<vmem>>, vector<1x16xf32>,
          %get3A_277 = vector.shape_cast %get3A_276 : vector<1x16xf32> to vector<16xf32>
          %mul3A_278 = arith.mulf %get3A_273, %get3A_277 : vector<16xf32>
          %swap3A_279 = arith.index_cast %scan3A_227 : i32 to index
          %swap3A_280 = arith.constant 48 : index
          %swap3A_281 = tpu.vector_load %arg21[%swap3A_279, %swap3A_280] {strides = array<i32>} : memref<48x128xf32, #tpu.memory_space<vmem>>, vector<1x16xf32>,
          %swap3A_282 = vector.shape_cast %swap3A_281 : vector<1x16xf32> to vector<16xf32>
          %swap3A_283 = vector.shape_cast %mul3A_278 : vector<16xf32> to vector<1x16xf32>
          tpu.vector_store %arg21[%swap3A_279, %swap3A_280], %swap3A_283 {strides = array<i32>} : memref<48x128xf32, #tpu.memory_space<vmem>>, vector<1x16xf32>,
          %get3A_284 = arith.index_cast %scan3A_227 : i32 to index
          %get3A_285 = arith.constant 64 : index
          %get3A_286 = tpu.vector_load %arg21[%get3A_284, %get3A_285] {strides = array<i32>} : memref<48x128xf32, #tpu.memory_space<vmem>>, vector<1x16xf32>,
          %get3A_287 = vector.shape_cast %get3A_286 : vector<1x16xf32> to vector<16xf32>
          %get3A_288 = arith.index_cast %scan3A_227 : i32 to index
          %get3A_289 = arith.constant 64 : index
          %get3A_290 = tpu.vector_load %arg18[%get3A_288, %get3A_289] {strides = array<i32>} : memref<48x128xf32, #tpu.memory_space<vmem>>, vector<1x16xf32>,
          %get3A_291 = vector.shape_cast %get3A_290 : vector<1x16xf32> to vector<16xf32>
          %mul3A_292 = arith.mulf %get3A_287, %get3A_291 : vector<16xf32>
          %swap3A_293 = arith.index_cast %scan3A_227 : i32 to index
          %swap3A_294 = arith.constant 64 : index
          %swap3A_295 = tpu.vector_load %arg21[%swap3A_293, %swap3A_294] {strides = array<i32>} : memref<48x128xf32, #tpu.memory_space<vmem>>, vector<1x16xf32>,
          %swap3A_296 = vector.shape_cast %swap3A_295 : vector<1x16xf32> to vector<16xf32>
          %swap3A_297 = vector.shape_cast %mul3A_292 : vector<16xf32> to vector<1x16xf32>
          tpu.vector_store %arg21[%swap3A_293, %swap3A_294], %swap3A_297 {strides = array<i32>} : memref<48x128xf32, #tpu.memory_space<vmem>>, vector<1x16xf32>,
          %get3A_298 = arith.index_cast %scan3A_227 : i32 to index
          %get3A_299 = arith.constant 80 : index
          %get3A_300 = tpu.vector_load %arg21[%get3A_298, %get3A_299] {strides = array<i32>} : memref<48x128xf32, #tpu.memory_space<vmem>>, vector<1x16xf32>,
          %get3A_301 = vector.shape_cast %get3A_300 : vector<1x16xf32> to vector<16xf32>
          %get3A_302 = arith.index_cast %scan3A_227 : i32 to index
          %get3A_303 = arith.constant 80 : index
          %get3A_304 = tpu.vector_load %arg18[%get3A_302, %get3A_303] {strides = array<i32>} : memref<48x128xf32, #tpu.memory_space<vmem>>, vector<1x16xf32>,
          %get3A_305 = vector.shape_cast %get3A_304 : vector<1x16xf32> to vector<16xf32>
          %mul3A_306 = arith.mulf %get3A_301, %get3A_305 : vector<16xf32>
          %swap3A_307 = arith.index_cast %scan3A_227 : i32 to index
          %swap3A_308 = arith.constant 80 : index
          %swap3A_309 = tpu.vector_load %arg21[%swap3A_307, %swap3A_308] {strides = array<i32>} : memref<48x128xf32, #tpu.memory_space<vmem>>, vector<1x16xf32>,
          %swap3A_310 = vector.shape_cast %swap3A_309 : vector<1x16xf32> to vector<16xf32>
          %swap3A_311 = vector.shape_cast %mul3A_306 : vector<16xf32> to vector<1x16xf32>
          tpu.vector_store %arg21[%swap3A_307, %swap3A_308], %swap3A_311 {strides = array<i32>} : memref<48x128xf32, #tpu.memory_space<vmem>>, vector<1x16xf32>,
          %get3A_312 = arith.index_cast %scan3A_227 : i32 to index
          %get3A_313 = arith.constant 96 : index
          %get3A_314 = tpu.vector_load %arg21[%get3A_312, %get3A_313] {strides = array<i32>} : memref<48x128xf32, #tpu.memory_space<vmem>>, vector<1x16xf32>,
          %get3A_315 = vector.shape_cast %get3A_314 : vector<1x16xf32> to vector<16xf32>
          %get3A_316 = arith.index_cast %scan3A_227 : i32 to index
          %get3A_317 = arith.constant 96 : index
          %get3A_318 = tpu.vector_load %arg18[%get3A_316, %get3A_317] {strides = array<i32>} : memref<48x128xf32, #tpu.memory_space<vmem>>, vector<1x16xf32>,
          %get3A_319 = vector.shape_cast %get3A_318 : vector<1x16xf32> to vector<16xf32>
          %mul3A_320 = arith.mulf %get3A_315, %get3A_319 : vector<16xf32>
          %swap3A_321 = arith.index_cast %scan3A_227 : i32 to index
          %swap3A_322 = arith.constant 96 : index
          %swap3A_323 = tpu.vector_load %arg21[%swap3A_321, %swap3A_322] {strides = array<i32>} : memref<48x128xf32, #tpu.memory_space<vmem>>, vector<1x16xf32>,
          %swap3A_324 = vector.shape_cast %swap3A_323 : vector<1x16xf32> to vector<16xf32>
          %swap3A_325 = vector.shape_cast %mul3A_320 : vector<16xf32> to vector<1x16xf32>
          tpu.vector_store %arg21[%swap3A_321, %swap3A_322], %swap3A_325 {strides = array<i32>} : memref<48x128xf32, #tpu.memory_space<vmem>>, vector<1x16xf32>,
          %get3A_326 = arith.index_cast %scan3A_227 : i32 to index
          %get3A_327 = arith.constant 112 : index
          %get3A_328 = tpu.vector_load %arg21[%get3A_326, %get3A_327] {strides = array<i32>} : memref<48x128xf32, #tpu.memory_space<vmem>>, vector<1x16xf32>,
          %get3A_329 = vector.shape_cast %get3A_328 : vector<1x16xf32> to vector<16xf32>
          %get3A_330 = arith.index_cast %scan3A_227 : i32 to index
          %get3A_331 = arith.constant 112 : index
          %get3A_332 = tpu.vector_load %arg18[%get3A_330, %get3A_331] {strides = array<i32>} : memref<48x128xf32, #tpu.memory_space<vmem>>, vector<1x16xf32>,
          %get3A_333 = vector.shape_cast %get3A_332 : vector<1x16xf32> to vector<16xf32>
          %mul3A_334 = arith.mulf %get3A_329, %get3A_333 : vector<16xf32>
          %swap3A_335 = arith.index_cast %scan3A_227 : i32 to index
          %swap3A_336 = arith.constant 112 : index
          %swap3A_337 = tpu.vector_load %arg21[%swap3A_335, %swap3A_336] {strides = array<i32>} : memref<48x128xf32, #tpu.memory_space<vmem>>, vector<1x16xf32>,
          %swap3A_338 = vector.shape_cast %swap3A_337 : vector<1x16xf32> to vector<16xf32>
          %swap3A_339 = vector.shape_cast %mul3A_334 : vector<16xf32> to vector<1x16xf32>
          tpu.vector_store %arg21[%swap3A_335, %swap3A_336], %swap3A_339 {strides = array<i32>} : memref<48x128xf32, #tpu.memory_space<vmem>>, vector<1x16xf32>,
        }
        %scan3A_223 = arith.constant 48 : i32
        %dma_start3A_224 = arith.constant 0 : i32
        %dma_start3A_225 = arith.constant 0 : i32
        %dma_start3A_226 = tpu.memref_slice %arg22[%dma_start3A_224, %dma_start3A_225] : memref<10112x128xf32, #tpu.memory_space<vmem_shared>> -> memref<10112x128xf32, #tpu.memory_space<vmem_shared>>
        tpu.enqueue_indirect_dma source(%arg21 : memref<48x128xf32, #tpu.memory_space<vmem>>) target(%dma_start3A_226 : memref<10112x128xf32, #tpu.memory_space<vmem_shared>>) offsets(%arg13 : memref<48xi32, #tpu.memory_space<vmem>>) semaphore(%arg31 : memref<!tpu.dma_semaphore, #tpu.memory_space<semaphore_mem>>) {add = true}
      } else {
      }
    }
    %scan3A_115 = arith.constant 208 : i32
    %dma_wait3A = arith.constant 0 : i32
    %dma_wait3A_116 = arith.constant 0 : i32
    %dma_wait3A_117 = tpu.memref_slice %arg22[%dma_wait3A, %dma_wait3A_116] : memref<10112x128xf32, #tpu.memory_space<vmem_shared>> -> memref<10112x128xf32, #tpu.memory_space<vmem_shared>>
    tpu.wait_indirect_dma semaphore(%arg30 : memref<!tpu.dma_semaphore, #tpu.memory_space<semaphore_mem>>) src(%arg20 : memref<48x128xf32, #tpu.memory_space<vmem>>) dst(%dma_wait3A_117 : memref<10112x128xf32, #tpu.memory_space<vmem_shared>>)
    %dma_wait3A_118 = arith.constant 0 : i32
    %dma_wait3A_119 = arith.constant 0 : i32
    %dma_wait3A_120 = tpu.memref_slice %arg22[%dma_wait3A_118, %dma_wait3A_119] : memref<10112x128xf32, #tpu.memory_space<vmem_shared>> -> memref<10112x128xf32, #tpu.memory_space<vmem_shared>>
    tpu.wait_indirect_dma semaphore(%arg31 : memref<!tpu.dma_semaphore, #tpu.memory_space<semaphore_mem>>) src(%arg21 : memref<48x128xf32, #tpu.memory_space<vmem>>) dst(%dma_wait3A_120 : memref<10112x128xf32, #tpu.memory_space<vmem_shared>>)
    %dma_wait3A_121 = arith.constant 0 : i32
    %dma_wait3A_122 = arith.constant 0 : i32
    %dma_wait3A_123 = tpu.memref_slice %arg22[%dma_wait3A_121, %dma_wait3A_122] : memref<10112x128xf32, #tpu.memory_space<vmem_shared>> -> memref<10112x128xf32, #tpu.memory_space<vmem_shared>>
    tpu.wait_indirect_dma semaphore(%arg29 : memref<!tpu.dma_semaphore, #tpu.memory_space<semaphore_mem>>) src(%arg19 : memref<48x128xf32, #tpu.memory_space<vmem>>) dst(%dma_wait3A_123 : memref<10112x128xf32, #tpu.memory_space<vmem_shared>>)
    %get3A_124 = arith.constant 9984 : index
    %get3A_125 = tpu.vector_load %arg7[%get3A_124] {strides = array<i32>} : memref<10000xi32, #tpu.memory_space<vmem>>, vector<16xi32>,
    %get3A_126 = vector.shape_cast %get3A_125 : vector<16xi32> to vector<16xi32>
    %and3A_127 = arith.andi %get3A_126, %broadcast_in_dim3A_3 : vector<16xi32>
    %swap3A_128 = arith.constant 0 : index
    %swap3A_129 = tpu.vector_load %arg14[%swap3A_128] {strides = array<i32>} : memref<16xi32, #tpu.memory_space<vmem>>, vector<16xi32>,
    %swap3A_130 = vector.shape_cast %swap3A_129 : vector<16xi32> to vector<16xi32>
    %swap3A_131 = vector.shape_cast %and3A_127 : vector<16xi32> to vector<16xi32>
    tpu.vector_store %arg14[%swap3A_128], %swap3A_131 {strides = array<i32>} : memref<16xi32, #tpu.memory_space<vmem>>, vector<16xi32>,
    %shift_right_logical3A_132 = arith.constant 16 : i32
    %shift_right_logical3A_133 = vector.broadcast %shift_right_logical3A_132 : i32 to vector<16xi32>
    %shift_right_logical3A_134 = arith.shrui %get3A_126, %shift_right_logical3A_133 : vector<16xi32>
    %swap3A_135 = arith.constant 0 : index
    %swap3A_136 = tpu.vector_load %arg15[%swap3A_135] {strides = array<i32>} : memref<16xi32, #tpu.memory_space<vmem>>, vector<16xi32>,
    %swap3A_137 = vector.shape_cast %swap3A_136 : vector<16xi32> to vector<16xi32>
    %swap3A_138 = vector.shape_cast %shift_right_logical3A_134 : vector<16xi32> to vector<16xi32>
    tpu.vector_store %arg15[%swap3A_135], %swap3A_138 {strides = array<i32>} : memref<16xi32, #tpu.memory_space<vmem>>, vector<16xi32>,
    %mul3A_139 = arith.constant 10000 : i32
    %mul3A_140 = arith.muli %add3A, %mul3A_139 : i32
    %add3A_141 = arith.constant 9984 : i32
    %add3A_142 = arith.addi %mul3A_140, %add3A_141 : i32
    "tpu.region"() ({
      %run_scoped3A = tpu.sem_alloc : memref<!tpu.dma_semaphore, #tpu.memory_space<semaphore_mem>>
      %dma_start3A_166 = arith.constant 0 : i32
      %dma_start3A_167 = arith.constant 0 : i32
      %dma_start3A_168 = tpu.memref_slice %arg16[%dma_start3A_166, %dma_start3A_167] : memref<48x128xf32, #tpu.memory_space<vmem>> -> memref<16x128xf32, #tpu.memory_space<vmem>>
      %dma_start3A_169 = arith.constant 0 : i32
      %dma_start3A_170 = tpu.memref_slice %arg2[%add3A_142, %dma_start3A_169] : memref<320000x128xf32, #tpu.memory_space<hbm>> -> memref<16x128xf32, #tpu.memory_space<hbm>>
      %dma_start3A_171 = arith.constant 0 : i32
      %dma_start3A_172 = arith.constant 0 : i32
      %dma_start3A_173 = tpu.memref_slice %arg16[%dma_start3A_171, %dma_start3A_172] : memref<48x128xf32, #tpu.memory_space<vmem>> -> memref<16x128xf32, #tpu.memory_space<vmem>>
      %dma_start3A_174 = arith.constant 0 : i32
      %dma_start3A_175 = tpu.memref_slice %arg2[%add3A_142, %dma_start3A_174] : memref<320000x128xf32, #tpu.memory_space<hbm>> -> memref<16x128xf32, #tpu.memory_space<hbm>>
      tpu.enqueue_dma source(%dma_start3A_175 : memref<16x128xf32, #tpu.memory_space<hbm>>) target(%dma_start3A_173 : memref<16x128xf32, #tpu.memory_space<vmem>>) target_semaphore(%run_scoped3A : memref<!tpu.dma_semaphore, #tpu.memory_space<semaphore_mem>>)
      %dma_wait3A_176 = arith.constant 0 : i32
      %dma_wait3A_177 = arith.constant 0 : i32
      %dma_wait3A_178 = tpu.memref_slice %arg16[%dma_wait3A_176, %dma_wait3A_177] : memref<48x128xf32, #tpu.memory_space<vmem>> -> memref<16x128xf32, #tpu.memory_space<vmem>>
      %dma_wait3A_179 = arith.constant 0 : i32
      %dma_wait3A_180 = tpu.memref_slice %arg2[%add3A_142, %dma_wait3A_179] : memref<320000x128xf32, #tpu.memory_space<hbm>> -> memref<16x128xf32, #tpu.memory_space<hbm>>
      %dma_wait3A_181 = arith.constant 0 : i32
      %dma_wait3A_182 = arith.constant 0 : i32
      %dma_wait3A_183 = tpu.memref_slice %arg16[%dma_wait3A_181, %dma_wait3A_182] : memref<48x128xf32, #tpu.memory_space<vmem>> -> memref<16x128xf32, #tpu.memory_space<vmem>>
      %dma_wait3A_184 = arith.constant 0 : i32
      %dma_wait3A_185 = tpu.memref_slice %arg2[%add3A_142, %dma_wait3A_184] : memref<320000x128xf32, #tpu.memory_space<hbm>> -> memref<16x128xf32, #tpu.memory_space<hbm>>
      tpu.wait_dma2 semaphore(%run_scoped3A : memref<!tpu.dma_semaphore, #tpu.memory_space<semaphore_mem>>) src(%dma_wait3A_185 : memref<16x128xf32, #tpu.memory_space<hbm>>) dst(%dma_wait3A_183 : memref<16x128xf32, #tpu.memory_space<vmem>>)
      tpu.yield
    }) : () -> ()
    %dma_start3A_143 = arith.constant 0 : i32
    %dma_start3A_144 = arith.constant 0 : i32
    %dma_start3A_145 = tpu.memref_slice %arg19[%dma_start3A_143, %dma_start3A_144] : memref<48x128xf32, #tpu.memory_space<vmem>> -> memref<16x128xf32, #tpu.memory_space<vmem>>
    %dma_start3A_146 = arith.constant 0 : i32
    %dma_start3A_147 = arith.constant 0 : i32
    %dma_start3A_148 = tpu.memref_slice %arg3[%dma_start3A_146, %dma_start3A_147] : memref<10000x128xf32, #tpu.memory_space<hbm>> -> memref<10000x128xf32, #tpu.memory_space<hbm>>
    tpu.enqueue_indirect_dma source(%dma_start3A_148 : memref<10000x128xf32, #tpu.memory_space<hbm>>) target(%dma_start3A_145 : memref<16x128xf32, #tpu.memory_space<vmem>>) offsets(%arg14 : memref<16xi32, #tpu.memory_space<vmem>>) semaphore(%arg26 : memref<!tpu.dma_semaphore, #tpu.memory_space<semaphore_mem>>)
    %dma_wait3A_149 = arith.constant 0 : i32
    %dma_wait3A_150 = arith.constant 0 : i32
    %dma_wait3A_151 = tpu.memref_slice %arg19[%dma_wait3A_149, %dma_wait3A_150] : memref<48x128xf32, #tpu.memory_space<vmem>> -> memref<16x128xf32, #tpu.memory_space<vmem>>
    %dma_wait3A_152 = arith.constant 0 : i32
    %dma_wait3A_153 = arith.constant 0 : i32
    %dma_wait3A_154 = tpu.memref_slice %arg3[%dma_wait3A_152, %dma_wait3A_153] : memref<10000x128xf32, #tpu.memory_space<hbm>> -> memref<10000x128xf32, #tpu.memory_space<hbm>>
    tpu.wait_indirect_dma semaphore(%arg26 : memref<!tpu.dma_semaphore, #tpu.memory_space<semaphore_mem>>) src(%dma_wait3A_154 : memref<10000x128xf32, #tpu.memory_space<hbm>>) dst(%dma_wait3A_151 : memref<16x128xf32, #tpu.memory_space<vmem>>)
    %scan3A_155 = arith.constant 0 : i32
    %scan3A_156 = arith.constant 0 : i32
    %scan3A_157 = arith.constant 16 : i32
    %scan3A_158 = arith.addi %scan3A_156, %scan3A_157 : i32
    %scan3A_159 = arith.constant 1 : i32
    scf.for %scan3A_166 = %scan3A_156 to %scan3A_158 step %scan3A_159  : i32 {
      %get3A_167 = arith.index_cast %scan3A_166 : i32 to index
      %get3A_168 = arith.constant 0 : index
      %get3A_169 = tpu.vector_load %arg19[%get3A_167, %get3A_168] {strides = array<i32>} : memref<48x128xf32, #tpu.memory_space<vmem>>, vector<1x16xf32>,
      %get3A_170 = vector.shape_cast %get3A_169 : vector<1x16xf32> to vector<16xf32>
      %get3A_171 = arith.index_cast %scan3A_166 : i32 to index
      %get3A_172 = arith.constant 0 : index
      %get3A_173 = tpu.vector_load %arg16[%get3A_171, %get3A_172] {strides = array<i32>} : memref<48x128xf32, #tpu.memory_space<vmem>>, vector<1x16xf32>,
      %get3A_174 = vector.shape_cast %get3A_173 : vector<1x16xf32> to vector<16xf32>
      %mul3A_175 = arith.mulf %get3A_170, %get3A_174 : vector<16xf32>
      %swap3A_176 = arith.index_cast %scan3A_166 : i32 to index
      %swap3A_177 = arith.constant 0 : index
      %swap3A_178 = tpu.vector_load %arg19[%swap3A_176, %swap3A_177] {strides = array<i32>} : memref<48x128xf32, #tpu.memory_space<vmem>>, vector<1x16xf32>,
      %swap3A_179 = vector.shape_cast %swap3A_178 : vector<1x16xf32> to vector<16xf32>
      %swap3A_180 = vector.shape_cast %mul3A_175 : vector<16xf32> to vector<1x16xf32>
      tpu.vector_store %arg19[%swap3A_176, %swap3A_177], %swap3A_180 {strides = array<i32>} : memref<48x128xf32, #tpu.memory_space<vmem>>, vector<1x16xf32>,
      %get3A_181 = arith.index_cast %scan3A_166 : i32 to index
      %get3A_182 = arith.constant 16 : index
      %get3A_183 = tpu.vector_load %arg19[%get3A_181, %get3A_182] {strides = array<i32>} : memref<48x128xf32, #tpu.memory_space<vmem>>, vector<1x16xf32>,
      %get3A_184 = vector.shape_cast %get3A_183 : vector<1x16xf32> to vector<16xf32>
      %get3A_185 = arith.index_cast %scan3A_166 : i32 to index
      %get3A_186 = arith.constant 16 : index
      %get3A_187 = tpu.vector_load %arg16[%get3A_185, %get3A_186] {strides = array<i32>} : memref<48x128xf32, #tpu.memory_space<vmem>>, vector<1x16xf32>,
      %get3A_188 = vector.shape_cast %get3A_187 : vector<1x16xf32> to vector<16xf32>
      %mul3A_189 = arith.mulf %get3A_184, %get3A_188 : vector<16xf32>
      %swap3A_190 = arith.index_cast %scan3A_166 : i32 to index
      %swap3A_191 = arith.constant 16 : index
      %swap3A_192 = tpu.vector_load %arg19[%swap3A_190, %swap3A_191] {strides = array<i32>} : memref<48x128xf32, #tpu.memory_space<vmem>>, vector<1x16xf32>,
      %swap3A_193 = vector.shape_cast %swap3A_192 : vector<1x16xf32> to vector<16xf32>
      %swap3A_194 = vector.shape_cast %mul3A_189 : vector<16xf32> to vector<1x16xf32>
      tpu.vector_store %arg19[%swap3A_190, %swap3A_191], %swap3A_194 {strides = array<i32>} : memref<48x128xf32, #tpu.memory_space<vmem>>, vector<1x16xf32>,
      %get3A_195 = arith.index_cast %scan3A_166 : i32 to index
      %get3A_196 = arith.constant 32 : index
      %get3A_197 = tpu.vector_load %arg19[%get3A_195, %get3A_196] {strides = array<i32>} : memref<48x128xf32, #tpu.memory_space<vmem>>, vector<1x16xf32>,
      %get3A_198 = vector.shape_cast %get3A_197 : vector<1x16xf32> to vector<16xf32>
      %get3A_199 = arith.index_cast %scan3A_166 : i32 to index
      %get3A_200 = arith.constant 32 : index
      %get3A_201 = tpu.vector_load %arg16[%get3A_199, %get3A_200] {strides = array<i32>} : memref<48x128xf32, #tpu.memory_space<vmem>>, vector<1x16xf32>,
      %get3A_202 = vector.shape_cast %get3A_201 : vector<1x16xf32> to vector<16xf32>
      %mul3A_203 = arith.mulf %get3A_198, %get3A_202 : vector<16xf32>
      %swap3A_204 = arith.index_cast %scan3A_166 : i32 to index
      %swap3A_205 = arith.constant 32 : index
      %swap3A_206 = tpu.vector_load %arg19[%swap3A_204, %swap3A_205] {strides = array<i32>} : memref<48x128xf32, #tpu.memory_space<vmem>>, vector<1x16xf32>,
      %swap3A_207 = vector.shape_cast %swap3A_206 : vector<1x16xf32> to vector<16xf32>
      %swap3A_208 = vector.shape_cast %mul3A_203 : vector<16xf32> to vector<1x16xf32>
      tpu.vector_store %arg19[%swap3A_204, %swap3A_205], %swap3A_208 {strides = array<i32>} : memref<48x128xf32, #tpu.memory_space<vmem>>, vector<1x16xf32>,
      %get3A_209 = arith.index_cast %scan3A_166 : i32 to index
      %get3A_210 = arith.constant 48 : index
      %get3A_211 = tpu.vector_load %arg19[%get3A_209, %get3A_210] {strides = array<i32>} : memref<48x128xf32, #tpu.memory_space<vmem>>, vector<1x16xf32>,
      %get3A_212 = vector.shape_cast %get3A_211 : vector<1x16xf32> to vector<16xf32>
      %get3A_213 = arith.index_cast %scan3A_166 : i32 to index
      %get3A_214 = arith.constant 48 : index
      %get3A_215 = tpu.vector_load %arg16[%get3A_213, %get3A_214] {strides = array<i32>} : memref<48x128xf32, #tpu.memory_space<vmem>>, vector<1x16xf32>,
      %get3A_216 = vector.shape_cast %get3A_215 : vector<1x16xf32> to vector<16xf32>
      %mul3A_217 = arith.mulf %get3A_212, %get3A_216 : vector<16xf32>
      %swap3A_218 = arith.index_cast %scan3A_166 : i32 to index
      %swap3A_219 = arith.constant 48 : index
      %swap3A_220 = tpu.vector_load %arg19[%swap3A_218, %swap3A_219] {strides = array<i32>} : memref<48x128xf32, #tpu.memory_space<vmem>>, vector<1x16xf32>,
      %swap3A_221 = vector.shape_cast %swap3A_220 : vector<1x16xf32> to vector<16xf32>
      %swap3A_222 = vector.shape_cast %mul3A_217 : vector<16xf32> to vector<1x16xf32>
      tpu.vector_store %arg19[%swap3A_218, %swap3A_219], %swap3A_222 {strides = array<i32>} : memref<48x128xf32, #tpu.memory_space<vmem>>, vector<1x16xf32>,
      %get3A_223 = arith.index_cast %scan3A_166 : i32 to index
      %get3A_224 = arith.constant 64 : index
      %get3A_225 = tpu.vector_load %arg19[%get3A_223, %get3A_224] {strides = array<i32>} : memref<48x128xf32, #tpu.memory_space<vmem>>, vector<1x16xf32>,
      %get3A_226 = vector.shape_cast %get3A_225 : vector<1x16xf32> to vector<16xf32>
      %get3A_227 = arith.index_cast %scan3A_166 : i32 to index
      %get3A_228 = arith.constant 64 : index
      %get3A_229 = tpu.vector_load %arg16[%get3A_227, %get3A_228] {strides = array<i32>} : memref<48x128xf32, #tpu.memory_space<vmem>>, vector<1x16xf32>,
      %get3A_230 = vector.shape_cast %get3A_229 : vector<1x16xf32> to vector<16xf32>
      %mul3A_231 = arith.mulf %get3A_226, %get3A_230 : vector<16xf32>
      %swap3A_232 = arith.index_cast %scan3A_166 : i32 to index
      %swap3A_233 = arith.constant 64 : index
      %swap3A_234 = tpu.vector_load %arg19[%swap3A_232, %swap3A_233] {strides = array<i32>} : memref<48x128xf32, #tpu.memory_space<vmem>>, vector<1x16xf32>,
      %swap3A_235 = vector.shape_cast %swap3A_234 : vector<1x16xf32> to vector<16xf32>
      %swap3A_236 = vector.shape_cast %mul3A_231 : vector<16xf32> to vector<1x16xf32>
      tpu.vector_store %arg19[%swap3A_232, %swap3A_233], %swap3A_236 {strides = array<i32>} : memref<48x128xf32, #tpu.memory_space<vmem>>, vector<1x16xf32>,
      %get3A_237 = arith.index_cast %scan3A_166 : i32 to index
      %get3A_238 = arith.constant 80 : index
      %get3A_239 = tpu.vector_load %arg19[%get3A_237, %get3A_238] {strides = array<i32>} : memref<48x128xf32, #tpu.memory_space<vmem>>, vector<1x16xf32>,
      %get3A_240 = vector.shape_cast %get3A_239 : vector<1x16xf32> to vector<16xf32>
      %get3A_241 = arith.index_cast %scan3A_166 : i32 to index
      %get3A_242 = arith.constant 80 : index
      %get3A_243 = tpu.vector_load %arg16[%get3A_241, %get3A_242] {strides = array<i32>} : memref<48x128xf32, #tpu.memory_space<vmem>>, vector<1x16xf32>,
      %get3A_244 = vector.shape_cast %get3A_243 : vector<1x16xf32> to vector<16xf32>
      %mul3A_245 = arith.mulf %get3A_240, %get3A_244 : vector<16xf32>
      %swap3A_246 = arith.index_cast %scan3A_166 : i32 to index
      %swap3A_247 = arith.constant 80 : index
      %swap3A_248 = tpu.vector_load %arg19[%swap3A_246, %swap3A_247] {strides = array<i32>} : memref<48x128xf32, #tpu.memory_space<vmem>>, vector<1x16xf32>,
      %swap3A_249 = vector.shape_cast %swap3A_248 : vector<1x16xf32> to vector<16xf32>
      %swap3A_250 = vector.shape_cast %mul3A_245 : vector<16xf32> to vector<1x16xf32>
      tpu.vector_store %arg19[%swap3A_246, %swap3A_247], %swap3A_250 {strides = array<i32>} : memref<48x128xf32, #tpu.memory_space<vmem>>, vector<1x16xf32>,
      %get3A_251 = arith.index_cast %scan3A_166 : i32 to index
      %get3A_252 = arith.constant 96 : index
      %get3A_253 = tpu.vector_load %arg19[%get3A_251, %get3A_252] {strides = array<i32>} : memref<48x128xf32, #tpu.memory_space<vmem>>, vector<1x16xf32>,
      %get3A_254 = vector.shape_cast %get3A_253 : vector<1x16xf32> to vector<16xf32>
      %get3A_255 = arith.index_cast %scan3A_166 : i32 to index
      %get3A_256 = arith.constant 96 : index
      %get3A_257 = tpu.vector_load %arg16[%get3A_255, %get3A_256] {strides = array<i32>} : memref<48x128xf32, #tpu.memory_space<vmem>>, vector<1x16xf32>,
      %get3A_258 = vector.shape_cast %get3A_257 : vector<1x16xf32> to vector<16xf32>
      %mul3A_259 = arith.mulf %get3A_254, %get3A_258 : vector<16xf32>
      %swap3A_260 = arith.index_cast %scan3A_166 : i32 to index
      %swap3A_261 = arith.constant 96 : index
      %swap3A_262 = tpu.vector_load %arg19[%swap3A_260, %swap3A_261] {strides = array<i32>} : memref<48x128xf32, #tpu.memory_space<vmem>>, vector<1x16xf32>,
      %swap3A_263 = vector.shape_cast %swap3A_262 : vector<1x16xf32> to vector<16xf32>
      %swap3A_264 = vector.shape_cast %mul3A_259 : vector<16xf32> to vector<1x16xf32>
      tpu.vector_store %arg19[%swap3A_260, %swap3A_261], %swap3A_264 {strides = array<i32>} : memref<48x128xf32, #tpu.memory_space<vmem>>, vector<1x16xf32>,
      %get3A_265 = arith.index_cast %scan3A_166 : i32 to index
      %get3A_266 = arith.constant 112 : index
      %get3A_267 = tpu.vector_load %arg19[%get3A_265, %get3A_266] {strides = array<i32>} : memref<48x128xf32, #tpu.memory_space<vmem>>, vector<1x16xf32>,
      %get3A_268 = vector.shape_cast %get3A_267 : vector<1x16xf32> to vector<16xf32>
      %get3A_269 = arith.index_cast %scan3A_166 : i32 to index
      %get3A_270 = arith.constant 112 : index
      %get3A_271 = tpu.vector_load %arg16[%get3A_269, %get3A_270] {strides = array<i32>} : memref<48x128xf32, #tpu.memory_space<vmem>>, vector<1x16xf32>,
      %get3A_272 = vector.shape_cast %get3A_271 : vector<1x16xf32> to vector<16xf32>
      %mul3A_273 = arith.mulf %get3A_268, %get3A_272 : vector<16xf32>
      %swap3A_274 = arith.index_cast %scan3A_166 : i32 to index
      %swap3A_275 = arith.constant 112 : index
      %swap3A_276 = tpu.vector_load %arg19[%swap3A_274, %swap3A_275] {strides = array<i32>} : memref<48x128xf32, #tpu.memory_space<vmem>>, vector<1x16xf32>,
      %swap3A_277 = vector.shape_cast %swap3A_276 : vector<1x16xf32> to vector<16xf32>
      %swap3A_278 = vector.shape_cast %mul3A_273 : vector<16xf32> to vector<1x16xf32>
      tpu.vector_store %arg19[%swap3A_274, %swap3A_275], %swap3A_278 {strides = array<i32>} : memref<48x128xf32, #tpu.memory_space<vmem>>, vector<1x16xf32>,
    }
    %scan3A_160 = arith.constant 16 : i32
    "tpu.region"() ({
      %run_scoped3A = tpu.sem_alloc : memref<!tpu.dma_semaphore, #tpu.memory_space<semaphore_mem>>
      %dma_start3A_166 = arith.constant 0 : i32
      %dma_start3A_167 = arith.constant 0 : i32
      %dma_start3A_168 = tpu.memref_slice %arg19[%dma_start3A_166, %dma_start3A_167] : memref<48x128xf32, #tpu.memory_space<vmem>> -> memref<16x128xf32, #tpu.memory_space<vmem>>
      %dma_start3A_169 = arith.constant 0 : i32
      %dma_start3A_170 = arith.constant 0 : i32
      %dma_start3A_171 = tpu.memref_slice %arg22[%dma_start3A_169, %dma_start3A_170] : memref<10112x128xf32, #tpu.memory_space<vmem_shared>> -> memref<10112x128xf32, #tpu.memory_space<vmem_shared>>
      tpu.enqueue_indirect_dma source(%dma_start3A_168 : memref<16x128xf32, #tpu.memory_space<vmem>>) target(%dma_start3A_171 : memref<10112x128xf32, #tpu.memory_space<vmem_shared>>) offsets(%arg15 : memref<16xi32, #tpu.memory_space<vmem>>) semaphore(%run_scoped3A : memref<!tpu.dma_semaphore, #tpu.memory_space<semaphore_mem>>) {add = true}
      %dma_wait3A_172 = arith.constant 0 : i32
      %dma_wait3A_173 = arith.constant 0 : i32
      %dma_wait3A_174 = tpu.memref_slice %arg19[%dma_wait3A_172, %dma_wait3A_173] : memref<48x128xf32, #tpu.memory_space<vmem>> -> memref<16x128xf32, #tpu.memory_space<vmem>>
      %dma_wait3A_175 = arith.constant 0 : i32
      %dma_wait3A_176 = arith.constant 0 : i32
      %dma_wait3A_177 = tpu.memref_slice %arg22[%dma_wait3A_175, %dma_wait3A_176] : memref<10112x128xf32, #tpu.memory_space<vmem_shared>> -> memref<10112x128xf32, #tpu.memory_space<vmem_shared>>
      tpu.wait_indirect_dma semaphore(%run_scoped3A : memref<!tpu.dma_semaphore, #tpu.memory_space<semaphore_mem>>) src(%dma_wait3A_174 : memref<16x128xf32, #tpu.memory_space<vmem>>) dst(%dma_wait3A_177 : memref<10112x128xf32, #tpu.memory_space<vmem_shared>>)
      tpu.yield
    }) : () -> ()
    %barrier3A_161 = arith.constant 0 : index
    tpu.barrier barrier_id(%barrier3A_161)
    %mul3A_162 = arith.constant 632 : i32
    %mul3A_163 = arith.muli %arg1, %mul3A_162 : i32
    %mul3A_164 = arith.constant 632 : i32
    %mul3A_165 = arith.muli %arg1, %mul3A_164 : i32
    "tpu.region"() ({
      %run_scoped3A = tpu.sem_alloc : memref<!tpu.dma_semaphore, #tpu.memory_space<semaphore_mem>>
      %dma_start3A_166 = arith.constant 0 : i32
      %dma_start3A_167 = tpu.memref_slice %arg6[%arg0, %mul3A_165, %dma_start3A_166] : memref<2x10112x128xf32, #tpu.memory_space<hbm>> -> memref<1x632x128xf32, #tpu.memory_space<hbm>>
      %dma_start3A_168 = tpu.memref_squeeze %dma_start3A_167 : memref<1x632x128xf32, #tpu.memory_space<hbm>> -> memref<632x128xf32, #tpu.memory_space<hbm>>
      %dma_start3A_169 = arith.constant 0 : i32
      %dma_start3A_170 = tpu.memref_slice %arg22[%mul3A_163, %dma_start3A_169] : memref<10112x128xf32, #tpu.memory_space<vmem_shared>> -> memref<632x128xf32, #tpu.memory_space<vmem_shared>>
      tpu.enqueue_dma source(%dma_start3A_170 : memref<632x128xf32, #tpu.memory_space<vmem_shared>>) target(%dma_start3A_168 : memref<632x128xf32, #tpu.memory_space<hbm>>) target_semaphore(%run_scoped3A : memref<!tpu.dma_semaphore, #tpu.memory_space<semaphore_mem>>)
      %dma_wait3A_171 = arith.constant 0 : i32
      %dma_wait3A_172 = tpu.memref_slice %arg6[%arg0, %mul3A_165, %dma_wait3A_171] : memref<2x10112x128xf32, #tpu.memory_space<hbm>> -> memref<1x632x128xf32, #tpu.memory_space<hbm>>
      %dma_wait3A_173 = tpu.memref_squeeze %dma_wait3A_172 : memref<1x632x128xf32, #tpu.memory_space<hbm>> -> memref<632x128xf32, #tpu.memory_space<hbm>>
      %dma_wait3A_174 = arith.constant 0 : i32
      %dma_wait3A_175 = tpu.memref_slice %arg22[%mul3A_163, %dma_wait3A_174] : memref<10112x128xf32, #tpu.memory_space<vmem_shared>> -> memref<632x128xf32, #tpu.memory_space<vmem_shared>>
      tpu.wait_dma2 semaphore(%run_scoped3A : memref<!tpu.dma_semaphore, #tpu.memory_space<semaphore_mem>>) src(%dma_wait3A_175 : memref<632x128xf32, #tpu.memory_space<vmem_shared>>) dst(%dma_wait3A_173 : memref<632x128xf32, #tpu.memory_space<hbm>>)
      tpu.yield
    }) : () -> ()
    return
  }
}

module attributes {stable_mosaic.version = 14 : i64} {
  func.func @_lin1_body(%arg0: memref<10000x128xf32, #tpu.memory_space<vmem>>, %arg1: memref<128x128xf32, #tpu.memory_space<vmem>>, %arg2: memref<10000x128xf32, #tpu.memory_space<vmem>>) attributes {dimension_semantics = [], scalar_prefetch = 0 : i64, scratch_operands = 0 : i64, tpu.core_type = #tpu.core_type<tc>} {
    %get3A = arith.constant 0 : index
    %get3A_0 = arith.constant 0 : index
    %get3A_1 = vector.load %arg0[%get3A, %get3A_0] : memref<10000x128xf32, #tpu.memory_space<vmem>>, vector<10000x128xf32>
    %get3A_2 = arith.constant 0 : index
    %get3A_3 = arith.constant 0 : index
    %get3A_4 = vector.load %arg1[%get3A_2, %get3A_3] : memref<128x128xf32, #tpu.memory_space<vmem>>, vector<128x128xf32>
    %dot_general3A = arith.constant dense<0.000000e+00> : vector<10000x128xf32>
    %dot_general3A_5 = tpu.matmul %get3A_1, %get3A_4, %dot_general3A {dimension_numbers = #tpu.dot_dimension_numbers<[1], [0], [0], [1], [0, 0, 1, 1], [], []>, transpose_lhs_hint = false} : vector<10000x128xf32>, vector<128x128xf32>, vector<10000x128xf32> -> vector<10000x128xf32>
    %swap3A = arith.constant 0 : index
    %swap3A_6 = arith.constant 0 : index
    %swap3A_7 = vector.load %arg2[%swap3A, %swap3A_6] : memref<10000x128xf32, #tpu.memory_space<vmem>>, vector<10000x128xf32>
    tpu.vector_store %arg2[%swap3A, %swap3A_6], %dot_general3A_5 {strides = array<i32>} : memref<10000x128xf32, #tpu.memory_space<vmem>>, vector<10000x128xf32>,
    return
  }
}

module attributes {stable_mosaic.version = 14 : i64} {
  func.func @_filter_body(%arg0: i32, %arg1: memref<12800x128xf32, #tpu.memory_space<vmem>>, %arg2: memref<1x100x128xf32, #tpu.memory_space<vmem>>, %arg3: memref<128x128xbf16, #tpu.memory_space<vmem>>, %arg4: memref<1x128xf32, #tpu.memory_space<vmem>>, %arg5: memref<128x128xbf16, #tpu.memory_space<vmem>>, %arg6: memref<12800x128xf32, #tpu.memory_space<vmem>>) attributes {dimension_semantics = [#tpu.dimension_semantics<arbitrary>], iteration_bounds = array<i64: 25>, scalar_prefetch = 0 : i64, scratch_operands = 0 : i64, tpu.core_type = #tpu.core_type<tc>, window_params = [{transform_indices = @transform_0, window_bounds = array<i64: 12800, 128>}, {transform_indices = @transform_1, window_bounds = array<i64: 1, 100, 128>}, {pipeline_mode = #tpu.pipeline_mode<synchronous>, transform_indices = @transform_2, window_bounds = array<i64: 128, 128>}, {pipeline_mode = #tpu.pipeline_mode<synchronous>, transform_indices = @transform_3, window_bounds = array<i64: 1, 128>}, {pipeline_mode = #tpu.pipeline_mode<synchronous>, transform_indices = @transform_4, window_bounds = array<i64: 128, 128>}, {transform_indices = @transform_5, window_bounds = array<i64: 12800, 128>}]} {
    %get3A = arith.constant 0 : index
    %get3A_0 = arith.constant 0 : index
    %get3A_1 = vector.load %arg1[%get3A, %get3A_0] : memref<12800x128xf32, #tpu.memory_space<vmem>>, vector<12800x128xf32>
    %convert_element_type3A = arith.truncf %get3A_1 : vector<12800x128xf32> to vector<12800x128xbf16>
    %get3A_2 = arith.constant 0 : index
    %get3A_3 = arith.constant 0 : index
    %get3A_4 = vector.load %arg3[%get3A_2, %get3A_3] : memref<128x128xbf16, #tpu.memory_space<vmem>>, vector<128x128xbf16>
    %dot_general3A = arith.constant dense<0.000000e+00> : vector<12800x128xf32>
    %dot_general3A_5 = tpu.matmul %convert_element_type3A, %get3A_4, %dot_general3A {dimension_numbers = #tpu.dot_dimension_numbers<[1], [0], [0], [1], [0, 0, 1, 1], [], []>, transpose_lhs_hint = false} : vector<12800x128xbf16>, vector<128x128xbf16>, vector<12800x128xf32> -> vector<12800x128xf32>
    %get3A_6 = arith.constant 0 : index
    %get3A_7 = arith.constant 0 : index
    %get3A_8 = vector.load %arg4[%get3A_6, %get3A_7] : memref<1x128xf32, #tpu.memory_space<vmem>>, vector<1x128xf32>
    %add3A = vector.broadcast %get3A_8 : vector<1x128xf32> to vector<12800x128xf32>
    %add3A_9 = arith.addf %dot_general3A_5, %add3A : vector<12800x128xf32>
    %logistic3A = arith.negf %add3A_9 : vector<12800x128xf32>
    %logistic3A_10 = math.exp %logistic3A : vector<12800x128xf32>
    %logistic3A_11 = arith.constant 1.000000e+00 : f32
    %logistic3A_12 = vector.broadcast %logistic3A_11 : f32 to vector<12800x128xf32>
    %logistic3A_13 = arith.addf %logistic3A_12, %logistic3A_10 : vector<12800x128xf32>
    %logistic3A_14 = arith.divf %logistic3A_12, %logistic3A_13 : vector<12800x128xf32>
    %mul3A = arith.mulf %add3A_9, %logistic3A_14 : vector<12800x128xf32>
    %convert_element_type3A_15 = arith.truncf %mul3A : vector<12800x128xf32> to vector<12800x128xbf16>
    %get3A_16 = arith.constant 0 : index
    %get3A_17 = arith.constant 0 : index
    %get3A_18 = vector.load %arg5[%get3A_16, %get3A_17] : memref<128x128xbf16, #tpu.memory_space<vmem>>, vector<128x128xbf16>
    %dot_general3A_19 = arith.constant dense<0.000000e+00> : vector<12800x128xf32>
    %dot_general3A_20 = tpu.matmul %convert_element_type3A_15, %get3A_18, %dot_general3A_19 {dimension_numbers = #tpu.dot_dimension_numbers<[1], [0], [0], [1], [0, 0, 1, 1], [], []>, transpose_lhs_hint = false} : vector<12800x128xbf16>, vector<128x128xbf16>, vector<12800x128xf32> -> vector<12800x128xf32>
    %get3A_21 = arith.constant 0 : index
    %get3A_22 = arith.constant 0 : index
    %get3A_23 = arith.constant 0 : index
    %get3A_24 = vector.load %arg2[%get3A_21, %get3A_22, %get3A_23] : memref<1x100x128xf32, #tpu.memory_space<vmem>>, vector<1x100x128xf32>
    %get3A_25 = vector.shape_cast %get3A_24 : vector<1x100x128xf32> to vector<100x128xf32>
    %mul3A_26 = arith.constant 3.14159274 : f32
    %mul3A_27 = vector.broadcast %mul3A_26 : f32 to vector<100x128xf32>
    %mul3A_28 = arith.mulf %mul3A_27, %get3A_25 : vector<100x128xf32>
    %div3A = arith.constant 5.000000e+00 : f32
    %div3A_29 = vector.broadcast %div3A : f32 to vector<100x128xf32>
    %div3A_30 = arith.divf %mul3A_28, %div3A_29 : vector<100x128xf32>
    %cos3A = math.cos %div3A_30 : vector<100x128xf32>
    %add3A_31 = arith.constant 1.000000e+00 : f32
    %add3A_32 = vector.broadcast %add3A_31 : f32 to vector<100x128xf32>
    %add3A_33 = arith.addf %cos3A, %add3A_32 : vector<100x128xf32>
    %mul3A_34 = arith.constant 5.000000e-01 : f32
    %mul3A_35 = vector.broadcast %mul3A_34 : f32 to vector<100x128xf32>
    %mul3A_36 = arith.mulf %mul3A_35, %add3A_33 : vector<100x128xf32>
    %lt3A = arith.constant 5.000000e+00 : f32
    %lt3A_37 = vector.broadcast %lt3A : f32 to vector<100x128xf32>
    %lt3A_38 = arith.cmpf olt, %get3A_25, %lt3A_37 : vector<100x128xf32>
    %convert_element_type3A_39 = arith.extui %lt3A_38 : vector<100x128xi1> to vector<100x128xi32>
    %convert_element_type3A_40 = arith.sitofp %convert_element_type3A_39 : vector<100x128xi32> to vector<100x128xf32>
    %mul3A_41 = arith.mulf %mul3A_36, %convert_element_type3A_40 : vector<100x128xf32>
    %slice3A = vector.extract_strided_slice %mul3A_41 {offsets = [0, 0], sizes = [1, 128], strides = [1, 1]} : vector<100x128xf32> to vector<1x128xf32>
    %iota3A = tpu.iota {dimensions = array<i32: 0>} : vector<128x128xi32>
    %iota3A_42 = tpu.iota {dimensions = array<i32: 1>} : vector<128x128xi32>
    %broadcast_in_dim3A = vector.shape_cast %slice3A : vector<1x128xf32> to vector<1x128xf32>
    %broadcast_in_dim3A_43 = vector.broadcast %broadcast_in_dim3A : vector<1x128xf32> to vector<128x128xf32>
    %eq3A = arith.cmpi eq, %iota3A, %iota3A_42 : vector<128x128xi32>
    %jit3A = arith.constant 0.000000e+00 : f32
    %broadcast_in_dim3A_44 = vector.broadcast %jit3A : f32 to vector<128x128xf32>
    %select_n3A = arith.select %eq3A, %broadcast_in_dim3A_43, %broadcast_in_dim3A_44 : vector<128x128xi1>, vector<128x128xf32>
    %reduce_sum3A = arith.constant dense<0.000000e+00> : vector<128xf32>
    %reduce_sum3A_45 = vector.multi_reduction <add>, %select_n3A, %reduce_sum3A [1] : vector<128x128xf32> to vector<128xf32>
    %broadcast_in_dim3A_46 = vector.shape_cast %reduce_sum3A_45 : vector<128xf32> to vector<128x1xf32>
    %slice3A_47 = vector.extract_strided_slice %mul3A_41 {offsets = [1, 0], sizes = [1, 128], strides = [1, 1]} : vector<100x128xf32> to vector<1x128xf32>
    %iota3A_48 = tpu.iota {dimensions = array<i32: 0>} : vector<128x128xi32>
    %iota3A_49 = tpu.iota {dimensions = array<i32: 1>} : vector<128x128xi32>
    %broadcast_in_dim3A_50 = vector.shape_cast %slice3A_47 : vector<1x128xf32> to vector<1x128xf32>
    %broadcast_in_dim3A_51 = vector.broadcast %broadcast_in_dim3A_50 : vector<1x128xf32> to vector<128x128xf32>
    %eq3A_52 = arith.cmpi eq, %iota3A_48, %iota3A_49 : vector<128x128xi32>
    %jit3A_53 = arith.constant 0.000000e+00 : f32
    %broadcast_in_dim3A_54 = vector.broadcast %jit3A_53 : f32 to vector<128x128xf32>
    %select_n3A_55 = arith.select %eq3A_52, %broadcast_in_dim3A_51, %broadcast_in_dim3A_54 : vector<128x128xi1>, vector<128x128xf32>
    %reduce_sum3A_56 = arith.constant dense<0.000000e+00> : vector<128xf32>
    %reduce_sum3A_57 = vector.multi_reduction <add>, %select_n3A_55, %reduce_sum3A_56 [1] : vector<128x128xf32> to vector<128xf32>
    %broadcast_in_dim3A_58 = vector.shape_cast %reduce_sum3A_57 : vector<128xf32> to vector<128x1xf32>
    %slice3A_59 = vector.extract_strided_slice %mul3A_41 {offsets = [2, 0], sizes = [1, 128], strides = [1, 1]} : vector<100x128xf32> to vector<1x128xf32>
    %iota3A_60 = tpu.iota {dimensions = array<i32: 0>} : vector<128x128xi32>
    %iota3A_61 = tpu.iota {dimensions = array<i32: 1>} : vector<128x128xi32>
    %broadcast_in_dim3A_62 = vector.shape_cast %slice3A_59 : vector<1x128xf32> to vector<1x128xf32>
    %broadcast_in_dim3A_63 = vector.broadcast %broadcast_in_dim3A_62 : vector<1x128xf32> to vector<128x128xf32>
    %eq3A_64 = arith.cmpi eq, %iota3A_60, %iota3A_61 : vector<128x128xi32>
    %jit3A_65 = arith.constant 0.000000e+00 : f32
    %broadcast_in_dim3A_66 = vector.broadcast %jit3A_65 : f32 to vector<128x128xf32>
    %select_n3A_67 = arith.select %eq3A_64, %broadcast_in_dim3A_63, %broadcast_in_dim3A_66 : vector<128x128xi1>, vector<128x128xf32>
    %reduce_sum3A_68 = arith.constant dense<0.000000e+00> : vector<128xf32>
    %reduce_sum3A_69 = vector.multi_reduction <add>, %select_n3A_67, %reduce_sum3A_68 [1] : vector<128x128xf32> to vector<128xf32>
    %broadcast_in_dim3A_70 = vector.shape_cast %reduce_sum3A_69 : vector<128xf32> to vector<128x1xf32>
    %slice3A_71 = vector.extract_strided_slice %mul3A_41 {offsets = [3, 0], sizes = [1, 128], strides = [1, 1]} : vector<100x128xf32> to vector<1x128xf32>
    %iota3A_72 = tpu.iota {dimensions = array<i32: 0>} : vector<128x128xi32>
    %iota3A_73 = tpu.iota {dimensions = array<i32: 1>} : vector<128x128xi32>
    %broadcast_in_dim3A_74 = vector.shape_cast %slice3A_71 : vector<1x128xf32> to vector<1x128xf32>
    %broadcast_in_dim3A_75 = vector.broadcast %broadcast_in_dim3A_74 : vector<1x128xf32> to vector<128x128xf32>
    %eq3A_76 = arith.cmpi eq, %iota3A_72, %iota3A_73 : vector<128x128xi32>
    %jit3A_77 = arith.constant 0.000000e+00 : f32
    %broadcast_in_dim3A_78 = vector.broadcast %jit3A_77 : f32 to vector<128x128xf32>
    %select_n3A_79 = arith.select %eq3A_76, %broadcast_in_dim3A_75, %broadcast_in_dim3A_78 : vector<128x128xi1>, vector<128x128xf32>
    %reduce_sum3A_80 = arith.constant dense<0.000000e+00> : vector<128xf32>
    %reduce_sum3A_81 = vector.multi_reduction <add>, %select_n3A_79, %reduce_sum3A_80 [1] : vector<128x128xf32> to vector<128xf32>
    %broadcast_in_dim3A_82 = vector.shape_cast %reduce_sum3A_81 : vector<128xf32> to vector<128x1xf32>
    %slice3A_83 = vector.extract_strided_slice %mul3A_41 {offsets = [4, 0], sizes = [1, 128], strides = [1, 1]} : vector<100x128xf32> to vector<1x128xf32>
    %iota3A_84 = tpu.iota {dimensions = array<i32: 0>} : vector<128x128xi32>
    %iota3A_85 = tpu.iota {dimensions = array<i32: 1>} : vector<128x128xi32>
    %broadcast_in_dim3A_86 = vector.shape_cast %slice3A_83 : vector<1x128xf32> to vector<1x128xf32>
    %broadcast_in_dim3A_87 = vector.broadcast %broadcast_in_dim3A_86 : vector<1x128xf32> to vector<128x128xf32>
    %eq3A_88 = arith.cmpi eq, %iota3A_84, %iota3A_85 : vector<128x128xi32>
    %jit3A_89 = arith.constant 0.000000e+00 : f32
    %broadcast_in_dim3A_90 = vector.broadcast %jit3A_89 : f32 to vector<128x128xf32>
    %select_n3A_91 = arith.select %eq3A_88, %broadcast_in_dim3A_87, %broadcast_in_dim3A_90 : vector<128x128xi1>, vector<128x128xf32>
    %reduce_sum3A_92 = arith.constant dense<0.000000e+00> : vector<128xf32>
    %reduce_sum3A_93 = vector.multi_reduction <add>, %select_n3A_91, %reduce_sum3A_92 [1] : vector<128x128xf32> to vector<128xf32>
    %broadcast_in_dim3A_94 = vector.shape_cast %reduce_sum3A_93 : vector<128xf32> to vector<128x1xf32>
    %slice3A_95 = vector.extract_strided_slice %mul3A_41 {offsets = [5, 0], sizes = [1, 128], strides = [1, 1]} : vector<100x128xf32> to vector<1x128xf32>
    %iota3A_96 = tpu.iota {dimensions = array<i32: 0>} : vector<128x128xi32>
    %iota3A_97 = tpu.iota {dimensions = array<i32: 1>} : vector<128x128xi32>
    %broadcast_in_dim3A_98 = vector.shape_cast %slice3A_95 : vector<1x128xf32> to vector<1x128xf32>
    %broadcast_in_dim3A_99 = vector.broadcast %broadcast_in_dim3A_98 : vector<1x128xf32> to vector<128x128xf32>
    %eq3A_100 = arith.cmpi eq, %iota3A_96, %iota3A_97 : vector<128x128xi32>
    %jit3A_101 = arith.constant 0.000000e+00 : f32
    %broadcast_in_dim3A_102 = vector.broadcast %jit3A_101 : f32 to vector<128x128xf32>
    %select_n3A_103 = arith.select %eq3A_100, %broadcast_in_dim3A_99, %broadcast_in_dim3A_102 : vector<128x128xi1>, vector<128x128xf32>
    %reduce_sum3A_104 = arith.constant dense<0.000000e+00> : vector<128xf32>
    %reduce_sum3A_105 = vector.multi_reduction <add>, %select_n3A_103, %reduce_sum3A_104 [1] : vector<128x128xf32> to vector<128xf32>
    %broadcast_in_dim3A_106 = vector.shape_cast %reduce_sum3A_105 : vector<128xf32> to vector<128x1xf32>
    %slice3A_107 = vector.extract_strided_slice %mul3A_41 {offsets = [6, 0], sizes = [1, 128], strides = [1, 1]} : vector<100x128xf32> to vector<1x128xf32>
    %iota3A_108 = tpu.iota {dimensions = array<i32: 0>} : vector<128x128xi32>
    %iota3A_109 = tpu.iota {dimensions = array<i32: 1>} : vector<128x128xi32>
    %broadcast_in_dim3A_110 = vector.shape_cast %slice3A_107 : vector<1x128xf32> to vector<1x128xf32>
    %broadcast_in_dim3A_111 = vector.broadcast %broadcast_in_dim3A_110 : vector<1x128xf32> to vector<128x128xf32>
    %eq3A_112 = arith.cmpi eq, %iota3A_108, %iota3A_109 : vector<128x128xi32>
    %jit3A_113 = arith.constant 0.000000e+00 : f32
    %broadcast_in_dim3A_114 = vector.broadcast %jit3A_113 : f32 to vector<128x128xf32>
    %select_n3A_115 = arith.select %eq3A_112, %broadcast_in_dim3A_111, %broadcast_in_dim3A_114 : vector<128x128xi1>, vector<128x128xf32>
    %reduce_sum3A_116 = arith.constant dense<0.000000e+00> : vector<128xf32>
    %reduce_sum3A_117 = vector.multi_reduction <add>, %select_n3A_115, %reduce_sum3A_116 [1] : vector<128x128xf32> to vector<128xf32>
    %broadcast_in_dim3A_118 = vector.shape_cast %reduce_sum3A_117 : vector<128xf32> to vector<128x1xf32>
    %slice3A_119 = vector.extract_strided_slice %mul3A_41 {offsets = [7, 0], sizes = [1, 128], strides = [1, 1]} : vector<100x128xf32> to vector<1x128xf32>
    %iota3A_120 = tpu.iota {dimensions = array<i32: 0>} : vector<128x128xi32>
    %iota3A_121 = tpu.iota {dimensions = array<i32: 1>} : vector<128x128xi32>
    %broadcast_in_dim3A_122 = vector.shape_cast %slice3A_119 : vector<1x128xf32> to vector<1x128xf32>
    %broadcast_in_dim3A_123 = vector.broadcast %broadcast_in_dim3A_122 : vector<1x128xf32> to vector<128x128xf32>
    %eq3A_124 = arith.cmpi eq, %iota3A_120, %iota3A_121 : vector<128x128xi32>
    %jit3A_125 = arith.constant 0.000000e+00 : f32
    %broadcast_in_dim3A_126 = vector.broadcast %jit3A_125 : f32 to vector<128x128xf32>
    %select_n3A_127 = arith.select %eq3A_124, %broadcast_in_dim3A_123, %broadcast_in_dim3A_126 : vector<128x128xi1>, vector<128x128xf32>
    %reduce_sum3A_128 = arith.constant dense<0.000000e+00> : vector<128xf32>
    %reduce_sum3A_129 = vector.multi_reduction <add>, %select_n3A_127, %reduce_sum3A_128 [1] : vector<128x128xf32> to vector<128xf32>
    %broadcast_in_dim3A_130 = vector.shape_cast %reduce_sum3A_129 : vector<128xf32> to vector<128x1xf32>
    %slice3A_131 = vector.extract_strided_slice %mul3A_41 {offsets = [8, 0], sizes = [1, 128], strides = [1, 1]} : vector<100x128xf32> to vector<1x128xf32>
    %iota3A_132 = tpu.iota {dimensions = array<i32: 0>} : vector<128x128xi32>
    %iota3A_133 = tpu.iota {dimensions = array<i32: 1>} : vector<128x128xi32>
    %broadcast_in_dim3A_134 = vector.shape_cast %slice3A_131 : vector<1x128xf32> to vector<1x128xf32>
    %broadcast_in_dim3A_135 = vector.broadcast %broadcast_in_dim3A_134 : vector<1x128xf32> to vector<128x128xf32>
    %eq3A_136 = arith.cmpi eq, %iota3A_132, %iota3A_133 : vector<128x128xi32>
    %jit3A_137 = arith.constant 0.000000e+00 : f32
    %broadcast_in_dim3A_138 = vector.broadcast %jit3A_137 : f32 to vector<128x128xf32>
    %select_n3A_139 = arith.select %eq3A_136, %broadcast_in_dim3A_135, %broadcast_in_dim3A_138 : vector<128x128xi1>, vector<128x128xf32>
    %reduce_sum3A_140 = arith.constant dense<0.000000e+00> : vector<128xf32>
    %reduce_sum3A_141 = vector.multi_reduction <add>, %select_n3A_139, %reduce_sum3A_140 [1] : vector<128x128xf32> to vector<128xf32>
    %broadcast_in_dim3A_142 = vector.shape_cast %reduce_sum3A_141 : vector<128xf32> to vector<128x1xf32>
    %slice3A_143 = vector.extract_strided_slice %mul3A_41 {offsets = [9, 0], sizes = [1, 128], strides = [1, 1]} : vector<100x128xf32> to vector<1x128xf32>
    %iota3A_144 = tpu.iota {dimensions = array<i32: 0>} : vector<128x128xi32>
    %iota3A_145 = tpu.iota {dimensions = array<i32: 1>} : vector<128x128xi32>
    %broadcast_in_dim3A_146 = vector.shape_cast %slice3A_143 : vector<1x128xf32> to vector<1x128xf32>
    %broadcast_in_dim3A_147 = vector.broadcast %broadcast_in_dim3A_146 : vector<1x128xf32> to vector<128x128xf32>
    %eq3A_148 = arith.cmpi eq, %iota3A_144, %iota3A_145 : vector<128x128xi32>
    %jit3A_149 = arith.constant 0.000000e+00 : f32
    %broadcast_in_dim3A_150 = vector.broadcast %jit3A_149 : f32 to vector<128x128xf32>
    %select_n3A_151 = arith.select %eq3A_148, %broadcast_in_dim3A_147, %broadcast_in_dim3A_150 : vector<128x128xi1>, vector<128x128xf32>
    %reduce_sum3A_152 = arith.constant dense<0.000000e+00> : vector<128xf32>
    %reduce_sum3A_153 = vector.multi_reduction <add>, %select_n3A_151, %reduce_sum3A_152 [1] : vector<128x128xf32> to vector<128xf32>
    %broadcast_in_dim3A_154 = vector.shape_cast %reduce_sum3A_153 : vector<128xf32> to vector<128x1xf32>
    %slice3A_155 = vector.extract_strided_slice %mul3A_41 {offsets = [10, 0], sizes = [1, 128], strides = [1, 1]} : vector<100x128xf32> to vector<1x128xf32>
    %iota3A_156 = tpu.iota {dimensions = array<i32: 0>} : vector<128x128xi32>
    %iota3A_157 = tpu.iota {dimensions = array<i32: 1>} : vector<128x128xi32>
    %broadcast_in_dim3A_158 = vector.shape_cast %slice3A_155 : vector<1x128xf32> to vector<1x128xf32>
    %broadcast_in_dim3A_159 = vector.broadcast %broadcast_in_dim3A_158 : vector<1x128xf32> to vector<128x128xf32>
    %eq3A_160 = arith.cmpi eq, %iota3A_156, %iota3A_157 : vector<128x128xi32>
    %jit3A_161 = arith.constant 0.000000e+00 : f32
    %broadcast_in_dim3A_162 = vector.broadcast %jit3A_161 : f32 to vector<128x128xf32>
    %select_n3A_163 = arith.select %eq3A_160, %broadcast_in_dim3A_159, %broadcast_in_dim3A_162 : vector<128x128xi1>, vector<128x128xf32>
    %reduce_sum3A_164 = arith.constant dense<0.000000e+00> : vector<128xf32>
    %reduce_sum3A_165 = vector.multi_reduction <add>, %select_n3A_163, %reduce_sum3A_164 [1] : vector<128x128xf32> to vector<128xf32>
    %broadcast_in_dim3A_166 = vector.shape_cast %reduce_sum3A_165 : vector<128xf32> to vector<128x1xf32>
    %slice3A_167 = vector.extract_strided_slice %mul3A_41 {offsets = [11, 0], sizes = [1, 128], strides = [1, 1]} : vector<100x128xf32> to vector<1x128xf32>
    %iota3A_168 = tpu.iota {dimensions = array<i32: 0>} : vector<128x128xi32>
    %iota3A_169 = tpu.iota {dimensions = array<i32: 1>} : vector<128x128xi32>
    %broadcast_in_dim3A_170 = vector.shape_cast %slice3A_167 : vector<1x128xf32> to vector<1x128xf32>
    %broadcast_in_dim3A_171 = vector.broadcast %broadcast_in_dim3A_170 : vector<1x128xf32> to vector<128x128xf32>
    %eq3A_172 = arith.cmpi eq, %iota3A_168, %iota3A_169 : vector<128x128xi32>
    %jit3A_173 = arith.constant 0.000000e+00 : f32
    %broadcast_in_dim3A_174 = vector.broadcast %jit3A_173 : f32 to vector<128x128xf32>
    %select_n3A_175 = arith.select %eq3A_172, %broadcast_in_dim3A_171, %broadcast_in_dim3A_174 : vector<128x128xi1>, vector<128x128xf32>
    %reduce_sum3A_176 = arith.constant dense<0.000000e+00> : vector<128xf32>
    %reduce_sum3A_177 = vector.multi_reduction <add>, %select_n3A_175, %reduce_sum3A_176 [1] : vector<128x128xf32> to vector<128xf32>
    %broadcast_in_dim3A_178 = vector.shape_cast %reduce_sum3A_177 : vector<128xf32> to vector<128x1xf32>
    %slice3A_179 = vector.extract_strided_slice %mul3A_41 {offsets = [12, 0], sizes = [1, 128], strides = [1, 1]} : vector<100x128xf32> to vector<1x128xf32>
    %iota3A_180 = tpu.iota {dimensions = array<i32: 0>} : vector<128x128xi32>
    %iota3A_181 = tpu.iota {dimensions = array<i32: 1>} : vector<128x128xi32>
    %broadcast_in_dim3A_182 = vector.shape_cast %slice3A_179 : vector<1x128xf32> to vector<1x128xf32>
    %broadcast_in_dim3A_183 = vector.broadcast %broadcast_in_dim3A_182 : vector<1x128xf32> to vector<128x128xf32>
    %eq3A_184 = arith.cmpi eq, %iota3A_180, %iota3A_181 : vector<128x128xi32>
    %jit3A_185 = arith.constant 0.000000e+00 : f32
    %broadcast_in_dim3A_186 = vector.broadcast %jit3A_185 : f32 to vector<128x128xf32>
    %select_n3A_187 = arith.select %eq3A_184, %broadcast_in_dim3A_183, %broadcast_in_dim3A_186 : vector<128x128xi1>, vector<128x128xf32>
    %reduce_sum3A_188 = arith.constant dense<0.000000e+00> : vector<128xf32>
    %reduce_sum3A_189 = vector.multi_reduction <add>, %select_n3A_187, %reduce_sum3A_188 [1] : vector<128x128xf32> to vector<128xf32>
    %broadcast_in_dim3A_190 = vector.shape_cast %reduce_sum3A_189 : vector<128xf32> to vector<128x1xf32>
    %slice3A_191 = vector.extract_strided_slice %mul3A_41 {offsets = [13, 0], sizes = [1, 128], strides = [1, 1]} : vector<100x128xf32> to vector<1x128xf32>
    %iota3A_192 = tpu.iota {dimensions = array<i32: 0>} : vector<128x128xi32>
    %iota3A_193 = tpu.iota {dimensions = array<i32: 1>} : vector<128x128xi32>
    %broadcast_in_dim3A_194 = vector.shape_cast %slice3A_191 : vector<1x128xf32> to vector<1x128xf32>
    %broadcast_in_dim3A_195 = vector.broadcast %broadcast_in_dim3A_194 : vector<1x128xf32> to vector<128x128xf32>
    %eq3A_196 = arith.cmpi eq, %iota3A_192, %iota3A_193 : vector<128x128xi32>
    %jit3A_197 = arith.constant 0.000000e+00 : f32
    %broadcast_in_dim3A_198 = vector.broadcast %jit3A_197 : f32 to vector<128x128xf32>
    %select_n3A_199 = arith.select %eq3A_196, %broadcast_in_dim3A_195, %broadcast_in_dim3A_198 : vector<128x128xi1>, vector<128x128xf32>
    %reduce_sum3A_200 = arith.constant dense<0.000000e+00> : vector<128xf32>
    %reduce_sum3A_201 = vector.multi_reduction <add>, %select_n3A_199, %reduce_sum3A_200 [1] : vector<128x128xf32> to vector<128xf32>
    %broadcast_in_dim3A_202 = vector.shape_cast %reduce_sum3A_201 : vector<128xf32> to vector<128x1xf32>
    %slice3A_203 = vector.extract_strided_slice %mul3A_41 {offsets = [14, 0], sizes = [1, 128], strides = [1, 1]} : vector<100x128xf32> to vector<1x128xf32>
    %iota3A_204 = tpu.iota {dimensions = array<i32: 0>} : vector<128x128xi32>
    %iota3A_205 = tpu.iota {dimensions = array<i32: 1>} : vector<128x128xi32>
    %broadcast_in_dim3A_206 = vector.shape_cast %slice3A_203 : vector<1x128xf32> to vector<1x128xf32>
    %broadcast_in_dim3A_207 = vector.broadcast %broadcast_in_dim3A_206 : vector<1x128xf32> to vector<128x128xf32>
    %eq3A_208 = arith.cmpi eq, %iota3A_204, %iota3A_205 : vector<128x128xi32>
    %jit3A_209 = arith.constant 0.000000e+00 : f32
    %broadcast_in_dim3A_210 = vector.broadcast %jit3A_209 : f32 to vector<128x128xf32>
    %select_n3A_211 = arith.select %eq3A_208, %broadcast_in_dim3A_207, %broadcast_in_dim3A_210 : vector<128x128xi1>, vector<128x128xf32>
    %reduce_sum3A_212 = arith.constant dense<0.000000e+00> : vector<128xf32>
    %reduce_sum3A_213 = vector.multi_reduction <add>, %select_n3A_211, %reduce_sum3A_212 [1] : vector<128x128xf32> to vector<128xf32>
    %broadcast_in_dim3A_214 = vector.shape_cast %reduce_sum3A_213 : vector<128xf32> to vector<128x1xf32>
    %slice3A_215 = vector.extract_strided_slice %mul3A_41 {offsets = [15, 0], sizes = [1, 128], strides = [1, 1]} : vector<100x128xf32> to vector<1x128xf32>
    %iota3A_216 = tpu.iota {dimensions = array<i32: 0>} : vector<128x128xi32>
    %iota3A_217 = tpu.iota {dimensions = array<i32: 1>} : vector<128x128xi32>
    %broadcast_in_dim3A_218 = vector.shape_cast %slice3A_215 : vector<1x128xf32> to vector<1x128xf32>
    %broadcast_in_dim3A_219 = vector.broadcast %broadcast_in_dim3A_218 : vector<1x128xf32> to vector<128x128xf32>
    %eq3A_220 = arith.cmpi eq, %iota3A_216, %iota3A_217 : vector<128x128xi32>
    %jit3A_221 = arith.constant 0.000000e+00 : f32
    %broadcast_in_dim3A_222 = vector.broadcast %jit3A_221 : f32 to vector<128x128xf32>
    %select_n3A_223 = arith.select %eq3A_220, %broadcast_in_dim3A_219, %broadcast_in_dim3A_222 : vector<128x128xi1>, vector<128x128xf32>
    %reduce_sum3A_224 = arith.constant dense<0.000000e+00> : vector<128xf32>
    %reduce_sum3A_225 = vector.multi_reduction <add>, %select_n3A_223, %reduce_sum3A_224 [1] : vector<128x128xf32> to vector<128xf32>
    %broadcast_in_dim3A_226 = vector.shape_cast %reduce_sum3A_225 : vector<128xf32> to vector<128x1xf32>
    %slice3A_227 = vector.extract_strided_slice %mul3A_41 {offsets = [16, 0], sizes = [1, 128], strides = [1, 1]} : vector<100x128xf32> to vector<1x128xf32>
    %iota3A_228 = tpu.iota {dimensions = array<i32: 0>} : vector<128x128xi32>
    %iota3A_229 = tpu.iota {dimensions = array<i32: 1>} : vector<128x128xi32>
    %broadcast_in_dim3A_230 = vector.shape_cast %slice3A_227 : vector<1x128xf32> to vector<1x128xf32>
    %broadcast_in_dim3A_231 = vector.broadcast %broadcast_in_dim3A_230 : vector<1x128xf32> to vector<128x128xf32>
    %eq3A_232 = arith.cmpi eq, %iota3A_228, %iota3A_229 : vector<128x128xi32>
    %jit3A_233 = arith.constant 0.000000e+00 : f32
    %broadcast_in_dim3A_234 = vector.broadcast %jit3A_233 : f32 to vector<128x128xf32>
    %select_n3A_235 = arith.select %eq3A_232, %broadcast_in_dim3A_231, %broadcast_in_dim3A_234 : vector<128x128xi1>, vector<128x128xf32>
    %reduce_sum3A_236 = arith.constant dense<0.000000e+00> : vector<128xf32>
    %reduce_sum3A_237 = vector.multi_reduction <add>, %select_n3A_235, %reduce_sum3A_236 [1] : vector<128x128xf32> to vector<128xf32>
    %broadcast_in_dim3A_238 = vector.shape_cast %reduce_sum3A_237 : vector<128xf32> to vector<128x1xf32>
    %slice3A_239 = vector.extract_strided_slice %mul3A_41 {offsets = [17, 0], sizes = [1, 128], strides = [1, 1]} : vector<100x128xf32> to vector<1x128xf32>
    %iota3A_240 = tpu.iota {dimensions = array<i32: 0>} : vector<128x128xi32>
    %iota3A_241 = tpu.iota {dimensions = array<i32: 1>} : vector<128x128xi32>
    %broadcast_in_dim3A_242 = vector.shape_cast %slice3A_239 : vector<1x128xf32> to vector<1x128xf32>
    %broadcast_in_dim3A_243 = vector.broadcast %broadcast_in_dim3A_242 : vector<1x128xf32> to vector<128x128xf32>
    %eq3A_244 = arith.cmpi eq, %iota3A_240, %iota3A_241 : vector<128x128xi32>
    %jit3A_245 = arith.constant 0.000000e+00 : f32
    %broadcast_in_dim3A_246 = vector.broadcast %jit3A_245 : f32 to vector<128x128xf32>
    %select_n3A_247 = arith.select %eq3A_244, %broadcast_in_dim3A_243, %broadcast_in_dim3A_246 : vector<128x128xi1>, vector<128x128xf32>
    %reduce_sum3A_248 = arith.constant dense<0.000000e+00> : vector<128xf32>
    %reduce_sum3A_249 = vector.multi_reduction <add>, %select_n3A_247, %reduce_sum3A_248 [1] : vector<128x128xf32> to vector<128xf32>
    %broadcast_in_dim3A_250 = vector.shape_cast %reduce_sum3A_249 : vector<128xf32> to vector<128x1xf32>
    %slice3A_251 = vector.extract_strided_slice %mul3A_41 {offsets = [18, 0], sizes = [1, 128], strides = [1, 1]} : vector<100x128xf32> to vector<1x128xf32>
    %iota3A_252 = tpu.iota {dimensions = array<i32: 0>} : vector<128x128xi32>
    %iota3A_253 = tpu.iota {dimensions = array<i32: 1>} : vector<128x128xi32>
    %broadcast_in_dim3A_254 = vector.shape_cast %slice3A_251 : vector<1x128xf32> to vector<1x128xf32>
    %broadcast_in_dim3A_255 = vector.broadcast %broadcast_in_dim3A_254 : vector<1x128xf32> to vector<128x128xf32>
    %eq3A_256 = arith.cmpi eq, %iota3A_252, %iota3A_253 : vector<128x128xi32>
    %jit3A_257 = arith.constant 0.000000e+00 : f32
    %broadcast_in_dim3A_258 = vector.broadcast %jit3A_257 : f32 to vector<128x128xf32>
    %select_n3A_259 = arith.select %eq3A_256, %broadcast_in_dim3A_255, %broadcast_in_dim3A_258 : vector<128x128xi1>, vector<128x128xf32>
    %reduce_sum3A_260 = arith.constant dense<0.000000e+00> : vector<128xf32>
    %reduce_sum3A_261 = vector.multi_reduction <add>, %select_n3A_259, %reduce_sum3A_260 [1] : vector<128x128xf32> to vector<128xf32>
    %broadcast_in_dim3A_262 = vector.shape_cast %reduce_sum3A_261 : vector<128xf32> to vector<128x1xf32>
    %slice3A_263 = vector.extract_strided_slice %mul3A_41 {offsets = [19, 0], sizes = [1, 128], strides = [1, 1]} : vector<100x128xf32> to vector<1x128xf32>
    %iota3A_264 = tpu.iota {dimensions = array<i32: 0>} : vector<128x128xi32>
    %iota3A_265 = tpu.iota {dimensions = array<i32: 1>} : vector<128x128xi32>
    %broadcast_in_dim3A_266 = vector.shape_cast %slice3A_263 : vector<1x128xf32> to vector<1x128xf32>
    %broadcast_in_dim3A_267 = vector.broadcast %broadcast_in_dim3A_266 : vector<1x128xf32> to vector<128x128xf32>
    %eq3A_268 = arith.cmpi eq, %iota3A_264, %iota3A_265 : vector<128x128xi32>
    %jit3A_269 = arith.constant 0.000000e+00 : f32
    %broadcast_in_dim3A_270 = vector.broadcast %jit3A_269 : f32 to vector<128x128xf32>
    %select_n3A_271 = arith.select %eq3A_268, %broadcast_in_dim3A_267, %broadcast_in_dim3A_270 : vector<128x128xi1>, vector<128x128xf32>
    %reduce_sum3A_272 = arith.constant dense<0.000000e+00> : vector<128xf32>
    %reduce_sum3A_273 = vector.multi_reduction <add>, %select_n3A_271, %reduce_sum3A_272 [1] : vector<128x128xf32> to vector<128xf32>
    %broadcast_in_dim3A_274 = vector.shape_cast %reduce_sum3A_273 : vector<128xf32> to vector<128x1xf32>
    %slice3A_275 = vector.extract_strided_slice %mul3A_41 {offsets = [20, 0], sizes = [1, 128], strides = [1, 1]} : vector<100x128xf32> to vector<1x128xf32>
    %iota3A_276 = tpu.iota {dimensions = array<i32: 0>} : vector<128x128xi32>
    %iota3A_277 = tpu.iota {dimensions = array<i32: 1>} : vector<128x128xi32>
    %broadcast_in_dim3A_278 = vector.shape_cast %slice3A_275 : vector<1x128xf32> to vector<1x128xf32>
    %broadcast_in_dim3A_279 = vector.broadcast %broadcast_in_dim3A_278 : vector<1x128xf32> to vector<128x128xf32>
    %eq3A_280 = arith.cmpi eq, %iota3A_276, %iota3A_277 : vector<128x128xi32>
    %jit3A_281 = arith.constant 0.000000e+00 : f32
    %broadcast_in_dim3A_282 = vector.broadcast %jit3A_281 : f32 to vector<128x128xf32>
    %select_n3A_283 = arith.select %eq3A_280, %broadcast_in_dim3A_279, %broadcast_in_dim3A_282 : vector<128x128xi1>, vector<128x128xf32>
    %reduce_sum3A_284 = arith.constant dense<0.000000e+00> : vector<128xf32>
    %reduce_sum3A_285 = vector.multi_reduction <add>, %select_n3A_283, %reduce_sum3A_284 [1] : vector<128x128xf32> to vector<128xf32>
    %broadcast_in_dim3A_286 = vector.shape_cast %reduce_sum3A_285 : vector<128xf32> to vector<128x1xf32>
    %slice3A_287 = vector.extract_strided_slice %mul3A_41 {offsets = [21, 0], sizes = [1, 128], strides = [1, 1]} : vector<100x128xf32> to vector<1x128xf32>
    %iota3A_288 = tpu.iota {dimensions = array<i32: 0>} : vector<128x128xi32>
    %iota3A_289 = tpu.iota {dimensions = array<i32: 1>} : vector<128x128xi32>
    %broadcast_in_dim3A_290 = vector.shape_cast %slice3A_287 : vector<1x128xf32> to vector<1x128xf32>
    %broadcast_in_dim3A_291 = vector.broadcast %broadcast_in_dim3A_290 : vector<1x128xf32> to vector<128x128xf32>
    %eq3A_292 = arith.cmpi eq, %iota3A_288, %iota3A_289 : vector<128x128xi32>
    %jit3A_293 = arith.constant 0.000000e+00 : f32
    %broadcast_in_dim3A_294 = vector.broadcast %jit3A_293 : f32 to vector<128x128xf32>
    %select_n3A_295 = arith.select %eq3A_292, %broadcast_in_dim3A_291, %broadcast_in_dim3A_294 : vector<128x128xi1>, vector<128x128xf32>
    %reduce_sum3A_296 = arith.constant dense<0.000000e+00> : vector<128xf32>
    %reduce_sum3A_297 = vector.multi_reduction <add>, %select_n3A_295, %reduce_sum3A_296 [1] : vector<128x128xf32> to vector<128xf32>
    %broadcast_in_dim3A_298 = vector.shape_cast %reduce_sum3A_297 : vector<128xf32> to vector<128x1xf32>
    %slice3A_299 = vector.extract_strided_slice %mul3A_41 {offsets = [22, 0], sizes = [1, 128], strides = [1, 1]} : vector<100x128xf32> to vector<1x128xf32>
    %iota3A_300 = tpu.iota {dimensions = array<i32: 0>} : vector<128x128xi32>
    %iota3A_301 = tpu.iota {dimensions = array<i32: 1>} : vector<128x128xi32>
    %broadcast_in_dim3A_302 = vector.shape_cast %slice3A_299 : vector<1x128xf32> to vector<1x128xf32>
    %broadcast_in_dim3A_303 = vector.broadcast %broadcast_in_dim3A_302 : vector<1x128xf32> to vector<128x128xf32>
    %eq3A_304 = arith.cmpi eq, %iota3A_300, %iota3A_301 : vector<128x128xi32>
    %jit3A_305 = arith.constant 0.000000e+00 : f32
    %broadcast_in_dim3A_306 = vector.broadcast %jit3A_305 : f32 to vector<128x128xf32>
    %select_n3A_307 = arith.select %eq3A_304, %broadcast_in_dim3A_303, %broadcast_in_dim3A_306 : vector<128x128xi1>, vector<128x128xf32>
    %reduce_sum3A_308 = arith.constant dense<0.000000e+00> : vector<128xf32>
    %reduce_sum3A_309 = vector.multi_reduction <add>, %select_n3A_307, %reduce_sum3A_308 [1] : vector<128x128xf32> to vector<128xf32>
    %broadcast_in_dim3A_310 = vector.shape_cast %reduce_sum3A_309 : vector<128xf32> to vector<128x1xf32>
    %slice3A_311 = vector.extract_strided_slice %mul3A_41 {offsets = [23, 0], sizes = [1, 128], strides = [1, 1]} : vector<100x128xf32> to vector<1x128xf32>
    %iota3A_312 = tpu.iota {dimensions = array<i32: 0>} : vector<128x128xi32>
    %iota3A_313 = tpu.iota {dimensions = array<i32: 1>} : vector<128x128xi32>
    %broadcast_in_dim3A_314 = vector.shape_cast %slice3A_311 : vector<1x128xf32> to vector<1x128xf32>
    %broadcast_in_dim3A_315 = vector.broadcast %broadcast_in_dim3A_314 : vector<1x128xf32> to vector<128x128xf32>
    %eq3A_316 = arith.cmpi eq, %iota3A_312, %iota3A_313 : vector<128x128xi32>
    %jit3A_317 = arith.constant 0.000000e+00 : f32
    %broadcast_in_dim3A_318 = vector.broadcast %jit3A_317 : f32 to vector<128x128xf32>
    %select_n3A_319 = arith.select %eq3A_316, %broadcast_in_dim3A_315, %broadcast_in_dim3A_318 : vector<128x128xi1>, vector<128x128xf32>
    %reduce_sum3A_320 = arith.constant dense<0.000000e+00> : vector<128xf32>
    %reduce_sum3A_321 = vector.multi_reduction <add>, %select_n3A_319, %reduce_sum3A_320 [1] : vector<128x128xf32> to vector<128xf32>
    %broadcast_in_dim3A_322 = vector.shape_cast %reduce_sum3A_321 : vector<128xf32> to vector<128x1xf32>
    %slice3A_323 = vector.extract_strided_slice %mul3A_41 {offsets = [24, 0], sizes = [1, 128], strides = [1, 1]} : vector<100x128xf32> to vector<1x128xf32>
    %iota3A_324 = tpu.iota {dimensions = array<i32: 0>} : vector<128x128xi32>
    %iota3A_325 = tpu.iota {dimensions = array<i32: 1>} : vector<128x128xi32>
    %broadcast_in_dim3A_326 = vector.shape_cast %slice3A_323 : vector<1x128xf32> to vector<1x128xf32>
    %broadcast_in_dim3A_327 = vector.broadcast %broadcast_in_dim3A_326 : vector<1x128xf32> to vector<128x128xf32>
    %eq3A_328 = arith.cmpi eq, %iota3A_324, %iota3A_325 : vector<128x128xi32>
    %jit3A_329 = arith.constant 0.000000e+00 : f32
    %broadcast_in_dim3A_330 = vector.broadcast %jit3A_329 : f32 to vector<128x128xf32>
    %select_n3A_331 = arith.select %eq3A_328, %broadcast_in_dim3A_327, %broadcast_in_dim3A_330 : vector<128x128xi1>, vector<128x128xf32>
    %reduce_sum3A_332 = arith.constant dense<0.000000e+00> : vector<128xf32>
    %reduce_sum3A_333 = vector.multi_reduction <add>, %select_n3A_331, %reduce_sum3A_332 [1] : vector<128x128xf32> to vector<128xf32>
    %broadcast_in_dim3A_334 = vector.shape_cast %reduce_sum3A_333 : vector<128xf32> to vector<128x1xf32>
    %slice3A_335 = vector.extract_strided_slice %mul3A_41 {offsets = [25, 0], sizes = [1, 128], strides = [1, 1]} : vector<100x128xf32> to vector<1x128xf32>
    %iota3A_336 = tpu.iota {dimensions = array<i32: 0>} : vector<128x128xi32>
    %iota3A_337 = tpu.iota {dimensions = array<i32: 1>} : vector<128x128xi32>
    %broadcast_in_dim3A_338 = vector.shape_cast %slice3A_335 : vector<1x128xf32> to vector<1x128xf32>
    %broadcast_in_dim3A_339 = vector.broadcast %broadcast_in_dim3A_338 : vector<1x128xf32> to vector<128x128xf32>
    %eq3A_340 = arith.cmpi eq, %iota3A_336, %iota3A_337 : vector<128x128xi32>
    %jit3A_341 = arith.constant 0.000000e+00 : f32
    %broadcast_in_dim3A_342 = vector.broadcast %jit3A_341 : f32 to vector<128x128xf32>
    %select_n3A_343 = arith.select %eq3A_340, %broadcast_in_dim3A_339, %broadcast_in_dim3A_342 : vector<128x128xi1>, vector<128x128xf32>
    %reduce_sum3A_344 = arith.constant dense<0.000000e+00> : vector<128xf32>
    %reduce_sum3A_345 = vector.multi_reduction <add>, %select_n3A_343, %reduce_sum3A_344 [1] : vector<128x128xf32> to vector<128xf32>
    %broadcast_in_dim3A_346 = vector.shape_cast %reduce_sum3A_345 : vector<128xf32> to vector<128x1xf32>
    %slice3A_347 = vector.extract_strided_slice %mul3A_41 {offsets = [26, 0], sizes = [1, 128], strides = [1, 1]} : vector<100x128xf32> to vector<1x128xf32>
    %iota3A_348 = tpu.iota {dimensions = array<i32: 0>} : vector<128x128xi32>
    %iota3A_349 = tpu.iota {dimensions = array<i32: 1>} : vector<128x128xi32>
    %broadcast_in_dim3A_350 = vector.shape_cast %slice3A_347 : vector<1x128xf32> to vector<1x128xf32>
    %broadcast_in_dim3A_351 = vector.broadcast %broadcast_in_dim3A_350 : vector<1x128xf32> to vector<128x128xf32>
    %eq3A_352 = arith.cmpi eq, %iota3A_348, %iota3A_349 : vector<128x128xi32>
    %jit3A_353 = arith.constant 0.000000e+00 : f32
    %broadcast_in_dim3A_354 = vector.broadcast %jit3A_353 : f32 to vector<128x128xf32>
    %select_n3A_355 = arith.select %eq3A_352, %broadcast_in_dim3A_351, %broadcast_in_dim3A_354 : vector<128x128xi1>, vector<128x128xf32>
    %reduce_sum3A_356 = arith.constant dense<0.000000e+00> : vector<128xf32>
    %reduce_sum3A_357 = vector.multi_reduction <add>, %select_n3A_355, %reduce_sum3A_356 [1] : vector<128x128xf32> to vector<128xf32>
    %broadcast_in_dim3A_358 = vector.shape_cast %reduce_sum3A_357 : vector<128xf32> to vector<128x1xf32>
    %slice3A_359 = vector.extract_strided_slice %mul3A_41 {offsets = [27, 0], sizes = [1, 128], strides = [1, 1]} : vector<100x128xf32> to vector<1x128xf32>
    %iota3A_360 = tpu.iota {dimensions = array<i32: 0>} : vector<128x128xi32>
    %iota3A_361 = tpu.iota {dimensions = array<i32: 1>} : vector<128x128xi32>
    %broadcast_in_dim3A_362 = vector.shape_cast %slice3A_359 : vector<1x128xf32> to vector<1x128xf32>
    %broadcast_in_dim3A_363 = vector.broadcast %broadcast_in_dim3A_362 : vector<1x128xf32> to vector<128x128xf32>
    %eq3A_364 = arith.cmpi eq, %iota3A_360, %iota3A_361 : vector<128x128xi32>
    %jit3A_365 = arith.constant 0.000000e+00 : f32
    %broadcast_in_dim3A_366 = vector.broadcast %jit3A_365 : f32 to vector<128x128xf32>
    %select_n3A_367 = arith.select %eq3A_364, %broadcast_in_dim3A_363, %broadcast_in_dim3A_366 : vector<128x128xi1>, vector<128x128xf32>
    %reduce_sum3A_368 = arith.constant dense<0.000000e+00> : vector<128xf32>
    %reduce_sum3A_369 = vector.multi_reduction <add>, %select_n3A_367, %reduce_sum3A_368 [1] : vector<128x128xf32> to vector<128xf32>
    %broadcast_in_dim3A_370 = vector.shape_cast %reduce_sum3A_369 : vector<128xf32> to vector<128x1xf32>
    %slice3A_371 = vector.extract_strided_slice %mul3A_41 {offsets = [28, 0], sizes = [1, 128], strides = [1, 1]} : vector<100x128xf32> to vector<1x128xf32>
    %iota3A_372 = tpu.iota {dimensions = array<i32: 0>} : vector<128x128xi32>
    %iota3A_373 = tpu.iota {dimensions = array<i32: 1>} : vector<128x128xi32>
    %broadcast_in_dim3A_374 = vector.shape_cast %slice3A_371 : vector<1x128xf32> to vector<1x128xf32>
    %broadcast_in_dim3A_375 = vector.broadcast %broadcast_in_dim3A_374 : vector<1x128xf32> to vector<128x128xf32>
    %eq3A_376 = arith.cmpi eq, %iota3A_372, %iota3A_373 : vector<128x128xi32>
    %jit3A_377 = arith.constant 0.000000e+00 : f32
    %broadcast_in_dim3A_378 = vector.broadcast %jit3A_377 : f32 to vector<128x128xf32>
    %select_n3A_379 = arith.select %eq3A_376, %broadcast_in_dim3A_375, %broadcast_in_dim3A_378 : vector<128x128xi1>, vector<128x128xf32>
    %reduce_sum3A_380 = arith.constant dense<0.000000e+00> : vector<128xf32>
    %reduce_sum3A_381 = vector.multi_reduction <add>, %select_n3A_379, %reduce_sum3A_380 [1] : vector<128x128xf32> to vector<128xf32>
    %broadcast_in_dim3A_382 = vector.shape_cast %reduce_sum3A_381 : vector<128xf32> to vector<128x1xf32>
    %slice3A_383 = vector.extract_strided_slice %mul3A_41 {offsets = [29, 0], sizes = [1, 128], strides = [1, 1]} : vector<100x128xf32> to vector<1x128xf32>
    %iota3A_384 = tpu.iota {dimensions = array<i32: 0>} : vector<128x128xi32>
    %iota3A_385 = tpu.iota {dimensions = array<i32: 1>} : vector<128x128xi32>
    %broadcast_in_dim3A_386 = vector.shape_cast %slice3A_383 : vector<1x128xf32> to vector<1x128xf32>
    %broadcast_in_dim3A_387 = vector.broadcast %broadcast_in_dim3A_386 : vector<1x128xf32> to vector<128x128xf32>
    %eq3A_388 = arith.cmpi eq, %iota3A_384, %iota3A_385 : vector<128x128xi32>
    %jit3A_389 = arith.constant 0.000000e+00 : f32
    %broadcast_in_dim3A_390 = vector.broadcast %jit3A_389 : f32 to vector<128x128xf32>
    %select_n3A_391 = arith.select %eq3A_388, %broadcast_in_dim3A_387, %broadcast_in_dim3A_390 : vector<128x128xi1>, vector<128x128xf32>
    %reduce_sum3A_392 = arith.constant dense<0.000000e+00> : vector<128xf32>
    %reduce_sum3A_393 = vector.multi_reduction <add>, %select_n3A_391, %reduce_sum3A_392 [1] : vector<128x128xf32> to vector<128xf32>
    %broadcast_in_dim3A_394 = vector.shape_cast %reduce_sum3A_393 : vector<128xf32> to vector<128x1xf32>
    %slice3A_395 = vector.extract_strided_slice %mul3A_41 {offsets = [30, 0], sizes = [1, 128], strides = [1, 1]} : vector<100x128xf32> to vector<1x128xf32>
    %iota3A_396 = tpu.iota {dimensions = array<i32: 0>} : vector<128x128xi32>
    %iota3A_397 = tpu.iota {dimensions = array<i32: 1>} : vector<128x128xi32>
    %broadcast_in_dim3A_398 = vector.shape_cast %slice3A_395 : vector<1x128xf32> to vector<1x128xf32>
    %broadcast_in_dim3A_399 = vector.broadcast %broadcast_in_dim3A_398 : vector<1x128xf32> to vector<128x128xf32>
    %eq3A_400 = arith.cmpi eq, %iota3A_396, %iota3A_397 : vector<128x128xi32>
    %jit3A_401 = arith.constant 0.000000e+00 : f32
    %broadcast_in_dim3A_402 = vector.broadcast %jit3A_401 : f32 to vector<128x128xf32>
    %select_n3A_403 = arith.select %eq3A_400, %broadcast_in_dim3A_399, %broadcast_in_dim3A_402 : vector<128x128xi1>, vector<128x128xf32>
    %reduce_sum3A_404 = arith.constant dense<0.000000e+00> : vector<128xf32>
    %reduce_sum3A_405 = vector.multi_reduction <add>, %select_n3A_403, %reduce_sum3A_404 [1] : vector<128x128xf32> to vector<128xf32>
    %broadcast_in_dim3A_406 = vector.shape_cast %reduce_sum3A_405 : vector<128xf32> to vector<128x1xf32>
    %slice3A_407 = vector.extract_strided_slice %mul3A_41 {offsets = [31, 0], sizes = [1, 128], strides = [1, 1]} : vector<100x128xf32> to vector<1x128xf32>
    %iota3A_408 = tpu.iota {dimensions = array<i32: 0>} : vector<128x128xi32>
    %iota3A_409 = tpu.iota {dimensions = array<i32: 1>} : vector<128x128xi32>
    %broadcast_in_dim3A_410 = vector.shape_cast %slice3A_407 : vector<1x128xf32> to vector<1x128xf32>
    %broadcast_in_dim3A_411 = vector.broadcast %broadcast_in_dim3A_410 : vector<1x128xf32> to vector<128x128xf32>
    %eq3A_412 = arith.cmpi eq, %iota3A_408, %iota3A_409 : vector<128x128xi32>
    %jit3A_413 = arith.constant 0.000000e+00 : f32
    %broadcast_in_dim3A_414 = vector.broadcast %jit3A_413 : f32 to vector<128x128xf32>
    %select_n3A_415 = arith.select %eq3A_412, %broadcast_in_dim3A_411, %broadcast_in_dim3A_414 : vector<128x128xi1>, vector<128x128xf32>
    %reduce_sum3A_416 = arith.constant dense<0.000000e+00> : vector<128xf32>
    %reduce_sum3A_417 = vector.multi_reduction <add>, %select_n3A_415, %reduce_sum3A_416 [1] : vector<128x128xf32> to vector<128xf32>
    %broadcast_in_dim3A_418 = vector.shape_cast %reduce_sum3A_417 : vector<128xf32> to vector<128x1xf32>
    %slice3A_419 = vector.extract_strided_slice %mul3A_41 {offsets = [32, 0], sizes = [1, 128], strides = [1, 1]} : vector<100x128xf32> to vector<1x128xf32>
    %iota3A_420 = tpu.iota {dimensions = array<i32: 0>} : vector<128x128xi32>
    %iota3A_421 = tpu.iota {dimensions = array<i32: 1>} : vector<128x128xi32>
    %broadcast_in_dim3A_422 = vector.shape_cast %slice3A_419 : vector<1x128xf32> to vector<1x128xf32>
    %broadcast_in_dim3A_423 = vector.broadcast %broadcast_in_dim3A_422 : vector<1x128xf32> to vector<128x128xf32>
    %eq3A_424 = arith.cmpi eq, %iota3A_420, %iota3A_421 : vector<128x128xi32>
    %jit3A_425 = arith.constant 0.000000e+00 : f32
    %broadcast_in_dim3A_426 = vector.broadcast %jit3A_425 : f32 to vector<128x128xf32>
    %select_n3A_427 = arith.select %eq3A_424, %broadcast_in_dim3A_423, %broadcast_in_dim3A_426 : vector<128x128xi1>, vector<128x128xf32>
    %reduce_sum3A_428 = arith.constant dense<0.000000e+00> : vector<128xf32>
    %reduce_sum3A_429 = vector.multi_reduction <add>, %select_n3A_427, %reduce_sum3A_428 [1] : vector<128x128xf32> to vector<128xf32>
    %broadcast_in_dim3A_430 = vector.shape_cast %reduce_sum3A_429 : vector<128xf32> to vector<128x1xf32>
    %slice3A_431 = vector.extract_strided_slice %mul3A_41 {offsets = [33, 0], sizes = [1, 128], strides = [1, 1]} : vector<100x128xf32> to vector<1x128xf32>
    %iota3A_432 = tpu.iota {dimensions = array<i32: 0>} : vector<128x128xi32>
    %iota3A_433 = tpu.iota {dimensions = array<i32: 1>} : vector<128x128xi32>
    %broadcast_in_dim3A_434 = vector.shape_cast %slice3A_431 : vector<1x128xf32> to vector<1x128xf32>
    %broadcast_in_dim3A_435 = vector.broadcast %broadcast_in_dim3A_434 : vector<1x128xf32> to vector<128x128xf32>
    %eq3A_436 = arith.cmpi eq, %iota3A_432, %iota3A_433 : vector<128x128xi32>
    %jit3A_437 = arith.constant 0.000000e+00 : f32
    %broadcast_in_dim3A_438 = vector.broadcast %jit3A_437 : f32 to vector<128x128xf32>
    %select_n3A_439 = arith.select %eq3A_436, %broadcast_in_dim3A_435, %broadcast_in_dim3A_438 : vector<128x128xi1>, vector<128x128xf32>
    %reduce_sum3A_440 = arith.constant dense<0.000000e+00> : vector<128xf32>
    %reduce_sum3A_441 = vector.multi_reduction <add>, %select_n3A_439, %reduce_sum3A_440 [1] : vector<128x128xf32> to vector<128xf32>
    %broadcast_in_dim3A_442 = vector.shape_cast %reduce_sum3A_441 : vector<128xf32> to vector<128x1xf32>
    %slice3A_443 = vector.extract_strided_slice %mul3A_41 {offsets = [34, 0], sizes = [1, 128], strides = [1, 1]} : vector<100x128xf32> to vector<1x128xf32>
    %iota3A_444 = tpu.iota {dimensions = array<i32: 0>} : vector<128x128xi32>
    %iota3A_445 = tpu.iota {dimensions = array<i32: 1>} : vector<128x128xi32>
    %broadcast_in_dim3A_446 = vector.shape_cast %slice3A_443 : vector<1x128xf32> to vector<1x128xf32>
    %broadcast_in_dim3A_447 = vector.broadcast %broadcast_in_dim3A_446 : vector<1x128xf32> to vector<128x128xf32>
    %eq3A_448 = arith.cmpi eq, %iota3A_444, %iota3A_445 : vector<128x128xi32>
    %jit3A_449 = arith.constant 0.000000e+00 : f32
    %broadcast_in_dim3A_450 = vector.broadcast %jit3A_449 : f32 to vector<128x128xf32>
    %select_n3A_451 = arith.select %eq3A_448, %broadcast_in_dim3A_447, %broadcast_in_dim3A_450 : vector<128x128xi1>, vector<128x128xf32>
    %reduce_sum3A_452 = arith.constant dense<0.000000e+00> : vector<128xf32>
    %reduce_sum3A_453 = vector.multi_reduction <add>, %select_n3A_451, %reduce_sum3A_452 [1] : vector<128x128xf32> to vector<128xf32>
    %broadcast_in_dim3A_454 = vector.shape_cast %reduce_sum3A_453 : vector<128xf32> to vector<128x1xf32>
    %slice3A_455 = vector.extract_strided_slice %mul3A_41 {offsets = [35, 0], sizes = [1, 128], strides = [1, 1]} : vector<100x128xf32> to vector<1x128xf32>
    %iota3A_456 = tpu.iota {dimensions = array<i32: 0>} : vector<128x128xi32>
    %iota3A_457 = tpu.iota {dimensions = array<i32: 1>} : vector<128x128xi32>
    %broadcast_in_dim3A_458 = vector.shape_cast %slice3A_455 : vector<1x128xf32> to vector<1x128xf32>
    %broadcast_in_dim3A_459 = vector.broadcast %broadcast_in_dim3A_458 : vector<1x128xf32> to vector<128x128xf32>
    %eq3A_460 = arith.cmpi eq, %iota3A_456, %iota3A_457 : vector<128x128xi32>
    %jit3A_461 = arith.constant 0.000000e+00 : f32
    %broadcast_in_dim3A_462 = vector.broadcast %jit3A_461 : f32 to vector<128x128xf32>
    %select_n3A_463 = arith.select %eq3A_460, %broadcast_in_dim3A_459, %broadcast_in_dim3A_462 : vector<128x128xi1>, vector<128x128xf32>
    %reduce_sum3A_464 = arith.constant dense<0.000000e+00> : vector<128xf32>
    %reduce_sum3A_465 = vector.multi_reduction <add>, %select_n3A_463, %reduce_sum3A_464 [1] : vector<128x128xf32> to vector<128xf32>
    %broadcast_in_dim3A_466 = vector.shape_cast %reduce_sum3A_465 : vector<128xf32> to vector<128x1xf32>
    %slice3A_467 = vector.extract_strided_slice %mul3A_41 {offsets = [36, 0], sizes = [1, 128], strides = [1, 1]} : vector<100x128xf32> to vector<1x128xf32>
    %iota3A_468 = tpu.iota {dimensions = array<i32: 0>} : vector<128x128xi32>
    %iota3A_469 = tpu.iota {dimensions = array<i32: 1>} : vector<128x128xi32>
    %broadcast_in_dim3A_470 = vector.shape_cast %slice3A_467 : vector<1x128xf32> to vector<1x128xf32>
    %broadcast_in_dim3A_471 = vector.broadcast %broadcast_in_dim3A_470 : vector<1x128xf32> to vector<128x128xf32>
    %eq3A_472 = arith.cmpi eq, %iota3A_468, %iota3A_469 : vector<128x128xi32>
    %jit3A_473 = arith.constant 0.000000e+00 : f32
    %broadcast_in_dim3A_474 = vector.broadcast %jit3A_473 : f32 to vector<128x128xf32>
    %select_n3A_475 = arith.select %eq3A_472, %broadcast_in_dim3A_471, %broadcast_in_dim3A_474 : vector<128x128xi1>, vector<128x128xf32>
    %reduce_sum3A_476 = arith.constant dense<0.000000e+00> : vector<128xf32>
    %reduce_sum3A_477 = vector.multi_reduction <add>, %select_n3A_475, %reduce_sum3A_476 [1] : vector<128x128xf32> to vector<128xf32>
    %broadcast_in_dim3A_478 = vector.shape_cast %reduce_sum3A_477 : vector<128xf32> to vector<128x1xf32>
    %slice3A_479 = vector.extract_strided_slice %mul3A_41 {offsets = [37, 0], sizes = [1, 128], strides = [1, 1]} : vector<100x128xf32> to vector<1x128xf32>
    %iota3A_480 = tpu.iota {dimensions = array<i32: 0>} : vector<128x128xi32>
    %iota3A_481 = tpu.iota {dimensions = array<i32: 1>} : vector<128x128xi32>
    %broadcast_in_dim3A_482 = vector.shape_cast %slice3A_479 : vector<1x128xf32> to vector<1x128xf32>
    %broadcast_in_dim3A_483 = vector.broadcast %broadcast_in_dim3A_482 : vector<1x128xf32> to vector<128x128xf32>
    %eq3A_484 = arith.cmpi eq, %iota3A_480, %iota3A_481 : vector<128x128xi32>
    %jit3A_485 = arith.constant 0.000000e+00 : f32
    %broadcast_in_dim3A_486 = vector.broadcast %jit3A_485 : f32 to vector<128x128xf32>
    %select_n3A_487 = arith.select %eq3A_484, %broadcast_in_dim3A_483, %broadcast_in_dim3A_486 : vector<128x128xi1>, vector<128x128xf32>
    %reduce_sum3A_488 = arith.constant dense<0.000000e+00> : vector<128xf32>
    %reduce_sum3A_489 = vector.multi_reduction <add>, %select_n3A_487, %reduce_sum3A_488 [1] : vector<128x128xf32> to vector<128xf32>
    %broadcast_in_dim3A_490 = vector.shape_cast %reduce_sum3A_489 : vector<128xf32> to vector<128x1xf32>
    %slice3A_491 = vector.extract_strided_slice %mul3A_41 {offsets = [38, 0], sizes = [1, 128], strides = [1, 1]} : vector<100x128xf32> to vector<1x128xf32>
    %iota3A_492 = tpu.iota {dimensions = array<i32: 0>} : vector<128x128xi32>
    %iota3A_493 = tpu.iota {dimensions = array<i32: 1>} : vector<128x128xi32>
    %broadcast_in_dim3A_494 = vector.shape_cast %slice3A_491 : vector<1x128xf32> to vector<1x128xf32>
    %broadcast_in_dim3A_495 = vector.broadcast %broadcast_in_dim3A_494 : vector<1x128xf32> to vector<128x128xf32>
    %eq3A_496 = arith.cmpi eq, %iota3A_492, %iota3A_493 : vector<128x128xi32>
    %jit3A_497 = arith.constant 0.000000e+00 : f32
    %broadcast_in_dim3A_498 = vector.broadcast %jit3A_497 : f32 to vector<128x128xf32>
    %select_n3A_499 = arith.select %eq3A_496, %broadcast_in_dim3A_495, %broadcast_in_dim3A_498 : vector<128x128xi1>, vector<128x128xf32>
    %reduce_sum3A_500 = arith.constant dense<0.000000e+00> : vector<128xf32>
    %reduce_sum3A_501 = vector.multi_reduction <add>, %select_n3A_499, %reduce_sum3A_500 [1] : vector<128x128xf32> to vector<128xf32>
    %broadcast_in_dim3A_502 = vector.shape_cast %reduce_sum3A_501 : vector<128xf32> to vector<128x1xf32>
    %slice3A_503 = vector.extract_strided_slice %mul3A_41 {offsets = [39, 0], sizes = [1, 128], strides = [1, 1]} : vector<100x128xf32> to vector<1x128xf32>
    %iota3A_504 = tpu.iota {dimensions = array<i32: 0>} : vector<128x128xi32>
    %iota3A_505 = tpu.iota {dimensions = array<i32: 1>} : vector<128x128xi32>
    %broadcast_in_dim3A_506 = vector.shape_cast %slice3A_503 : vector<1x128xf32> to vector<1x128xf32>
    %broadcast_in_dim3A_507 = vector.broadcast %broadcast_in_dim3A_506 : vector<1x128xf32> to vector<128x128xf32>
    %eq3A_508 = arith.cmpi eq, %iota3A_504, %iota3A_505 : vector<128x128xi32>
    %jit3A_509 = arith.constant 0.000000e+00 : f32
    %broadcast_in_dim3A_510 = vector.broadcast %jit3A_509 : f32 to vector<128x128xf32>
    %select_n3A_511 = arith.select %eq3A_508, %broadcast_in_dim3A_507, %broadcast_in_dim3A_510 : vector<128x128xi1>, vector<128x128xf32>
    %reduce_sum3A_512 = arith.constant dense<0.000000e+00> : vector<128xf32>
    %reduce_sum3A_513 = vector.multi_reduction <add>, %select_n3A_511, %reduce_sum3A_512 [1] : vector<128x128xf32> to vector<128xf32>
    %broadcast_in_dim3A_514 = vector.shape_cast %reduce_sum3A_513 : vector<128xf32> to vector<128x1xf32>
    %slice3A_515 = vector.extract_strided_slice %mul3A_41 {offsets = [40, 0], sizes = [1, 128], strides = [1, 1]} : vector<100x128xf32> to vector<1x128xf32>
    %iota3A_516 = tpu.iota {dimensions = array<i32: 0>} : vector<128x128xi32>
    %iota3A_517 = tpu.iota {dimensions = array<i32: 1>} : vector<128x128xi32>
    %broadcast_in_dim3A_518 = vector.shape_cast %slice3A_515 : vector<1x128xf32> to vector<1x128xf32>
    %broadcast_in_dim3A_519 = vector.broadcast %broadcast_in_dim3A_518 : vector<1x128xf32> to vector<128x128xf32>
    %eq3A_520 = arith.cmpi eq, %iota3A_516, %iota3A_517 : vector<128x128xi32>
    %jit3A_521 = arith.constant 0.000000e+00 : f32
    %broadcast_in_dim3A_522 = vector.broadcast %jit3A_521 : f32 to vector<128x128xf32>
    %select_n3A_523 = arith.select %eq3A_520, %broadcast_in_dim3A_519, %broadcast_in_dim3A_522 : vector<128x128xi1>, vector<128x128xf32>
    %reduce_sum3A_524 = arith.constant dense<0.000000e+00> : vector<128xf32>
    %reduce_sum3A_525 = vector.multi_reduction <add>, %select_n3A_523, %reduce_sum3A_524 [1] : vector<128x128xf32> to vector<128xf32>
    %broadcast_in_dim3A_526 = vector.shape_cast %reduce_sum3A_525 : vector<128xf32> to vector<128x1xf32>
    %slice3A_527 = vector.extract_strided_slice %mul3A_41 {offsets = [41, 0], sizes = [1, 128], strides = [1, 1]} : vector<100x128xf32> to vector<1x128xf32>
    %iota3A_528 = tpu.iota {dimensions = array<i32: 0>} : vector<128x128xi32>
    %iota3A_529 = tpu.iota {dimensions = array<i32: 1>} : vector<128x128xi32>
    %broadcast_in_dim3A_530 = vector.shape_cast %slice3A_527 : vector<1x128xf32> to vector<1x128xf32>
    %broadcast_in_dim3A_531 = vector.broadcast %broadcast_in_dim3A_530 : vector<1x128xf32> to vector<128x128xf32>
    %eq3A_532 = arith.cmpi eq, %iota3A_528, %iota3A_529 : vector<128x128xi32>
    %jit3A_533 = arith.constant 0.000000e+00 : f32
    %broadcast_in_dim3A_534 = vector.broadcast %jit3A_533 : f32 to vector<128x128xf32>
    %select_n3A_535 = arith.select %eq3A_532, %broadcast_in_dim3A_531, %broadcast_in_dim3A_534 : vector<128x128xi1>, vector<128x128xf32>
    %reduce_sum3A_536 = arith.constant dense<0.000000e+00> : vector<128xf32>
    %reduce_sum3A_537 = vector.multi_reduction <add>, %select_n3A_535, %reduce_sum3A_536 [1] : vector<128x128xf32> to vector<128xf32>
    %broadcast_in_dim3A_538 = vector.shape_cast %reduce_sum3A_537 : vector<128xf32> to vector<128x1xf32>
    %slice3A_539 = vector.extract_strided_slice %mul3A_41 {offsets = [42, 0], sizes = [1, 128], strides = [1, 1]} : vector<100x128xf32> to vector<1x128xf32>
    %iota3A_540 = tpu.iota {dimensions = array<i32: 0>} : vector<128x128xi32>
    %iota3A_541 = tpu.iota {dimensions = array<i32: 1>} : vector<128x128xi32>
    %broadcast_in_dim3A_542 = vector.shape_cast %slice3A_539 : vector<1x128xf32> to vector<1x128xf32>
    %broadcast_in_dim3A_543 = vector.broadcast %broadcast_in_dim3A_542 : vector<1x128xf32> to vector<128x128xf32>
    %eq3A_544 = arith.cmpi eq, %iota3A_540, %iota3A_541 : vector<128x128xi32>
    %jit3A_545 = arith.constant 0.000000e+00 : f32
    %broadcast_in_dim3A_546 = vector.broadcast %jit3A_545 : f32 to vector<128x128xf32>
    %select_n3A_547 = arith.select %eq3A_544, %broadcast_in_dim3A_543, %broadcast_in_dim3A_546 : vector<128x128xi1>, vector<128x128xf32>
    %reduce_sum3A_548 = arith.constant dense<0.000000e+00> : vector<128xf32>
    %reduce_sum3A_549 = vector.multi_reduction <add>, %select_n3A_547, %reduce_sum3A_548 [1] : vector<128x128xf32> to vector<128xf32>
    %broadcast_in_dim3A_550 = vector.shape_cast %reduce_sum3A_549 : vector<128xf32> to vector<128x1xf32>
    %slice3A_551 = vector.extract_strided_slice %mul3A_41 {offsets = [43, 0], sizes = [1, 128], strides = [1, 1]} : vector<100x128xf32> to vector<1x128xf32>
    %iota3A_552 = tpu.iota {dimensions = array<i32: 0>} : vector<128x128xi32>
    %iota3A_553 = tpu.iota {dimensions = array<i32: 1>} : vector<128x128xi32>
    %broadcast_in_dim3A_554 = vector.shape_cast %slice3A_551 : vector<1x128xf32> to vector<1x128xf32>
    %broadcast_in_dim3A_555 = vector.broadcast %broadcast_in_dim3A_554 : vector<1x128xf32> to vector<128x128xf32>
    %eq3A_556 = arith.cmpi eq, %iota3A_552, %iota3A_553 : vector<128x128xi32>
    %jit3A_557 = arith.constant 0.000000e+00 : f32
    %broadcast_in_dim3A_558 = vector.broadcast %jit3A_557 : f32 to vector<128x128xf32>
    %select_n3A_559 = arith.select %eq3A_556, %broadcast_in_dim3A_555, %broadcast_in_dim3A_558 : vector<128x128xi1>, vector<128x128xf32>
    %reduce_sum3A_560 = arith.constant dense<0.000000e+00> : vector<128xf32>
    %reduce_sum3A_561 = vector.multi_reduction <add>, %select_n3A_559, %reduce_sum3A_560 [1] : vector<128x128xf32> to vector<128xf32>
    %broadcast_in_dim3A_562 = vector.shape_cast %reduce_sum3A_561 : vector<128xf32> to vector<128x1xf32>
    %slice3A_563 = vector.extract_strided_slice %mul3A_41 {offsets = [44, 0], sizes = [1, 128], strides = [1, 1]} : vector<100x128xf32> to vector<1x128xf32>
    %iota3A_564 = tpu.iota {dimensions = array<i32: 0>} : vector<128x128xi32>
    %iota3A_565 = tpu.iota {dimensions = array<i32: 1>} : vector<128x128xi32>
    %broadcast_in_dim3A_566 = vector.shape_cast %slice3A_563 : vector<1x128xf32> to vector<1x128xf32>
    %broadcast_in_dim3A_567 = vector.broadcast %broadcast_in_dim3A_566 : vector<1x128xf32> to vector<128x128xf32>
    %eq3A_568 = arith.cmpi eq, %iota3A_564, %iota3A_565 : vector<128x128xi32>
    %jit3A_569 = arith.constant 0.000000e+00 : f32
    %broadcast_in_dim3A_570 = vector.broadcast %jit3A_569 : f32 to vector<128x128xf32>
    %select_n3A_571 = arith.select %eq3A_568, %broadcast_in_dim3A_567, %broadcast_in_dim3A_570 : vector<128x128xi1>, vector<128x128xf32>
    %reduce_sum3A_572 = arith.constant dense<0.000000e+00> : vector<128xf32>
    %reduce_sum3A_573 = vector.multi_reduction <add>, %select_n3A_571, %reduce_sum3A_572 [1] : vector<128x128xf32> to vector<128xf32>
    %broadcast_in_dim3A_574 = vector.shape_cast %reduce_sum3A_573 : vector<128xf32> to vector<128x1xf32>
    %slice3A_575 = vector.extract_strided_slice %mul3A_41 {offsets = [45, 0], sizes = [1, 128], strides = [1, 1]} : vector<100x128xf32> to vector<1x128xf32>
    %iota3A_576 = tpu.iota {dimensions = array<i32: 0>} : vector<128x128xi32>
    %iota3A_577 = tpu.iota {dimensions = array<i32: 1>} : vector<128x128xi32>
    %broadcast_in_dim3A_578 = vector.shape_cast %slice3A_575 : vector<1x128xf32> to vector<1x128xf32>
    %broadcast_in_dim3A_579 = vector.broadcast %broadcast_in_dim3A_578 : vector<1x128xf32> to vector<128x128xf32>
    %eq3A_580 = arith.cmpi eq, %iota3A_576, %iota3A_577 : vector<128x128xi32>
    %jit3A_581 = arith.constant 0.000000e+00 : f32
    %broadcast_in_dim3A_582 = vector.broadcast %jit3A_581 : f32 to vector<128x128xf32>
    %select_n3A_583 = arith.select %eq3A_580, %broadcast_in_dim3A_579, %broadcast_in_dim3A_582 : vector<128x128xi1>, vector<128x128xf32>
    %reduce_sum3A_584 = arith.constant dense<0.000000e+00> : vector<128xf32>
    %reduce_sum3A_585 = vector.multi_reduction <add>, %select_n3A_583, %reduce_sum3A_584 [1] : vector<128x128xf32> to vector<128xf32>
    %broadcast_in_dim3A_586 = vector.shape_cast %reduce_sum3A_585 : vector<128xf32> to vector<128x1xf32>
    %slice3A_587 = vector.extract_strided_slice %mul3A_41 {offsets = [46, 0], sizes = [1, 128], strides = [1, 1]} : vector<100x128xf32> to vector<1x128xf32>
    %iota3A_588 = tpu.iota {dimensions = array<i32: 0>} : vector<128x128xi32>
    %iota3A_589 = tpu.iota {dimensions = array<i32: 1>} : vector<128x128xi32>
    %broadcast_in_dim3A_590 = vector.shape_cast %slice3A_587 : vector<1x128xf32> to vector<1x128xf32>
    %broadcast_in_dim3A_591 = vector.broadcast %broadcast_in_dim3A_590 : vector<1x128xf32> to vector<128x128xf32>
    %eq3A_592 = arith.cmpi eq, %iota3A_588, %iota3A_589 : vector<128x128xi32>
    %jit3A_593 = arith.constant 0.000000e+00 : f32
    %broadcast_in_dim3A_594 = vector.broadcast %jit3A_593 : f32 to vector<128x128xf32>
    %select_n3A_595 = arith.select %eq3A_592, %broadcast_in_dim3A_591, %broadcast_in_dim3A_594 : vector<128x128xi1>, vector<128x128xf32>
    %reduce_sum3A_596 = arith.constant dense<0.000000e+00> : vector<128xf32>
    %reduce_sum3A_597 = vector.multi_reduction <add>, %select_n3A_595, %reduce_sum3A_596 [1] : vector<128x128xf32> to vector<128xf32>
    %broadcast_in_dim3A_598 = vector.shape_cast %reduce_sum3A_597 : vector<128xf32> to vector<128x1xf32>
    %slice3A_599 = vector.extract_strided_slice %mul3A_41 {offsets = [47, 0], sizes = [1, 128], strides = [1, 1]} : vector<100x128xf32> to vector<1x128xf32>
    %iota3A_600 = tpu.iota {dimensions = array<i32: 0>} : vector<128x128xi32>
    %iota3A_601 = tpu.iota {dimensions = array<i32: 1>} : vector<128x128xi32>
    %broadcast_in_dim3A_602 = vector.shape_cast %slice3A_599 : vector<1x128xf32> to vector<1x128xf32>
    %broadcast_in_dim3A_603 = vector.broadcast %broadcast_in_dim3A_602 : vector<1x128xf32> to vector<128x128xf32>
    %eq3A_604 = arith.cmpi eq, %iota3A_600, %iota3A_601 : vector<128x128xi32>
    %jit3A_605 = arith.constant 0.000000e+00 : f32
    %broadcast_in_dim3A_606 = vector.broadcast %jit3A_605 : f32 to vector<128x128xf32>
    %select_n3A_607 = arith.select %eq3A_604, %broadcast_in_dim3A_603, %broadcast_in_dim3A_606 : vector<128x128xi1>, vector<128x128xf32>
    %reduce_sum3A_608 = arith.constant dense<0.000000e+00> : vector<128xf32>
    %reduce_sum3A_609 = vector.multi_reduction <add>, %select_n3A_607, %reduce_sum3A_608 [1] : vector<128x128xf32> to vector<128xf32>
    %broadcast_in_dim3A_610 = vector.shape_cast %reduce_sum3A_609 : vector<128xf32> to vector<128x1xf32>
    %slice3A_611 = vector.extract_strided_slice %mul3A_41 {offsets = [48, 0], sizes = [1, 128], strides = [1, 1]} : vector<100x128xf32> to vector<1x128xf32>
    %iota3A_612 = tpu.iota {dimensions = array<i32: 0>} : vector<128x128xi32>
    %iota3A_613 = tpu.iota {dimensions = array<i32: 1>} : vector<128x128xi32>
    %broadcast_in_dim3A_614 = vector.shape_cast %slice3A_611 : vector<1x128xf32> to vector<1x128xf32>
    %broadcast_in_dim3A_615 = vector.broadcast %broadcast_in_dim3A_614 : vector<1x128xf32> to vector<128x128xf32>
    %eq3A_616 = arith.cmpi eq, %iota3A_612, %iota3A_613 : vector<128x128xi32>
    %jit3A_617 = arith.constant 0.000000e+00 : f32
    %broadcast_in_dim3A_618 = vector.broadcast %jit3A_617 : f32 to vector<128x128xf32>
    %select_n3A_619 = arith.select %eq3A_616, %broadcast_in_dim3A_615, %broadcast_in_dim3A_618 : vector<128x128xi1>, vector<128x128xf32>
    %reduce_sum3A_620 = arith.constant dense<0.000000e+00> : vector<128xf32>
    %reduce_sum3A_621 = vector.multi_reduction <add>, %select_n3A_619, %reduce_sum3A_620 [1] : vector<128x128xf32> to vector<128xf32>
    %broadcast_in_dim3A_622 = vector.shape_cast %reduce_sum3A_621 : vector<128xf32> to vector<128x1xf32>
    %slice3A_623 = vector.extract_strided_slice %mul3A_41 {offsets = [49, 0], sizes = [1, 128], strides = [1, 1]} : vector<100x128xf32> to vector<1x128xf32>
    %iota3A_624 = tpu.iota {dimensions = array<i32: 0>} : vector<128x128xi32>
    %iota3A_625 = tpu.iota {dimensions = array<i32: 1>} : vector<128x128xi32>
    %broadcast_in_dim3A_626 = vector.shape_cast %slice3A_623 : vector<1x128xf32> to vector<1x128xf32>
    %broadcast_in_dim3A_627 = vector.broadcast %broadcast_in_dim3A_626 : vector<1x128xf32> to vector<128x128xf32>
    %eq3A_628 = arith.cmpi eq, %iota3A_624, %iota3A_625 : vector<128x128xi32>
    %jit3A_629 = arith.constant 0.000000e+00 : f32
    %broadcast_in_dim3A_630 = vector.broadcast %jit3A_629 : f32 to vector<128x128xf32>
    %select_n3A_631 = arith.select %eq3A_628, %broadcast_in_dim3A_627, %broadcast_in_dim3A_630 : vector<128x128xi1>, vector<128x128xf32>
    %reduce_sum3A_632 = arith.constant dense<0.000000e+00> : vector<128xf32>
    %reduce_sum3A_633 = vector.multi_reduction <add>, %select_n3A_631, %reduce_sum3A_632 [1] : vector<128x128xf32> to vector<128xf32>
    %broadcast_in_dim3A_634 = vector.shape_cast %reduce_sum3A_633 : vector<128xf32> to vector<128x1xf32>
    %slice3A_635 = vector.extract_strided_slice %mul3A_41 {offsets = [50, 0], sizes = [1, 128], strides = [1, 1]} : vector<100x128xf32> to vector<1x128xf32>
    %iota3A_636 = tpu.iota {dimensions = array<i32: 0>} : vector<128x128xi32>
    %iota3A_637 = tpu.iota {dimensions = array<i32: 1>} : vector<128x128xi32>
    %broadcast_in_dim3A_638 = vector.shape_cast %slice3A_635 : vector<1x128xf32> to vector<1x128xf32>
    %broadcast_in_dim3A_639 = vector.broadcast %broadcast_in_dim3A_638 : vector<1x128xf32> to vector<128x128xf32>
    %eq3A_640 = arith.cmpi eq, %iota3A_636, %iota3A_637 : vector<128x128xi32>
    %jit3A_641 = arith.constant 0.000000e+00 : f32
    %broadcast_in_dim3A_642 = vector.broadcast %jit3A_641 : f32 to vector<128x128xf32>
    %select_n3A_643 = arith.select %eq3A_640, %broadcast_in_dim3A_639, %broadcast_in_dim3A_642 : vector<128x128xi1>, vector<128x128xf32>
    %reduce_sum3A_644 = arith.constant dense<0.000000e+00> : vector<128xf32>
    %reduce_sum3A_645 = vector.multi_reduction <add>, %select_n3A_643, %reduce_sum3A_644 [1] : vector<128x128xf32> to vector<128xf32>
    %broadcast_in_dim3A_646 = vector.shape_cast %reduce_sum3A_645 : vector<128xf32> to vector<128x1xf32>
    %slice3A_647 = vector.extract_strided_slice %mul3A_41 {offsets = [51, 0], sizes = [1, 128], strides = [1, 1]} : vector<100x128xf32> to vector<1x128xf32>
    %iota3A_648 = tpu.iota {dimensions = array<i32: 0>} : vector<128x128xi32>
    %iota3A_649 = tpu.iota {dimensions = array<i32: 1>} : vector<128x128xi32>
    %broadcast_in_dim3A_650 = vector.shape_cast %slice3A_647 : vector<1x128xf32> to vector<1x128xf32>
    %broadcast_in_dim3A_651 = vector.broadcast %broadcast_in_dim3A_650 : vector<1x128xf32> to vector<128x128xf32>
    %eq3A_652 = arith.cmpi eq, %iota3A_648, %iota3A_649 : vector<128x128xi32>
    %jit3A_653 = arith.constant 0.000000e+00 : f32
    %broadcast_in_dim3A_654 = vector.broadcast %jit3A_653 : f32 to vector<128x128xf32>
    %select_n3A_655 = arith.select %eq3A_652, %broadcast_in_dim3A_651, %broadcast_in_dim3A_654 : vector<128x128xi1>, vector<128x128xf32>
    %reduce_sum3A_656 = arith.constant dense<0.000000e+00> : vector<128xf32>
    %reduce_sum3A_657 = vector.multi_reduction <add>, %select_n3A_655, %reduce_sum3A_656 [1] : vector<128x128xf32> to vector<128xf32>
    %broadcast_in_dim3A_658 = vector.shape_cast %reduce_sum3A_657 : vector<128xf32> to vector<128x1xf32>
    %slice3A_659 = vector.extract_strided_slice %mul3A_41 {offsets = [52, 0], sizes = [1, 128], strides = [1, 1]} : vector<100x128xf32> to vector<1x128xf32>
    %iota3A_660 = tpu.iota {dimensions = array<i32: 0>} : vector<128x128xi32>
    %iota3A_661 = tpu.iota {dimensions = array<i32: 1>} : vector<128x128xi32>
    %broadcast_in_dim3A_662 = vector.shape_cast %slice3A_659 : vector<1x128xf32> to vector<1x128xf32>
    %broadcast_in_dim3A_663 = vector.broadcast %broadcast_in_dim3A_662 : vector<1x128xf32> to vector<128x128xf32>
    %eq3A_664 = arith.cmpi eq, %iota3A_660, %iota3A_661 : vector<128x128xi32>
    %jit3A_665 = arith.constant 0.000000e+00 : f32
    %broadcast_in_dim3A_666 = vector.broadcast %jit3A_665 : f32 to vector<128x128xf32>
    %select_n3A_667 = arith.select %eq3A_664, %broadcast_in_dim3A_663, %broadcast_in_dim3A_666 : vector<128x128xi1>, vector<128x128xf32>
    %reduce_sum3A_668 = arith.constant dense<0.000000e+00> : vector<128xf32>
    %reduce_sum3A_669 = vector.multi_reduction <add>, %select_n3A_667, %reduce_sum3A_668 [1] : vector<128x128xf32> to vector<128xf32>
    %broadcast_in_dim3A_670 = vector.shape_cast %reduce_sum3A_669 : vector<128xf32> to vector<128x1xf32>
    %slice3A_671 = vector.extract_strided_slice %mul3A_41 {offsets = [53, 0], sizes = [1, 128], strides = [1, 1]} : vector<100x128xf32> to vector<1x128xf32>
    %iota3A_672 = tpu.iota {dimensions = array<i32: 0>} : vector<128x128xi32>
    %iota3A_673 = tpu.iota {dimensions = array<i32: 1>} : vector<128x128xi32>
    %broadcast_in_dim3A_674 = vector.shape_cast %slice3A_671 : vector<1x128xf32> to vector<1x128xf32>
    %broadcast_in_dim3A_675 = vector.broadcast %broadcast_in_dim3A_674 : vector<1x128xf32> to vector<128x128xf32>
    %eq3A_676 = arith.cmpi eq, %iota3A_672, %iota3A_673 : vector<128x128xi32>
    %jit3A_677 = arith.constant 0.000000e+00 : f32
    %broadcast_in_dim3A_678 = vector.broadcast %jit3A_677 : f32 to vector<128x128xf32>
    %select_n3A_679 = arith.select %eq3A_676, %broadcast_in_dim3A_675, %broadcast_in_dim3A_678 : vector<128x128xi1>, vector<128x128xf32>
    %reduce_sum3A_680 = arith.constant dense<0.000000e+00> : vector<128xf32>
    %reduce_sum3A_681 = vector.multi_reduction <add>, %select_n3A_679, %reduce_sum3A_680 [1] : vector<128x128xf32> to vector<128xf32>
    %broadcast_in_dim3A_682 = vector.shape_cast %reduce_sum3A_681 : vector<128xf32> to vector<128x1xf32>
    %slice3A_683 = vector.extract_strided_slice %mul3A_41 {offsets = [54, 0], sizes = [1, 128], strides = [1, 1]} : vector<100x128xf32> to vector<1x128xf32>
    %iota3A_684 = tpu.iota {dimensions = array<i32: 0>} : vector<128x128xi32>
    %iota3A_685 = tpu.iota {dimensions = array<i32: 1>} : vector<128x128xi32>
    %broadcast_in_dim3A_686 = vector.shape_cast %slice3A_683 : vector<1x128xf32> to vector<1x128xf32>
    %broadcast_in_dim3A_687 = vector.broadcast %broadcast_in_dim3A_686 : vector<1x128xf32> to vector<128x128xf32>
    %eq3A_688 = arith.cmpi eq, %iota3A_684, %iota3A_685 : vector<128x128xi32>
    %jit3A_689 = arith.constant 0.000000e+00 : f32
    %broadcast_in_dim3A_690 = vector.broadcast %jit3A_689 : f32 to vector<128x128xf32>
    %select_n3A_691 = arith.select %eq3A_688, %broadcast_in_dim3A_687, %broadcast_in_dim3A_690 : vector<128x128xi1>, vector<128x128xf32>
    %reduce_sum3A_692 = arith.constant dense<0.000000e+00> : vector<128xf32>
    %reduce_sum3A_693 = vector.multi_reduction <add>, %select_n3A_691, %reduce_sum3A_692 [1] : vector<128x128xf32> to vector<128xf32>
    %broadcast_in_dim3A_694 = vector.shape_cast %reduce_sum3A_693 : vector<128xf32> to vector<128x1xf32>
    %slice3A_695 = vector.extract_strided_slice %mul3A_41 {offsets = [55, 0], sizes = [1, 128], strides = [1, 1]} : vector<100x128xf32> to vector<1x128xf32>
    %iota3A_696 = tpu.iota {dimensions = array<i32: 0>} : vector<128x128xi32>
    %iota3A_697 = tpu.iota {dimensions = array<i32: 1>} : vector<128x128xi32>
    %broadcast_in_dim3A_698 = vector.shape_cast %slice3A_695 : vector<1x128xf32> to vector<1x128xf32>
    %broadcast_in_dim3A_699 = vector.broadcast %broadcast_in_dim3A_698 : vector<1x128xf32> to vector<128x128xf32>
    %eq3A_700 = arith.cmpi eq, %iota3A_696, %iota3A_697 : vector<128x128xi32>
    %jit3A_701 = arith.constant 0.000000e+00 : f32
    %broadcast_in_dim3A_702 = vector.broadcast %jit3A_701 : f32 to vector<128x128xf32>
    %select_n3A_703 = arith.select %eq3A_700, %broadcast_in_dim3A_699, %broadcast_in_dim3A_702 : vector<128x128xi1>, vector<128x128xf32>
    %reduce_sum3A_704 = arith.constant dense<0.000000e+00> : vector<128xf32>
    %reduce_sum3A_705 = vector.multi_reduction <add>, %select_n3A_703, %reduce_sum3A_704 [1] : vector<128x128xf32> to vector<128xf32>
    %broadcast_in_dim3A_706 = vector.shape_cast %reduce_sum3A_705 : vector<128xf32> to vector<128x1xf32>
    %slice3A_707 = vector.extract_strided_slice %mul3A_41 {offsets = [56, 0], sizes = [1, 128], strides = [1, 1]} : vector<100x128xf32> to vector<1x128xf32>
    %iota3A_708 = tpu.iota {dimensions = array<i32: 0>} : vector<128x128xi32>
    %iota3A_709 = tpu.iota {dimensions = array<i32: 1>} : vector<128x128xi32>
    %broadcast_in_dim3A_710 = vector.shape_cast %slice3A_707 : vector<1x128xf32> to vector<1x128xf32>
    %broadcast_in_dim3A_711 = vector.broadcast %broadcast_in_dim3A_710 : vector<1x128xf32> to vector<128x128xf32>
    %eq3A_712 = arith.cmpi eq, %iota3A_708, %iota3A_709 : vector<128x128xi32>
    %jit3A_713 = arith.constant 0.000000e+00 : f32
    %broadcast_in_dim3A_714 = vector.broadcast %jit3A_713 : f32 to vector<128x128xf32>
    %select_n3A_715 = arith.select %eq3A_712, %broadcast_in_dim3A_711, %broadcast_in_dim3A_714 : vector<128x128xi1>, vector<128x128xf32>
    %reduce_sum3A_716 = arith.constant dense<0.000000e+00> : vector<128xf32>
    %reduce_sum3A_717 = vector.multi_reduction <add>, %select_n3A_715, %reduce_sum3A_716 [1] : vector<128x128xf32> to vector<128xf32>
    %broadcast_in_dim3A_718 = vector.shape_cast %reduce_sum3A_717 : vector<128xf32> to vector<128x1xf32>
    %slice3A_719 = vector.extract_strided_slice %mul3A_41 {offsets = [57, 0], sizes = [1, 128], strides = [1, 1]} : vector<100x128xf32> to vector<1x128xf32>
    %iota3A_720 = tpu.iota {dimensions = array<i32: 0>} : vector<128x128xi32>
    %iota3A_721 = tpu.iota {dimensions = array<i32: 1>} : vector<128x128xi32>
    %broadcast_in_dim3A_722 = vector.shape_cast %slice3A_719 : vector<1x128xf32> to vector<1x128xf32>
    %broadcast_in_dim3A_723 = vector.broadcast %broadcast_in_dim3A_722 : vector<1x128xf32> to vector<128x128xf32>
    %eq3A_724 = arith.cmpi eq, %iota3A_720, %iota3A_721 : vector<128x128xi32>
    %jit3A_725 = arith.constant 0.000000e+00 : f32
    %broadcast_in_dim3A_726 = vector.broadcast %jit3A_725 : f32 to vector<128x128xf32>
    %select_n3A_727 = arith.select %eq3A_724, %broadcast_in_dim3A_723, %broadcast_in_dim3A_726 : vector<128x128xi1>, vector<128x128xf32>
    %reduce_sum3A_728 = arith.constant dense<0.000000e+00> : vector<128xf32>
    %reduce_sum3A_729 = vector.multi_reduction <add>, %select_n3A_727, %reduce_sum3A_728 [1] : vector<128x128xf32> to vector<128xf32>
    %broadcast_in_dim3A_730 = vector.shape_cast %reduce_sum3A_729 : vector<128xf32> to vector<128x1xf32>
    %slice3A_731 = vector.extract_strided_slice %mul3A_41 {offsets = [58, 0], sizes = [1, 128], strides = [1, 1]} : vector<100x128xf32> to vector<1x128xf32>
    %iota3A_732 = tpu.iota {dimensions = array<i32: 0>} : vector<128x128xi32>
    %iota3A_733 = tpu.iota {dimensions = array<i32: 1>} : vector<128x128xi32>
    %broadcast_in_dim3A_734 = vector.shape_cast %slice3A_731 : vector<1x128xf32> to vector<1x128xf32>
    %broadcast_in_dim3A_735 = vector.broadcast %broadcast_in_dim3A_734 : vector<1x128xf32> to vector<128x128xf32>
    %eq3A_736 = arith.cmpi eq, %iota3A_732, %iota3A_733 : vector<128x128xi32>
    %jit3A_737 = arith.constant 0.000000e+00 : f32
    %broadcast_in_dim3A_738 = vector.broadcast %jit3A_737 : f32 to vector<128x128xf32>
    %select_n3A_739 = arith.select %eq3A_736, %broadcast_in_dim3A_735, %broadcast_in_dim3A_738 : vector<128x128xi1>, vector<128x128xf32>
    %reduce_sum3A_740 = arith.constant dense<0.000000e+00> : vector<128xf32>
    %reduce_sum3A_741 = vector.multi_reduction <add>, %select_n3A_739, %reduce_sum3A_740 [1] : vector<128x128xf32> to vector<128xf32>
    %broadcast_in_dim3A_742 = vector.shape_cast %reduce_sum3A_741 : vector<128xf32> to vector<128x1xf32>
    %slice3A_743 = vector.extract_strided_slice %mul3A_41 {offsets = [59, 0], sizes = [1, 128], strides = [1, 1]} : vector<100x128xf32> to vector<1x128xf32>
    %iota3A_744 = tpu.iota {dimensions = array<i32: 0>} : vector<128x128xi32>
    %iota3A_745 = tpu.iota {dimensions = array<i32: 1>} : vector<128x128xi32>
    %broadcast_in_dim3A_746 = vector.shape_cast %slice3A_743 : vector<1x128xf32> to vector<1x128xf32>
    %broadcast_in_dim3A_747 = vector.broadcast %broadcast_in_dim3A_746 : vector<1x128xf32> to vector<128x128xf32>
    %eq3A_748 = arith.cmpi eq, %iota3A_744, %iota3A_745 : vector<128x128xi32>
    %jit3A_749 = arith.constant 0.000000e+00 : f32
    %broadcast_in_dim3A_750 = vector.broadcast %jit3A_749 : f32 to vector<128x128xf32>
    %select_n3A_751 = arith.select %eq3A_748, %broadcast_in_dim3A_747, %broadcast_in_dim3A_750 : vector<128x128xi1>, vector<128x128xf32>
    %reduce_sum3A_752 = arith.constant dense<0.000000e+00> : vector<128xf32>
    %reduce_sum3A_753 = vector.multi_reduction <add>, %select_n3A_751, %reduce_sum3A_752 [1] : vector<128x128xf32> to vector<128xf32>
    %broadcast_in_dim3A_754 = vector.shape_cast %reduce_sum3A_753 : vector<128xf32> to vector<128x1xf32>
    %slice3A_755 = vector.extract_strided_slice %mul3A_41 {offsets = [60, 0], sizes = [1, 128], strides = [1, 1]} : vector<100x128xf32> to vector<1x128xf32>
    %iota3A_756 = tpu.iota {dimensions = array<i32: 0>} : vector<128x128xi32>
    %iota3A_757 = tpu.iota {dimensions = array<i32: 1>} : vector<128x128xi32>
    %broadcast_in_dim3A_758 = vector.shape_cast %slice3A_755 : vector<1x128xf32> to vector<1x128xf32>
    %broadcast_in_dim3A_759 = vector.broadcast %broadcast_in_dim3A_758 : vector<1x128xf32> to vector<128x128xf32>
    %eq3A_760 = arith.cmpi eq, %iota3A_756, %iota3A_757 : vector<128x128xi32>
    %jit3A_761 = arith.constant 0.000000e+00 : f32
    %broadcast_in_dim3A_762 = vector.broadcast %jit3A_761 : f32 to vector<128x128xf32>
    %select_n3A_763 = arith.select %eq3A_760, %broadcast_in_dim3A_759, %broadcast_in_dim3A_762 : vector<128x128xi1>, vector<128x128xf32>
    %reduce_sum3A_764 = arith.constant dense<0.000000e+00> : vector<128xf32>
    %reduce_sum3A_765 = vector.multi_reduction <add>, %select_n3A_763, %reduce_sum3A_764 [1] : vector<128x128xf32> to vector<128xf32>
    %broadcast_in_dim3A_766 = vector.shape_cast %reduce_sum3A_765 : vector<128xf32> to vector<128x1xf32>
    %slice3A_767 = vector.extract_strided_slice %mul3A_41 {offsets = [61, 0], sizes = [1, 128], strides = [1, 1]} : vector<100x128xf32> to vector<1x128xf32>
    %iota3A_768 = tpu.iota {dimensions = array<i32: 0>} : vector<128x128xi32>
    %iota3A_769 = tpu.iota {dimensions = array<i32: 1>} : vector<128x128xi32>
    %broadcast_in_dim3A_770 = vector.shape_cast %slice3A_767 : vector<1x128xf32> to vector<1x128xf32>
    %broadcast_in_dim3A_771 = vector.broadcast %broadcast_in_dim3A_770 : vector<1x128xf32> to vector<128x128xf32>
    %eq3A_772 = arith.cmpi eq, %iota3A_768, %iota3A_769 : vector<128x128xi32>
    %jit3A_773 = arith.constant 0.000000e+00 : f32
    %broadcast_in_dim3A_774 = vector.broadcast %jit3A_773 : f32 to vector<128x128xf32>
    %select_n3A_775 = arith.select %eq3A_772, %broadcast_in_dim3A_771, %broadcast_in_dim3A_774 : vector<128x128xi1>, vector<128x128xf32>
    %reduce_sum3A_776 = arith.constant dense<0.000000e+00> : vector<128xf32>
    %reduce_sum3A_777 = vector.multi_reduction <add>, %select_n3A_775, %reduce_sum3A_776 [1] : vector<128x128xf32> to vector<128xf32>
    %broadcast_in_dim3A_778 = vector.shape_cast %reduce_sum3A_777 : vector<128xf32> to vector<128x1xf32>
    %slice3A_779 = vector.extract_strided_slice %mul3A_41 {offsets = [62, 0], sizes = [1, 128], strides = [1, 1]} : vector<100x128xf32> to vector<1x128xf32>
    %iota3A_780 = tpu.iota {dimensions = array<i32: 0>} : vector<128x128xi32>
    %iota3A_781 = tpu.iota {dimensions = array<i32: 1>} : vector<128x128xi32>
    %broadcast_in_dim3A_782 = vector.shape_cast %slice3A_779 : vector<1x128xf32> to vector<1x128xf32>
    %broadcast_in_dim3A_783 = vector.broadcast %broadcast_in_dim3A_782 : vector<1x128xf32> to vector<128x128xf32>
    %eq3A_784 = arith.cmpi eq, %iota3A_780, %iota3A_781 : vector<128x128xi32>
    %jit3A_785 = arith.constant 0.000000e+00 : f32
    %broadcast_in_dim3A_786 = vector.broadcast %jit3A_785 : f32 to vector<128x128xf32>
    %select_n3A_787 = arith.select %eq3A_784, %broadcast_in_dim3A_783, %broadcast_in_dim3A_786 : vector<128x128xi1>, vector<128x128xf32>
    %reduce_sum3A_788 = arith.constant dense<0.000000e+00> : vector<128xf32>
    %reduce_sum3A_789 = vector.multi_reduction <add>, %select_n3A_787, %reduce_sum3A_788 [1] : vector<128x128xf32> to vector<128xf32>
    %broadcast_in_dim3A_790 = vector.shape_cast %reduce_sum3A_789 : vector<128xf32> to vector<128x1xf32>
    %slice3A_791 = vector.extract_strided_slice %mul3A_41 {offsets = [63, 0], sizes = [1, 128], strides = [1, 1]} : vector<100x128xf32> to vector<1x128xf32>
    %iota3A_792 = tpu.iota {dimensions = array<i32: 0>} : vector<128x128xi32>
    %iota3A_793 = tpu.iota {dimensions = array<i32: 1>} : vector<128x128xi32>
    %broadcast_in_dim3A_794 = vector.shape_cast %slice3A_791 : vector<1x128xf32> to vector<1x128xf32>
    %broadcast_in_dim3A_795 = vector.broadcast %broadcast_in_dim3A_794 : vector<1x128xf32> to vector<128x128xf32>
    %eq3A_796 = arith.cmpi eq, %iota3A_792, %iota3A_793 : vector<128x128xi32>
    %jit3A_797 = arith.constant 0.000000e+00 : f32
    %broadcast_in_dim3A_798 = vector.broadcast %jit3A_797 : f32 to vector<128x128xf32>
    %select_n3A_799 = arith.select %eq3A_796, %broadcast_in_dim3A_795, %broadcast_in_dim3A_798 : vector<128x128xi1>, vector<128x128xf32>
    %reduce_sum3A_800 = arith.constant dense<0.000000e+00> : vector<128xf32>
    %reduce_sum3A_801 = vector.multi_reduction <add>, %select_n3A_799, %reduce_sum3A_800 [1] : vector<128x128xf32> to vector<128xf32>
    %broadcast_in_dim3A_802 = vector.shape_cast %reduce_sum3A_801 : vector<128xf32> to vector<128x1xf32>
    %slice3A_803 = vector.extract_strided_slice %mul3A_41 {offsets = [64, 0], sizes = [1, 128], strides = [1, 1]} : vector<100x128xf32> to vector<1x128xf32>
    %iota3A_804 = tpu.iota {dimensions = array<i32: 0>} : vector<128x128xi32>
    %iota3A_805 = tpu.iota {dimensions = array<i32: 1>} : vector<128x128xi32>
    %broadcast_in_dim3A_806 = vector.shape_cast %slice3A_803 : vector<1x128xf32> to vector<1x128xf32>
    %broadcast_in_dim3A_807 = vector.broadcast %broadcast_in_dim3A_806 : vector<1x128xf32> to vector<128x128xf32>
    %eq3A_808 = arith.cmpi eq, %iota3A_804, %iota3A_805 : vector<128x128xi32>
    %jit3A_809 = arith.constant 0.000000e+00 : f32
    %broadcast_in_dim3A_810 = vector.broadcast %jit3A_809 : f32 to vector<128x128xf32>
    %select_n3A_811 = arith.select %eq3A_808, %broadcast_in_dim3A_807, %broadcast_in_dim3A_810 : vector<128x128xi1>, vector<128x128xf32>
    %reduce_sum3A_812 = arith.constant dense<0.000000e+00> : vector<128xf32>
    %reduce_sum3A_813 = vector.multi_reduction <add>, %select_n3A_811, %reduce_sum3A_812 [1] : vector<128x128xf32> to vector<128xf32>
    %broadcast_in_dim3A_814 = vector.shape_cast %reduce_sum3A_813 : vector<128xf32> to vector<128x1xf32>
    %slice3A_815 = vector.extract_strided_slice %mul3A_41 {offsets = [65, 0], sizes = [1, 128], strides = [1, 1]} : vector<100x128xf32> to vector<1x128xf32>
    %iota3A_816 = tpu.iota {dimensions = array<i32: 0>} : vector<128x128xi32>
    %iota3A_817 = tpu.iota {dimensions = array<i32: 1>} : vector<128x128xi32>
    %broadcast_in_dim3A_818 = vector.shape_cast %slice3A_815 : vector<1x128xf32> to vector<1x128xf32>
    %broadcast_in_dim3A_819 = vector.broadcast %broadcast_in_dim3A_818 : vector<1x128xf32> to vector<128x128xf32>
    %eq3A_820 = arith.cmpi eq, %iota3A_816, %iota3A_817 : vector<128x128xi32>
    %jit3A_821 = arith.constant 0.000000e+00 : f32
    %broadcast_in_dim3A_822 = vector.broadcast %jit3A_821 : f32 to vector<128x128xf32>
    %select_n3A_823 = arith.select %eq3A_820, %broadcast_in_dim3A_819, %broadcast_in_dim3A_822 : vector<128x128xi1>, vector<128x128xf32>
    %reduce_sum3A_824 = arith.constant dense<0.000000e+00> : vector<128xf32>
    %reduce_sum3A_825 = vector.multi_reduction <add>, %select_n3A_823, %reduce_sum3A_824 [1] : vector<128x128xf32> to vector<128xf32>
    %broadcast_in_dim3A_826 = vector.shape_cast %reduce_sum3A_825 : vector<128xf32> to vector<128x1xf32>
    %slice3A_827 = vector.extract_strided_slice %mul3A_41 {offsets = [66, 0], sizes = [1, 128], strides = [1, 1]} : vector<100x128xf32> to vector<1x128xf32>
    %iota3A_828 = tpu.iota {dimensions = array<i32: 0>} : vector<128x128xi32>
    %iota3A_829 = tpu.iota {dimensions = array<i32: 1>} : vector<128x128xi32>
    %broadcast_in_dim3A_830 = vector.shape_cast %slice3A_827 : vector<1x128xf32> to vector<1x128xf32>
    %broadcast_in_dim3A_831 = vector.broadcast %broadcast_in_dim3A_830 : vector<1x128xf32> to vector<128x128xf32>
    %eq3A_832 = arith.cmpi eq, %iota3A_828, %iota3A_829 : vector<128x128xi32>
    %jit3A_833 = arith.constant 0.000000e+00 : f32
    %broadcast_in_dim3A_834 = vector.broadcast %jit3A_833 : f32 to vector<128x128xf32>
    %select_n3A_835 = arith.select %eq3A_832, %broadcast_in_dim3A_831, %broadcast_in_dim3A_834 : vector<128x128xi1>, vector<128x128xf32>
    %reduce_sum3A_836 = arith.constant dense<0.000000e+00> : vector<128xf32>
    %reduce_sum3A_837 = vector.multi_reduction <add>, %select_n3A_835, %reduce_sum3A_836 [1] : vector<128x128xf32> to vector<128xf32>
    %broadcast_in_dim3A_838 = vector.shape_cast %reduce_sum3A_837 : vector<128xf32> to vector<128x1xf32>
    %slice3A_839 = vector.extract_strided_slice %mul3A_41 {offsets = [67, 0], sizes = [1, 128], strides = [1, 1]} : vector<100x128xf32> to vector<1x128xf32>
    %iota3A_840 = tpu.iota {dimensions = array<i32: 0>} : vector<128x128xi32>
    %iota3A_841 = tpu.iota {dimensions = array<i32: 1>} : vector<128x128xi32>
    %broadcast_in_dim3A_842 = vector.shape_cast %slice3A_839 : vector<1x128xf32> to vector<1x128xf32>
    %broadcast_in_dim3A_843 = vector.broadcast %broadcast_in_dim3A_842 : vector<1x128xf32> to vector<128x128xf32>
    %eq3A_844 = arith.cmpi eq, %iota3A_840, %iota3A_841 : vector<128x128xi32>
    %jit3A_845 = arith.constant 0.000000e+00 : f32
    %broadcast_in_dim3A_846 = vector.broadcast %jit3A_845 : f32 to vector<128x128xf32>
    %select_n3A_847 = arith.select %eq3A_844, %broadcast_in_dim3A_843, %broadcast_in_dim3A_846 : vector<128x128xi1>, vector<128x128xf32>
    %reduce_sum3A_848 = arith.constant dense<0.000000e+00> : vector<128xf32>
    %reduce_sum3A_849 = vector.multi_reduction <add>, %select_n3A_847, %reduce_sum3A_848 [1] : vector<128x128xf32> to vector<128xf32>
    %broadcast_in_dim3A_850 = vector.shape_cast %reduce_sum3A_849 : vector<128xf32> to vector<128x1xf32>
    %slice3A_851 = vector.extract_strided_slice %mul3A_41 {offsets = [68, 0], sizes = [1, 128], strides = [1, 1]} : vector<100x128xf32> to vector<1x128xf32>
    %iota3A_852 = tpu.iota {dimensions = array<i32: 0>} : vector<128x128xi32>
    %iota3A_853 = tpu.iota {dimensions = array<i32: 1>} : vector<128x128xi32>
    %broadcast_in_dim3A_854 = vector.shape_cast %slice3A_851 : vector<1x128xf32> to vector<1x128xf32>
    %broadcast_in_dim3A_855 = vector.broadcast %broadcast_in_dim3A_854 : vector<1x128xf32> to vector<128x128xf32>
    %eq3A_856 = arith.cmpi eq, %iota3A_852, %iota3A_853 : vector<128x128xi32>
    %jit3A_857 = arith.constant 0.000000e+00 : f32
    %broadcast_in_dim3A_858 = vector.broadcast %jit3A_857 : f32 to vector<128x128xf32>
    %select_n3A_859 = arith.select %eq3A_856, %broadcast_in_dim3A_855, %broadcast_in_dim3A_858 : vector<128x128xi1>, vector<128x128xf32>
    %reduce_sum3A_860 = arith.constant dense<0.000000e+00> : vector<128xf32>
    %reduce_sum3A_861 = vector.multi_reduction <add>, %select_n3A_859, %reduce_sum3A_860 [1] : vector<128x128xf32> to vector<128xf32>
    %broadcast_in_dim3A_862 = vector.shape_cast %reduce_sum3A_861 : vector<128xf32> to vector<128x1xf32>
    %slice3A_863 = vector.extract_strided_slice %mul3A_41 {offsets = [69, 0], sizes = [1, 128], strides = [1, 1]} : vector<100x128xf32> to vector<1x128xf32>
    %iota3A_864 = tpu.iota {dimensions = array<i32: 0>} : vector<128x128xi32>
    %iota3A_865 = tpu.iota {dimensions = array<i32: 1>} : vector<128x128xi32>
    %broadcast_in_dim3A_866 = vector.shape_cast %slice3A_863 : vector<1x128xf32> to vector<1x128xf32>
    %broadcast_in_dim3A_867 = vector.broadcast %broadcast_in_dim3A_866 : vector<1x128xf32> to vector<128x128xf32>
    %eq3A_868 = arith.cmpi eq, %iota3A_864, %iota3A_865 : vector<128x128xi32>
    %jit3A_869 = arith.constant 0.000000e+00 : f32
    %broadcast_in_dim3A_870 = vector.broadcast %jit3A_869 : f32 to vector<128x128xf32>
    %select_n3A_871 = arith.select %eq3A_868, %broadcast_in_dim3A_867, %broadcast_in_dim3A_870 : vector<128x128xi1>, vector<128x128xf32>
    %reduce_sum3A_872 = arith.constant dense<0.000000e+00> : vector<128xf32>
    %reduce_sum3A_873 = vector.multi_reduction <add>, %select_n3A_871, %reduce_sum3A_872 [1] : vector<128x128xf32> to vector<128xf32>
    %broadcast_in_dim3A_874 = vector.shape_cast %reduce_sum3A_873 : vector<128xf32> to vector<128x1xf32>
    %slice3A_875 = vector.extract_strided_slice %mul3A_41 {offsets = [70, 0], sizes = [1, 128], strides = [1, 1]} : vector<100x128xf32> to vector<1x128xf32>
    %iota3A_876 = tpu.iota {dimensions = array<i32: 0>} : vector<128x128xi32>
    %iota3A_877 = tpu.iota {dimensions = array<i32: 1>} : vector<128x128xi32>
    %broadcast_in_dim3A_878 = vector.shape_cast %slice3A_875 : vector<1x128xf32> to vector<1x128xf32>
    %broadcast_in_dim3A_879 = vector.broadcast %broadcast_in_dim3A_878 : vector<1x128xf32> to vector<128x128xf32>
    %eq3A_880 = arith.cmpi eq, %iota3A_876, %iota3A_877 : vector<128x128xi32>
    %jit3A_881 = arith.constant 0.000000e+00 : f32
    %broadcast_in_dim3A_882 = vector.broadcast %jit3A_881 : f32 to vector<128x128xf32>
    %select_n3A_883 = arith.select %eq3A_880, %broadcast_in_dim3A_879, %broadcast_in_dim3A_882 : vector<128x128xi1>, vector<128x128xf32>
    %reduce_sum3A_884 = arith.constant dense<0.000000e+00> : vector<128xf32>
    %reduce_sum3A_885 = vector.multi_reduction <add>, %select_n3A_883, %reduce_sum3A_884 [1] : vector<128x128xf32> to vector<128xf32>
    %broadcast_in_dim3A_886 = vector.shape_cast %reduce_sum3A_885 : vector<128xf32> to vector<128x1xf32>
    %slice3A_887 = vector.extract_strided_slice %mul3A_41 {offsets = [71, 0], sizes = [1, 128], strides = [1, 1]} : vector<100x128xf32> to vector<1x128xf32>
    %iota3A_888 = tpu.iota {dimensions = array<i32: 0>} : vector<128x128xi32>
    %iota3A_889 = tpu.iota {dimensions = array<i32: 1>} : vector<128x128xi32>
    %broadcast_in_dim3A_890 = vector.shape_cast %slice3A_887 : vector<1x128xf32> to vector<1x128xf32>
    %broadcast_in_dim3A_891 = vector.broadcast %broadcast_in_dim3A_890 : vector<1x128xf32> to vector<128x128xf32>
    %eq3A_892 = arith.cmpi eq, %iota3A_888, %iota3A_889 : vector<128x128xi32>
    %jit3A_893 = arith.constant 0.000000e+00 : f32
    %broadcast_in_dim3A_894 = vector.broadcast %jit3A_893 : f32 to vector<128x128xf32>
    %select_n3A_895 = arith.select %eq3A_892, %broadcast_in_dim3A_891, %broadcast_in_dim3A_894 : vector<128x128xi1>, vector<128x128xf32>
    %reduce_sum3A_896 = arith.constant dense<0.000000e+00> : vector<128xf32>
    %reduce_sum3A_897 = vector.multi_reduction <add>, %select_n3A_895, %reduce_sum3A_896 [1] : vector<128x128xf32> to vector<128xf32>
    %broadcast_in_dim3A_898 = vector.shape_cast %reduce_sum3A_897 : vector<128xf32> to vector<128x1xf32>
    %slice3A_899 = vector.extract_strided_slice %mul3A_41 {offsets = [72, 0], sizes = [1, 128], strides = [1, 1]} : vector<100x128xf32> to vector<1x128xf32>
    %iota3A_900 = tpu.iota {dimensions = array<i32: 0>} : vector<128x128xi32>
    %iota3A_901 = tpu.iota {dimensions = array<i32: 1>} : vector<128x128xi32>
    %broadcast_in_dim3A_902 = vector.shape_cast %slice3A_899 : vector<1x128xf32> to vector<1x128xf32>
    %broadcast_in_dim3A_903 = vector.broadcast %broadcast_in_dim3A_902 : vector<1x128xf32> to vector<128x128xf32>
    %eq3A_904 = arith.cmpi eq, %iota3A_900, %iota3A_901 : vector<128x128xi32>
    %jit3A_905 = arith.constant 0.000000e+00 : f32
    %broadcast_in_dim3A_906 = vector.broadcast %jit3A_905 : f32 to vector<128x128xf32>
    %select_n3A_907 = arith.select %eq3A_904, %broadcast_in_dim3A_903, %broadcast_in_dim3A_906 : vector<128x128xi1>, vector<128x128xf32>
    %reduce_sum3A_908 = arith.constant dense<0.000000e+00> : vector<128xf32>
    %reduce_sum3A_909 = vector.multi_reduction <add>, %select_n3A_907, %reduce_sum3A_908 [1] : vector<128x128xf32> to vector<128xf32>
    %broadcast_in_dim3A_910 = vector.shape_cast %reduce_sum3A_909 : vector<128xf32> to vector<128x1xf32>
    %slice3A_911 = vector.extract_strided_slice %mul3A_41 {offsets = [73, 0], sizes = [1, 128], strides = [1, 1]} : vector<100x128xf32> to vector<1x128xf32>
    %iota3A_912 = tpu.iota {dimensions = array<i32: 0>} : vector<128x128xi32>
    %iota3A_913 = tpu.iota {dimensions = array<i32: 1>} : vector<128x128xi32>
    %broadcast_in_dim3A_914 = vector.shape_cast %slice3A_911 : vector<1x128xf32> to vector<1x128xf32>
    %broadcast_in_dim3A_915 = vector.broadcast %broadcast_in_dim3A_914 : vector<1x128xf32> to vector<128x128xf32>
    %eq3A_916 = arith.cmpi eq, %iota3A_912, %iota3A_913 : vector<128x128xi32>
    %jit3A_917 = arith.constant 0.000000e+00 : f32
    %broadcast_in_dim3A_918 = vector.broadcast %jit3A_917 : f32 to vector<128x128xf32>
    %select_n3A_919 = arith.select %eq3A_916, %broadcast_in_dim3A_915, %broadcast_in_dim3A_918 : vector<128x128xi1>, vector<128x128xf32>
    %reduce_sum3A_920 = arith.constant dense<0.000000e+00> : vector<128xf32>
    %reduce_sum3A_921 = vector.multi_reduction <add>, %select_n3A_919, %reduce_sum3A_920 [1] : vector<128x128xf32> to vector<128xf32>
    %broadcast_in_dim3A_922 = vector.shape_cast %reduce_sum3A_921 : vector<128xf32> to vector<128x1xf32>
    %slice3A_923 = vector.extract_strided_slice %mul3A_41 {offsets = [74, 0], sizes = [1, 128], strides = [1, 1]} : vector<100x128xf32> to vector<1x128xf32>
    %iota3A_924 = tpu.iota {dimensions = array<i32: 0>} : vector<128x128xi32>
    %iota3A_925 = tpu.iota {dimensions = array<i32: 1>} : vector<128x128xi32>
    %broadcast_in_dim3A_926 = vector.shape_cast %slice3A_923 : vector<1x128xf32> to vector<1x128xf32>
    %broadcast_in_dim3A_927 = vector.broadcast %broadcast_in_dim3A_926 : vector<1x128xf32> to vector<128x128xf32>
    %eq3A_928 = arith.cmpi eq, %iota3A_924, %iota3A_925 : vector<128x128xi32>
    %jit3A_929 = arith.constant 0.000000e+00 : f32
    %broadcast_in_dim3A_930 = vector.broadcast %jit3A_929 : f32 to vector<128x128xf32>
    %select_n3A_931 = arith.select %eq3A_928, %broadcast_in_dim3A_927, %broadcast_in_dim3A_930 : vector<128x128xi1>, vector<128x128xf32>
    %reduce_sum3A_932 = arith.constant dense<0.000000e+00> : vector<128xf32>
    %reduce_sum3A_933 = vector.multi_reduction <add>, %select_n3A_931, %reduce_sum3A_932 [1] : vector<128x128xf32> to vector<128xf32>
    %broadcast_in_dim3A_934 = vector.shape_cast %reduce_sum3A_933 : vector<128xf32> to vector<128x1xf32>
    %slice3A_935 = vector.extract_strided_slice %mul3A_41 {offsets = [75, 0], sizes = [1, 128], strides = [1, 1]} : vector<100x128xf32> to vector<1x128xf32>
    %iota3A_936 = tpu.iota {dimensions = array<i32: 0>} : vector<128x128xi32>
    %iota3A_937 = tpu.iota {dimensions = array<i32: 1>} : vector<128x128xi32>
    %broadcast_in_dim3A_938 = vector.shape_cast %slice3A_935 : vector<1x128xf32> to vector<1x128xf32>
    %broadcast_in_dim3A_939 = vector.broadcast %broadcast_in_dim3A_938 : vector<1x128xf32> to vector<128x128xf32>
    %eq3A_940 = arith.cmpi eq, %iota3A_936, %iota3A_937 : vector<128x128xi32>
    %jit3A_941 = arith.constant 0.000000e+00 : f32
    %broadcast_in_dim3A_942 = vector.broadcast %jit3A_941 : f32 to vector<128x128xf32>
    %select_n3A_943 = arith.select %eq3A_940, %broadcast_in_dim3A_939, %broadcast_in_dim3A_942 : vector<128x128xi1>, vector<128x128xf32>
    %reduce_sum3A_944 = arith.constant dense<0.000000e+00> : vector<128xf32>
    %reduce_sum3A_945 = vector.multi_reduction <add>, %select_n3A_943, %reduce_sum3A_944 [1] : vector<128x128xf32> to vector<128xf32>
    %broadcast_in_dim3A_946 = vector.shape_cast %reduce_sum3A_945 : vector<128xf32> to vector<128x1xf32>
    %slice3A_947 = vector.extract_strided_slice %mul3A_41 {offsets = [76, 0], sizes = [1, 128], strides = [1, 1]} : vector<100x128xf32> to vector<1x128xf32>
    %iota3A_948 = tpu.iota {dimensions = array<i32: 0>} : vector<128x128xi32>
    %iota3A_949 = tpu.iota {dimensions = array<i32: 1>} : vector<128x128xi32>
    %broadcast_in_dim3A_950 = vector.shape_cast %slice3A_947 : vector<1x128xf32> to vector<1x128xf32>
    %broadcast_in_dim3A_951 = vector.broadcast %broadcast_in_dim3A_950 : vector<1x128xf32> to vector<128x128xf32>
    %eq3A_952 = arith.cmpi eq, %iota3A_948, %iota3A_949 : vector<128x128xi32>
    %jit3A_953 = arith.constant 0.000000e+00 : f32
    %broadcast_in_dim3A_954 = vector.broadcast %jit3A_953 : f32 to vector<128x128xf32>
    %select_n3A_955 = arith.select %eq3A_952, %broadcast_in_dim3A_951, %broadcast_in_dim3A_954 : vector<128x128xi1>, vector<128x128xf32>
    %reduce_sum3A_956 = arith.constant dense<0.000000e+00> : vector<128xf32>
    %reduce_sum3A_957 = vector.multi_reduction <add>, %select_n3A_955, %reduce_sum3A_956 [1] : vector<128x128xf32> to vector<128xf32>
    %broadcast_in_dim3A_958 = vector.shape_cast %reduce_sum3A_957 : vector<128xf32> to vector<128x1xf32>
    %slice3A_959 = vector.extract_strided_slice %mul3A_41 {offsets = [77, 0], sizes = [1, 128], strides = [1, 1]} : vector<100x128xf32> to vector<1x128xf32>
    %iota3A_960 = tpu.iota {dimensions = array<i32: 0>} : vector<128x128xi32>
    %iota3A_961 = tpu.iota {dimensions = array<i32: 1>} : vector<128x128xi32>
    %broadcast_in_dim3A_962 = vector.shape_cast %slice3A_959 : vector<1x128xf32> to vector<1x128xf32>
    %broadcast_in_dim3A_963 = vector.broadcast %broadcast_in_dim3A_962 : vector<1x128xf32> to vector<128x128xf32>
    %eq3A_964 = arith.cmpi eq, %iota3A_960, %iota3A_961 : vector<128x128xi32>
    %jit3A_965 = arith.constant 0.000000e+00 : f32
    %broadcast_in_dim3A_966 = vector.broadcast %jit3A_965 : f32 to vector<128x128xf32>
    %select_n3A_967 = arith.select %eq3A_964, %broadcast_in_dim3A_963, %broadcast_in_dim3A_966 : vector<128x128xi1>, vector<128x128xf32>
    %reduce_sum3A_968 = arith.constant dense<0.000000e+00> : vector<128xf32>
    %reduce_sum3A_969 = vector.multi_reduction <add>, %select_n3A_967, %reduce_sum3A_968 [1] : vector<128x128xf32> to vector<128xf32>
    %broadcast_in_dim3A_970 = vector.shape_cast %reduce_sum3A_969 : vector<128xf32> to vector<128x1xf32>
    %slice3A_971 = vector.extract_strided_slice %mul3A_41 {offsets = [78, 0], sizes = [1, 128], strides = [1, 1]} : vector<100x128xf32> to vector<1x128xf32>
    %iota3A_972 = tpu.iota {dimensions = array<i32: 0>} : vector<128x128xi32>
    %iota3A_973 = tpu.iota {dimensions = array<i32: 1>} : vector<128x128xi32>
    %broadcast_in_dim3A_974 = vector.shape_cast %slice3A_971 : vector<1x128xf32> to vector<1x128xf32>
    %broadcast_in_dim3A_975 = vector.broadcast %broadcast_in_dim3A_974 : vector<1x128xf32> to vector<128x128xf32>
    %eq3A_976 = arith.cmpi eq, %iota3A_972, %iota3A_973 : vector<128x128xi32>
    %jit3A_977 = arith.constant 0.000000e+00 : f32
    %broadcast_in_dim3A_978 = vector.broadcast %jit3A_977 : f32 to vector<128x128xf32>
    %select_n3A_979 = arith.select %eq3A_976, %broadcast_in_dim3A_975, %broadcast_in_dim3A_978 : vector<128x128xi1>, vector<128x128xf32>
    %reduce_sum3A_980 = arith.constant dense<0.000000e+00> : vector<128xf32>
    %reduce_sum3A_981 = vector.multi_reduction <add>, %select_n3A_979, %reduce_sum3A_980 [1] : vector<128x128xf32> to vector<128xf32>
    %broadcast_in_dim3A_982 = vector.shape_cast %reduce_sum3A_981 : vector<128xf32> to vector<128x1xf32>
    %slice3A_983 = vector.extract_strided_slice %mul3A_41 {offsets = [79, 0], sizes = [1, 128], strides = [1, 1]} : vector<100x128xf32> to vector<1x128xf32>
    %iota3A_984 = tpu.iota {dimensions = array<i32: 0>} : vector<128x128xi32>
    %iota3A_985 = tpu.iota {dimensions = array<i32: 1>} : vector<128x128xi32>
    %broadcast_in_dim3A_986 = vector.shape_cast %slice3A_983 : vector<1x128xf32> to vector<1x128xf32>
    %broadcast_in_dim3A_987 = vector.broadcast %broadcast_in_dim3A_986 : vector<1x128xf32> to vector<128x128xf32>
    %eq3A_988 = arith.cmpi eq, %iota3A_984, %iota3A_985 : vector<128x128xi32>
    %jit3A_989 = arith.constant 0.000000e+00 : f32
    %broadcast_in_dim3A_990 = vector.broadcast %jit3A_989 : f32 to vector<128x128xf32>
    %select_n3A_991 = arith.select %eq3A_988, %broadcast_in_dim3A_987, %broadcast_in_dim3A_990 : vector<128x128xi1>, vector<128x128xf32>
    %reduce_sum3A_992 = arith.constant dense<0.000000e+00> : vector<128xf32>
    %reduce_sum3A_993 = vector.multi_reduction <add>, %select_n3A_991, %reduce_sum3A_992 [1] : vector<128x128xf32> to vector<128xf32>
    %broadcast_in_dim3A_994 = vector.shape_cast %reduce_sum3A_993 : vector<128xf32> to vector<128x1xf32>
    %slice3A_995 = vector.extract_strided_slice %mul3A_41 {offsets = [80, 0], sizes = [1, 128], strides = [1, 1]} : vector<100x128xf32> to vector<1x128xf32>
    %iota3A_996 = tpu.iota {dimensions = array<i32: 0>} : vector<128x128xi32>
    %iota3A_997 = tpu.iota {dimensions = array<i32: 1>} : vector<128x128xi32>
    %broadcast_in_dim3A_998 = vector.shape_cast %slice3A_995 : vector<1x128xf32> to vector<1x128xf32>
    %broadcast_in_dim3A_999 = vector.broadcast %broadcast_in_dim3A_998 : vector<1x128xf32> to vector<128x128xf32>
    %eq3A_1000 = arith.cmpi eq, %iota3A_996, %iota3A_997 : vector<128x128xi32>
    %jit3A_1001 = arith.constant 0.000000e+00 : f32
    %broadcast_in_dim3A_1002 = vector.broadcast %jit3A_1001 : f32 to vector<128x128xf32>
    %select_n3A_1003 = arith.select %eq3A_1000, %broadcast_in_dim3A_999, %broadcast_in_dim3A_1002 : vector<128x128xi1>, vector<128x128xf32>
    %reduce_sum3A_1004 = arith.constant dense<0.000000e+00> : vector<128xf32>
    %reduce_sum3A_1005 = vector.multi_reduction <add>, %select_n3A_1003, %reduce_sum3A_1004 [1] : vector<128x128xf32> to vector<128xf32>
    %broadcast_in_dim3A_1006 = vector.shape_cast %reduce_sum3A_1005 : vector<128xf32> to vector<128x1xf32>
    %slice3A_1007 = vector.extract_strided_slice %mul3A_41 {offsets = [81, 0], sizes = [1, 128], strides = [1, 1]} : vector<100x128xf32> to vector<1x128xf32>
    %iota3A_1008 = tpu.iota {dimensions = array<i32: 0>} : vector<128x128xi32>
    %iota3A_1009 = tpu.iota {dimensions = array<i32: 1>} : vector<128x128xi32>
    %broadcast_in_dim3A_1010 = vector.shape_cast %slice3A_1007 : vector<1x128xf32> to vector<1x128xf32>
    %broadcast_in_dim3A_1011 = vector.broadcast %broadcast_in_dim3A_1010 : vector<1x128xf32> to vector<128x128xf32>
    %eq3A_1012 = arith.cmpi eq, %iota3A_1008, %iota3A_1009 : vector<128x128xi32>
    %jit3A_1013 = arith.constant 0.000000e+00 : f32
    %broadcast_in_dim3A_1014 = vector.broadcast %jit3A_1013 : f32 to vector<128x128xf32>
    %select_n3A_1015 = arith.select %eq3A_1012, %broadcast_in_dim3A_1011, %broadcast_in_dim3A_1014 : vector<128x128xi1>, vector<128x128xf32>
    %reduce_sum3A_1016 = arith.constant dense<0.000000e+00> : vector<128xf32>
    %reduce_sum3A_1017 = vector.multi_reduction <add>, %select_n3A_1015, %reduce_sum3A_1016 [1] : vector<128x128xf32> to vector<128xf32>
    %broadcast_in_dim3A_1018 = vector.shape_cast %reduce_sum3A_1017 : vector<128xf32> to vector<128x1xf32>
    %slice3A_1019 = vector.extract_strided_slice %mul3A_41 {offsets = [82, 0], sizes = [1, 128], strides = [1, 1]} : vector<100x128xf32> to vector<1x128xf32>
    %iota3A_1020 = tpu.iota {dimensions = array<i32: 0>} : vector<128x128xi32>
    %iota3A_1021 = tpu.iota {dimensions = array<i32: 1>} : vector<128x128xi32>
    %broadcast_in_dim3A_1022 = vector.shape_cast %slice3A_1019 : vector<1x128xf32> to vector<1x128xf32>
    %broadcast_in_dim3A_1023 = vector.broadcast %broadcast_in_dim3A_1022 : vector<1x128xf32> to vector<128x128xf32>
    %eq3A_1024 = arith.cmpi eq, %iota3A_1020, %iota3A_1021 : vector<128x128xi32>
    %jit3A_1025 = arith.constant 0.000000e+00 : f32
    %broadcast_in_dim3A_1026 = vector.broadcast %jit3A_1025 : f32 to vector<128x128xf32>
    %select_n3A_1027 = arith.select %eq3A_1024, %broadcast_in_dim3A_1023, %broadcast_in_dim3A_1026 : vector<128x128xi1>, vector<128x128xf32>
    %reduce_sum3A_1028 = arith.constant dense<0.000000e+00> : vector<128xf32>
    %reduce_sum3A_1029 = vector.multi_reduction <add>, %select_n3A_1027, %reduce_sum3A_1028 [1] : vector<128x128xf32> to vector<128xf32>
    %broadcast_in_dim3A_1030 = vector.shape_cast %reduce_sum3A_1029 : vector<128xf32> to vector<128x1xf32>
    %slice3A_1031 = vector.extract_strided_slice %mul3A_41 {offsets = [83, 0], sizes = [1, 128], strides = [1, 1]} : vector<100x128xf32> to vector<1x128xf32>
    %iota3A_1032 = tpu.iota {dimensions = array<i32: 0>} : vector<128x128xi32>
    %iota3A_1033 = tpu.iota {dimensions = array<i32: 1>} : vector<128x128xi32>
    %broadcast_in_dim3A_1034 = vector.shape_cast %slice3A_1031 : vector<1x128xf32> to vector<1x128xf32>
    %broadcast_in_dim3A_1035 = vector.broadcast %broadcast_in_dim3A_1034 : vector<1x128xf32> to vector<128x128xf32>
    %eq3A_1036 = arith.cmpi eq, %iota3A_1032, %iota3A_1033 : vector<128x128xi32>
    %jit3A_1037 = arith.constant 0.000000e+00 : f32
    %broadcast_in_dim3A_1038 = vector.broadcast %jit3A_1037 : f32 to vector<128x128xf32>
    %select_n3A_1039 = arith.select %eq3A_1036, %broadcast_in_dim3A_1035, %broadcast_in_dim3A_1038 : vector<128x128xi1>, vector<128x128xf32>
    %reduce_sum3A_1040 = arith.constant dense<0.000000e+00> : vector<128xf32>
    %reduce_sum3A_1041 = vector.multi_reduction <add>, %select_n3A_1039, %reduce_sum3A_1040 [1] : vector<128x128xf32> to vector<128xf32>
    %broadcast_in_dim3A_1042 = vector.shape_cast %reduce_sum3A_1041 : vector<128xf32> to vector<128x1xf32>
    %slice3A_1043 = vector.extract_strided_slice %mul3A_41 {offsets = [84, 0], sizes = [1, 128], strides = [1, 1]} : vector<100x128xf32> to vector<1x128xf32>
    %iota3A_1044 = tpu.iota {dimensions = array<i32: 0>} : vector<128x128xi32>
    %iota3A_1045 = tpu.iota {dimensions = array<i32: 1>} : vector<128x128xi32>
    %broadcast_in_dim3A_1046 = vector.shape_cast %slice3A_1043 : vector<1x128xf32> to vector<1x128xf32>
    %broadcast_in_dim3A_1047 = vector.broadcast %broadcast_in_dim3A_1046 : vector<1x128xf32> to vector<128x128xf32>
    %eq3A_1048 = arith.cmpi eq, %iota3A_1044, %iota3A_1045 : vector<128x128xi32>
    %jit3A_1049 = arith.constant 0.000000e+00 : f32
    %broadcast_in_dim3A_1050 = vector.broadcast %jit3A_1049 : f32 to vector<128x128xf32>
    %select_n3A_1051 = arith.select %eq3A_1048, %broadcast_in_dim3A_1047, %broadcast_in_dim3A_1050 : vector<128x128xi1>, vector<128x128xf32>
    %reduce_sum3A_1052 = arith.constant dense<0.000000e+00> : vector<128xf32>
    %reduce_sum3A_1053 = vector.multi_reduction <add>, %select_n3A_1051, %reduce_sum3A_1052 [1] : vector<128x128xf32> to vector<128xf32>
    %broadcast_in_dim3A_1054 = vector.shape_cast %reduce_sum3A_1053 : vector<128xf32> to vector<128x1xf32>
    %slice3A_1055 = vector.extract_strided_slice %mul3A_41 {offsets = [85, 0], sizes = [1, 128], strides = [1, 1]} : vector<100x128xf32> to vector<1x128xf32>
    %iota3A_1056 = tpu.iota {dimensions = array<i32: 0>} : vector<128x128xi32>
    %iota3A_1057 = tpu.iota {dimensions = array<i32: 1>} : vector<128x128xi32>
    %broadcast_in_dim3A_1058 = vector.shape_cast %slice3A_1055 : vector<1x128xf32> to vector<1x128xf32>
    %broadcast_in_dim3A_1059 = vector.broadcast %broadcast_in_dim3A_1058 : vector<1x128xf32> to vector<128x128xf32>
    %eq3A_1060 = arith.cmpi eq, %iota3A_1056, %iota3A_1057 : vector<128x128xi32>
    %jit3A_1061 = arith.constant 0.000000e+00 : f32
    %broadcast_in_dim3A_1062 = vector.broadcast %jit3A_1061 : f32 to vector<128x128xf32>
    %select_n3A_1063 = arith.select %eq3A_1060, %broadcast_in_dim3A_1059, %broadcast_in_dim3A_1062 : vector<128x128xi1>, vector<128x128xf32>
    %reduce_sum3A_1064 = arith.constant dense<0.000000e+00> : vector<128xf32>
    %reduce_sum3A_1065 = vector.multi_reduction <add>, %select_n3A_1063, %reduce_sum3A_1064 [1] : vector<128x128xf32> to vector<128xf32>
    %broadcast_in_dim3A_1066 = vector.shape_cast %reduce_sum3A_1065 : vector<128xf32> to vector<128x1xf32>
    %slice3A_1067 = vector.extract_strided_slice %mul3A_41 {offsets = [86, 0], sizes = [1, 128], strides = [1, 1]} : vector<100x128xf32> to vector<1x128xf32>
    %iota3A_1068 = tpu.iota {dimensions = array<i32: 0>} : vector<128x128xi32>
    %iota3A_1069 = tpu.iota {dimensions = array<i32: 1>} : vector<128x128xi32>
    %broadcast_in_dim3A_1070 = vector.shape_cast %slice3A_1067 : vector<1x128xf32> to vector<1x128xf32>
    %broadcast_in_dim3A_1071 = vector.broadcast %broadcast_in_dim3A_1070 : vector<1x128xf32> to vector<128x128xf32>
    %eq3A_1072 = arith.cmpi eq, %iota3A_1068, %iota3A_1069 : vector<128x128xi32>
    %jit3A_1073 = arith.constant 0.000000e+00 : f32
    %broadcast_in_dim3A_1074 = vector.broadcast %jit3A_1073 : f32 to vector<128x128xf32>
    %select_n3A_1075 = arith.select %eq3A_1072, %broadcast_in_dim3A_1071, %broadcast_in_dim3A_1074 : vector<128x128xi1>, vector<128x128xf32>
    %reduce_sum3A_1076 = arith.constant dense<0.000000e+00> : vector<128xf32>
    %reduce_sum3A_1077 = vector.multi_reduction <add>, %select_n3A_1075, %reduce_sum3A_1076 [1] : vector<128x128xf32> to vector<128xf32>
    %broadcast_in_dim3A_1078 = vector.shape_cast %reduce_sum3A_1077 : vector<128xf32> to vector<128x1xf32>
    %slice3A_1079 = vector.extract_strided_slice %mul3A_41 {offsets = [87, 0], sizes = [1, 128], strides = [1, 1]} : vector<100x128xf32> to vector<1x128xf32>
    %iota3A_1080 = tpu.iota {dimensions = array<i32: 0>} : vector<128x128xi32>
    %iota3A_1081 = tpu.iota {dimensions = array<i32: 1>} : vector<128x128xi32>
    %broadcast_in_dim3A_1082 = vector.shape_cast %slice3A_1079 : vector<1x128xf32> to vector<1x128xf32>
    %broadcast_in_dim3A_1083 = vector.broadcast %broadcast_in_dim3A_1082 : vector<1x128xf32> to vector<128x128xf32>
    %eq3A_1084 = arith.cmpi eq, %iota3A_1080, %iota3A_1081 : vector<128x128xi32>
    %jit3A_1085 = arith.constant 0.000000e+00 : f32
    %broadcast_in_dim3A_1086 = vector.broadcast %jit3A_1085 : f32 to vector<128x128xf32>
    %select_n3A_1087 = arith.select %eq3A_1084, %broadcast_in_dim3A_1083, %broadcast_in_dim3A_1086 : vector<128x128xi1>, vector<128x128xf32>
    %reduce_sum3A_1088 = arith.constant dense<0.000000e+00> : vector<128xf32>
    %reduce_sum3A_1089 = vector.multi_reduction <add>, %select_n3A_1087, %reduce_sum3A_1088 [1] : vector<128x128xf32> to vector<128xf32>
    %broadcast_in_dim3A_1090 = vector.shape_cast %reduce_sum3A_1089 : vector<128xf32> to vector<128x1xf32>
    %slice3A_1091 = vector.extract_strided_slice %mul3A_41 {offsets = [88, 0], sizes = [1, 128], strides = [1, 1]} : vector<100x128xf32> to vector<1x128xf32>
    %iota3A_1092 = tpu.iota {dimensions = array<i32: 0>} : vector<128x128xi32>
    %iota3A_1093 = tpu.iota {dimensions = array<i32: 1>} : vector<128x128xi32>
    %broadcast_in_dim3A_1094 = vector.shape_cast %slice3A_1091 : vector<1x128xf32> to vector<1x128xf32>
    %broadcast_in_dim3A_1095 = vector.broadcast %broadcast_in_dim3A_1094 : vector<1x128xf32> to vector<128x128xf32>
    %eq3A_1096 = arith.cmpi eq, %iota3A_1092, %iota3A_1093 : vector<128x128xi32>
    %jit3A_1097 = arith.constant 0.000000e+00 : f32
    %broadcast_in_dim3A_1098 = vector.broadcast %jit3A_1097 : f32 to vector<128x128xf32>
    %select_n3A_1099 = arith.select %eq3A_1096, %broadcast_in_dim3A_1095, %broadcast_in_dim3A_1098 : vector<128x128xi1>, vector<128x128xf32>
    %reduce_sum3A_1100 = arith.constant dense<0.000000e+00> : vector<128xf32>
    %reduce_sum3A_1101 = vector.multi_reduction <add>, %select_n3A_1099, %reduce_sum3A_1100 [1] : vector<128x128xf32> to vector<128xf32>
    %broadcast_in_dim3A_1102 = vector.shape_cast %reduce_sum3A_1101 : vector<128xf32> to vector<128x1xf32>
    %slice3A_1103 = vector.extract_strided_slice %mul3A_41 {offsets = [89, 0], sizes = [1, 128], strides = [1, 1]} : vector<100x128xf32> to vector<1x128xf32>
    %iota3A_1104 = tpu.iota {dimensions = array<i32: 0>} : vector<128x128xi32>
    %iota3A_1105 = tpu.iota {dimensions = array<i32: 1>} : vector<128x128xi32>
    %broadcast_in_dim3A_1106 = vector.shape_cast %slice3A_1103 : vector<1x128xf32> to vector<1x128xf32>
    %broadcast_in_dim3A_1107 = vector.broadcast %broadcast_in_dim3A_1106 : vector<1x128xf32> to vector<128x128xf32>
    %eq3A_1108 = arith.cmpi eq, %iota3A_1104, %iota3A_1105 : vector<128x128xi32>
    %jit3A_1109 = arith.constant 0.000000e+00 : f32
    %broadcast_in_dim3A_1110 = vector.broadcast %jit3A_1109 : f32 to vector<128x128xf32>
    %select_n3A_1111 = arith.select %eq3A_1108, %broadcast_in_dim3A_1107, %broadcast_in_dim3A_1110 : vector<128x128xi1>, vector<128x128xf32>
    %reduce_sum3A_1112 = arith.constant dense<0.000000e+00> : vector<128xf32>
    %reduce_sum3A_1113 = vector.multi_reduction <add>, %select_n3A_1111, %reduce_sum3A_1112 [1] : vector<128x128xf32> to vector<128xf32>
    %broadcast_in_dim3A_1114 = vector.shape_cast %reduce_sum3A_1113 : vector<128xf32> to vector<128x1xf32>
    %slice3A_1115 = vector.extract_strided_slice %mul3A_41 {offsets = [90, 0], sizes = [1, 128], strides = [1, 1]} : vector<100x128xf32> to vector<1x128xf32>
    %iota3A_1116 = tpu.iota {dimensions = array<i32: 0>} : vector<128x128xi32>
    %iota3A_1117 = tpu.iota {dimensions = array<i32: 1>} : vector<128x128xi32>
    %broadcast_in_dim3A_1118 = vector.shape_cast %slice3A_1115 : vector<1x128xf32> to vector<1x128xf32>
    %broadcast_in_dim3A_1119 = vector.broadcast %broadcast_in_dim3A_1118 : vector<1x128xf32> to vector<128x128xf32>
    %eq3A_1120 = arith.cmpi eq, %iota3A_1116, %iota3A_1117 : vector<128x128xi32>
    %jit3A_1121 = arith.constant 0.000000e+00 : f32
    %broadcast_in_dim3A_1122 = vector.broadcast %jit3A_1121 : f32 to vector<128x128xf32>
    %select_n3A_1123 = arith.select %eq3A_1120, %broadcast_in_dim3A_1119, %broadcast_in_dim3A_1122 : vector<128x128xi1>, vector<128x128xf32>
    %reduce_sum3A_1124 = arith.constant dense<0.000000e+00> : vector<128xf32>
    %reduce_sum3A_1125 = vector.multi_reduction <add>, %select_n3A_1123, %reduce_sum3A_1124 [1] : vector<128x128xf32> to vector<128xf32>
    %broadcast_in_dim3A_1126 = vector.shape_cast %reduce_sum3A_1125 : vector<128xf32> to vector<128x1xf32>
    %slice3A_1127 = vector.extract_strided_slice %mul3A_41 {offsets = [91, 0], sizes = [1, 128], strides = [1, 1]} : vector<100x128xf32> to vector<1x128xf32>
    %iota3A_1128 = tpu.iota {dimensions = array<i32: 0>} : vector<128x128xi32>
    %iota3A_1129 = tpu.iota {dimensions = array<i32: 1>} : vector<128x128xi32>
    %broadcast_in_dim3A_1130 = vector.shape_cast %slice3A_1127 : vector<1x128xf32> to vector<1x128xf32>
    %broadcast_in_dim3A_1131 = vector.broadcast %broadcast_in_dim3A_1130 : vector<1x128xf32> to vector<128x128xf32>
    %eq3A_1132 = arith.cmpi eq, %iota3A_1128, %iota3A_1129 : vector<128x128xi32>
    %jit3A_1133 = arith.constant 0.000000e+00 : f32
    %broadcast_in_dim3A_1134 = vector.broadcast %jit3A_1133 : f32 to vector<128x128xf32>
    %select_n3A_1135 = arith.select %eq3A_1132, %broadcast_in_dim3A_1131, %broadcast_in_dim3A_1134 : vector<128x128xi1>, vector<128x128xf32>
    %reduce_sum3A_1136 = arith.constant dense<0.000000e+00> : vector<128xf32>
    %reduce_sum3A_1137 = vector.multi_reduction <add>, %select_n3A_1135, %reduce_sum3A_1136 [1] : vector<128x128xf32> to vector<128xf32>
    %broadcast_in_dim3A_1138 = vector.shape_cast %reduce_sum3A_1137 : vector<128xf32> to vector<128x1xf32>
    %slice3A_1139 = vector.extract_strided_slice %mul3A_41 {offsets = [92, 0], sizes = [1, 128], strides = [1, 1]} : vector<100x128xf32> to vector<1x128xf32>
    %iota3A_1140 = tpu.iota {dimensions = array<i32: 0>} : vector<128x128xi32>
    %iota3A_1141 = tpu.iota {dimensions = array<i32: 1>} : vector<128x128xi32>
    %broadcast_in_dim3A_1142 = vector.shape_cast %slice3A_1139 : vector<1x128xf32> to vector<1x128xf32>
    %broadcast_in_dim3A_1143 = vector.broadcast %broadcast_in_dim3A_1142 : vector<1x128xf32> to vector<128x128xf32>
    %eq3A_1144 = arith.cmpi eq, %iota3A_1140, %iota3A_1141 : vector<128x128xi32>
    %jit3A_1145 = arith.constant 0.000000e+00 : f32
    %broadcast_in_dim3A_1146 = vector.broadcast %jit3A_1145 : f32 to vector<128x128xf32>
    %select_n3A_1147 = arith.select %eq3A_1144, %broadcast_in_dim3A_1143, %broadcast_in_dim3A_1146 : vector<128x128xi1>, vector<128x128xf32>
    %reduce_sum3A_1148 = arith.constant dense<0.000000e+00> : vector<128xf32>
    %reduce_sum3A_1149 = vector.multi_reduction <add>, %select_n3A_1147, %reduce_sum3A_1148 [1] : vector<128x128xf32> to vector<128xf32>
    %broadcast_in_dim3A_1150 = vector.shape_cast %reduce_sum3A_1149 : vector<128xf32> to vector<128x1xf32>
    %slice3A_1151 = vector.extract_strided_slice %mul3A_41 {offsets = [93, 0], sizes = [1, 128], strides = [1, 1]} : vector<100x128xf32> to vector<1x128xf32>
    %iota3A_1152 = tpu.iota {dimensions = array<i32: 0>} : vector<128x128xi32>
    %iota3A_1153 = tpu.iota {dimensions = array<i32: 1>} : vector<128x128xi32>
    %broadcast_in_dim3A_1154 = vector.shape_cast %slice3A_1151 : vector<1x128xf32> to vector<1x128xf32>
    %broadcast_in_dim3A_1155 = vector.broadcast %broadcast_in_dim3A_1154 : vector<1x128xf32> to vector<128x128xf32>
    %eq3A_1156 = arith.cmpi eq, %iota3A_1152, %iota3A_1153 : vector<128x128xi32>
    %jit3A_1157 = arith.constant 0.000000e+00 : f32
    %broadcast_in_dim3A_1158 = vector.broadcast %jit3A_1157 : f32 to vector<128x128xf32>
    %select_n3A_1159 = arith.select %eq3A_1156, %broadcast_in_dim3A_1155, %broadcast_in_dim3A_1158 : vector<128x128xi1>, vector<128x128xf32>
    %reduce_sum3A_1160 = arith.constant dense<0.000000e+00> : vector<128xf32>
    %reduce_sum3A_1161 = vector.multi_reduction <add>, %select_n3A_1159, %reduce_sum3A_1160 [1] : vector<128x128xf32> to vector<128xf32>
    %broadcast_in_dim3A_1162 = vector.shape_cast %reduce_sum3A_1161 : vector<128xf32> to vector<128x1xf32>
    %slice3A_1163 = vector.extract_strided_slice %mul3A_41 {offsets = [94, 0], sizes = [1, 128], strides = [1, 1]} : vector<100x128xf32> to vector<1x128xf32>
    %iota3A_1164 = tpu.iota {dimensions = array<i32: 0>} : vector<128x128xi32>
    %iota3A_1165 = tpu.iota {dimensions = array<i32: 1>} : vector<128x128xi32>
    %broadcast_in_dim3A_1166 = vector.shape_cast %slice3A_1163 : vector<1x128xf32> to vector<1x128xf32>
    %broadcast_in_dim3A_1167 = vector.broadcast %broadcast_in_dim3A_1166 : vector<1x128xf32> to vector<128x128xf32>
    %eq3A_1168 = arith.cmpi eq, %iota3A_1164, %iota3A_1165 : vector<128x128xi32>
    %jit3A_1169 = arith.constant 0.000000e+00 : f32
    %broadcast_in_dim3A_1170 = vector.broadcast %jit3A_1169 : f32 to vector<128x128xf32>
    %select_n3A_1171 = arith.select %eq3A_1168, %broadcast_in_dim3A_1167, %broadcast_in_dim3A_1170 : vector<128x128xi1>, vector<128x128xf32>
    %reduce_sum3A_1172 = arith.constant dense<0.000000e+00> : vector<128xf32>
    %reduce_sum3A_1173 = vector.multi_reduction <add>, %select_n3A_1171, %reduce_sum3A_1172 [1] : vector<128x128xf32> to vector<128xf32>
    %broadcast_in_dim3A_1174 = vector.shape_cast %reduce_sum3A_1173 : vector<128xf32> to vector<128x1xf32>
    %slice3A_1175 = vector.extract_strided_slice %mul3A_41 {offsets = [95, 0], sizes = [1, 128], strides = [1, 1]} : vector<100x128xf32> to vector<1x128xf32>
    %iota3A_1176 = tpu.iota {dimensions = array<i32: 0>} : vector<128x128xi32>
    %iota3A_1177 = tpu.iota {dimensions = array<i32: 1>} : vector<128x128xi32>
    %broadcast_in_dim3A_1178 = vector.shape_cast %slice3A_1175 : vector<1x128xf32> to vector<1x128xf32>
    %broadcast_in_dim3A_1179 = vector.broadcast %broadcast_in_dim3A_1178 : vector<1x128xf32> to vector<128x128xf32>
    %eq3A_1180 = arith.cmpi eq, %iota3A_1176, %iota3A_1177 : vector<128x128xi32>
    %jit3A_1181 = arith.constant 0.000000e+00 : f32
    %broadcast_in_dim3A_1182 = vector.broadcast %jit3A_1181 : f32 to vector<128x128xf32>
    %select_n3A_1183 = arith.select %eq3A_1180, %broadcast_in_dim3A_1179, %broadcast_in_dim3A_1182 : vector<128x128xi1>, vector<128x128xf32>
    %reduce_sum3A_1184 = arith.constant dense<0.000000e+00> : vector<128xf32>
    %reduce_sum3A_1185 = vector.multi_reduction <add>, %select_n3A_1183, %reduce_sum3A_1184 [1] : vector<128x128xf32> to vector<128xf32>
    %broadcast_in_dim3A_1186 = vector.shape_cast %reduce_sum3A_1185 : vector<128xf32> to vector<128x1xf32>
    %slice3A_1187 = vector.extract_strided_slice %mul3A_41 {offsets = [96, 0], sizes = [1, 128], strides = [1, 1]} : vector<100x128xf32> to vector<1x128xf32>
    %iota3A_1188 = tpu.iota {dimensions = array<i32: 0>} : vector<128x128xi32>
    %iota3A_1189 = tpu.iota {dimensions = array<i32: 1>} : vector<128x128xi32>
    %broadcast_in_dim3A_1190 = vector.shape_cast %slice3A_1187 : vector<1x128xf32> to vector<1x128xf32>
    %broadcast_in_dim3A_1191 = vector.broadcast %broadcast_in_dim3A_1190 : vector<1x128xf32> to vector<128x128xf32>
    %eq3A_1192 = arith.cmpi eq, %iota3A_1188, %iota3A_1189 : vector<128x128xi32>
    %jit3A_1193 = arith.constant 0.000000e+00 : f32
    %broadcast_in_dim3A_1194 = vector.broadcast %jit3A_1193 : f32 to vector<128x128xf32>
    %select_n3A_1195 = arith.select %eq3A_1192, %broadcast_in_dim3A_1191, %broadcast_in_dim3A_1194 : vector<128x128xi1>, vector<128x128xf32>
    %reduce_sum3A_1196 = arith.constant dense<0.000000e+00> : vector<128xf32>
    %reduce_sum3A_1197 = vector.multi_reduction <add>, %select_n3A_1195, %reduce_sum3A_1196 [1] : vector<128x128xf32> to vector<128xf32>
    %broadcast_in_dim3A_1198 = vector.shape_cast %reduce_sum3A_1197 : vector<128xf32> to vector<128x1xf32>
    %slice3A_1199 = vector.extract_strided_slice %mul3A_41 {offsets = [97, 0], sizes = [1, 128], strides = [1, 1]} : vector<100x128xf32> to vector<1x128xf32>
    %iota3A_1200 = tpu.iota {dimensions = array<i32: 0>} : vector<128x128xi32>
    %iota3A_1201 = tpu.iota {dimensions = array<i32: 1>} : vector<128x128xi32>
    %broadcast_in_dim3A_1202 = vector.shape_cast %slice3A_1199 : vector<1x128xf32> to vector<1x128xf32>
    %broadcast_in_dim3A_1203 = vector.broadcast %broadcast_in_dim3A_1202 : vector<1x128xf32> to vector<128x128xf32>
    %eq3A_1204 = arith.cmpi eq, %iota3A_1200, %iota3A_1201 : vector<128x128xi32>
    %jit3A_1205 = arith.constant 0.000000e+00 : f32
    %broadcast_in_dim3A_1206 = vector.broadcast %jit3A_1205 : f32 to vector<128x128xf32>
    %select_n3A_1207 = arith.select %eq3A_1204, %broadcast_in_dim3A_1203, %broadcast_in_dim3A_1206 : vector<128x128xi1>, vector<128x128xf32>
    %reduce_sum3A_1208 = arith.constant dense<0.000000e+00> : vector<128xf32>
    %reduce_sum3A_1209 = vector.multi_reduction <add>, %select_n3A_1207, %reduce_sum3A_1208 [1] : vector<128x128xf32> to vector<128xf32>
    %broadcast_in_dim3A_1210 = vector.shape_cast %reduce_sum3A_1209 : vector<128xf32> to vector<128x1xf32>
    %slice3A_1211 = vector.extract_strided_slice %mul3A_41 {offsets = [98, 0], sizes = [1, 128], strides = [1, 1]} : vector<100x128xf32> to vector<1x128xf32>
    %iota3A_1212 = tpu.iota {dimensions = array<i32: 0>} : vector<128x128xi32>
    %iota3A_1213 = tpu.iota {dimensions = array<i32: 1>} : vector<128x128xi32>
    %broadcast_in_dim3A_1214 = vector.shape_cast %slice3A_1211 : vector<1x128xf32> to vector<1x128xf32>
    %broadcast_in_dim3A_1215 = vector.broadcast %broadcast_in_dim3A_1214 : vector<1x128xf32> to vector<128x128xf32>
    %eq3A_1216 = arith.cmpi eq, %iota3A_1212, %iota3A_1213 : vector<128x128xi32>
    %jit3A_1217 = arith.constant 0.000000e+00 : f32
    %broadcast_in_dim3A_1218 = vector.broadcast %jit3A_1217 : f32 to vector<128x128xf32>
    %select_n3A_1219 = arith.select %eq3A_1216, %broadcast_in_dim3A_1215, %broadcast_in_dim3A_1218 : vector<128x128xi1>, vector<128x128xf32>
    %reduce_sum3A_1220 = arith.constant dense<0.000000e+00> : vector<128xf32>
    %reduce_sum3A_1221 = vector.multi_reduction <add>, %select_n3A_1219, %reduce_sum3A_1220 [1] : vector<128x128xf32> to vector<128xf32>
    %broadcast_in_dim3A_1222 = vector.shape_cast %reduce_sum3A_1221 : vector<128xf32> to vector<128x1xf32>
    %slice3A_1223 = vector.extract_strided_slice %mul3A_41 {offsets = [99, 0], sizes = [1, 128], strides = [1, 1]} : vector<100x128xf32> to vector<1x128xf32>
    %iota3A_1224 = tpu.iota {dimensions = array<i32: 0>} : vector<128x128xi32>
    %iota3A_1225 = tpu.iota {dimensions = array<i32: 1>} : vector<128x128xi32>
    %broadcast_in_dim3A_1226 = vector.shape_cast %slice3A_1223 : vector<1x128xf32> to vector<1x128xf32>
    %broadcast_in_dim3A_1227 = vector.broadcast %broadcast_in_dim3A_1226 : vector<1x128xf32> to vector<128x128xf32>
    %eq3A_1228 = arith.cmpi eq, %iota3A_1224, %iota3A_1225 : vector<128x128xi32>
    %jit3A_1229 = arith.constant 0.000000e+00 : f32
    %broadcast_in_dim3A_1230 = vector.broadcast %jit3A_1229 : f32 to vector<128x128xf32>
    %select_n3A_1231 = arith.select %eq3A_1228, %broadcast_in_dim3A_1227, %broadcast_in_dim3A_1230 : vector<128x128xi1>, vector<128x128xf32>
    %reduce_sum3A_1232 = arith.constant dense<0.000000e+00> : vector<128xf32>
    %reduce_sum3A_1233 = vector.multi_reduction <add>, %select_n3A_1231, %reduce_sum3A_1232 [1] : vector<128x128xf32> to vector<128xf32>
    %broadcast_in_dim3A_1234 = vector.shape_cast %reduce_sum3A_1233 : vector<128xf32> to vector<128x1xf32>
    %concatenate3A = tpu.concatenate %broadcast_in_dim3A_46, %broadcast_in_dim3A_58, %broadcast_in_dim3A_70, %broadcast_in_dim3A_82, %broadcast_in_dim3A_94, %broadcast_in_dim3A_106, %broadcast_in_dim3A_118, %broadcast_in_dim3A_130, %broadcast_in_dim3A_142, %broadcast_in_dim3A_154, %broadcast_in_dim3A_166, %broadcast_in_dim3A_178, %broadcast_in_dim3A_190, %broadcast_in_dim3A_202, %broadcast_in_dim3A_214, %broadcast_in_dim3A_226, %broadcast_in_dim3A_238, %broadcast_in_dim3A_250, %broadcast_in_dim3A_262, %broadcast_in_dim3A_274, %broadcast_in_dim3A_286, %broadcast_in_dim3A_298, %broadcast_in_dim3A_310, %broadcast_in_dim3A_322, %broadcast_in_dim3A_334, %broadcast_in_dim3A_346, %broadcast_in_dim3A_358, %broadcast_in_dim3A_370, %broadcast_in_dim3A_382, %broadcast_in_dim3A_394, %broadcast_in_dim3A_406, %broadcast_in_dim3A_418, %broadcast_in_dim3A_430, %broadcast_in_dim3A_442, %broadcast_in_dim3A_454, %broadcast_in_dim3A_466, %broadcast_in_dim3A_478, %broadcast_in_dim3A_490, %broadcast_in_dim3A_502, %broadcast_in_dim3A_514, %broadcast_in_dim3A_526, %broadcast_in_dim3A_538, %broadcast_in_dim3A_550, %broadcast_in_dim3A_562, %broadcast_in_dim3A_574, %broadcast_in_dim3A_586, %broadcast_in_dim3A_598, %broadcast_in_dim3A_610, %broadcast_in_dim3A_622, %broadcast_in_dim3A_634, %broadcast_in_dim3A_646, %broadcast_in_dim3A_658, %broadcast_in_dim3A_670, %broadcast_in_dim3A_682, %broadcast_in_dim3A_694, %broadcast_in_dim3A_706, %broadcast_in_dim3A_718, %broadcast_in_dim3A_730, %broadcast_in_dim3A_742, %broadcast_in_dim3A_754, %broadcast_in_dim3A_766, %broadcast_in_dim3A_778, %broadcast_in_dim3A_790, %broadcast_in_dim3A_802, %broadcast_in_dim3A_814, %broadcast_in_dim3A_826, %broadcast_in_dim3A_838, %broadcast_in_dim3A_850, %broadcast_in_dim3A_862, %broadcast_in_dim3A_874, %broadcast_in_dim3A_886, %broadcast_in_dim3A_898, %broadcast_in_dim3A_910, %broadcast_in_dim3A_922, %broadcast_in_dim3A_934, %broadcast_in_dim3A_946, %broadcast_in_dim3A_958, %broadcast_in_dim3A_970, %broadcast_in_dim3A_982, %broadcast_in_dim3A_994, %broadcast_in_dim3A_1006, %broadcast_in_dim3A_1018, %broadcast_in_dim3A_1030, %broadcast_in_dim3A_1042, %broadcast_in_dim3A_1054, %broadcast_in_dim3A_1066, %broadcast_in_dim3A_1078, %broadcast_in_dim3A_1090, %broadcast_in_dim3A_1102, %broadcast_in_dim3A_1114, %broadcast_in_dim3A_1126, %broadcast_in_dim3A_1138, %broadcast_in_dim3A_1150, %broadcast_in_dim3A_1162, %broadcast_in_dim3A_1174, %broadcast_in_dim3A_1186, %broadcast_in_dim3A_1198, %broadcast_in_dim3A_1210, %broadcast_in_dim3A_1222, %broadcast_in_dim3A_1234 in 0 : vector<128x1xf32>, vector<128x1xf32>, vector<128x1xf32>, vector<128x1xf32>, vector<128x1xf32>, vector<128x1xf32>, vector<128x1xf32>, vector<128x1xf32>, vector<128x1xf32>, vector<128x1xf32>, vector<128x1xf32>, vector<128x1xf32>, vector<128x1xf32>, vector<128x1xf32>, vector<128x1xf32>, vector<128x1xf32>, vector<128x1xf32>, vector<128x1xf32>, vector<128x1xf32>, vector<128x1xf32>, vector<128x1xf32>, vector<128x1xf32>, vector<128x1xf32>, vector<128x1xf32>, vector<128x1xf32>, vector<128x1xf32>, vector<128x1xf32>, vector<128x1xf32>, vector<128x1xf32>, vector<128x1xf32>, vector<128x1xf32>, vector<128x1xf32>, vector<128x1xf32>, vector<128x1xf32>, vector<128x1xf32>, vector<128x1xf32>, vector<128x1xf32>, vector<128x1xf32>, vector<128x1xf32>, vector<128x1xf32>, vector<128x1xf32>, vector<128x1xf32>, vector<128x1xf32>, vector<128x1xf32>, vector<128x1xf32>, vector<128x1xf32>, vector<128x1xf32>, vector<128x1xf32>, vector<128x1xf32>, vector<128x1xf32>, vector<128x1xf32>, vector<128x1xf32>, vector<128x1xf32>, vector<128x1xf32>, vector<128x1xf32>, vector<128x1xf32>, vector<128x1xf32>, vector<128x1xf32>, vector<128x1xf32>, vector<128x1xf32>, vector<128x1xf32>, vector<128x1xf32>, vector<128x1xf32>, vector<128x1xf32>, vector<128x1xf32>, vector<128x1xf32>, vector<128x1xf32>, vector<128x1xf32>, vector<128x1xf32>, vector<128x1xf32>, vector<128x1xf32>, vector<128x1xf32>, vector<128x1xf32>, vector<128x1xf32>, vector<128x1xf32>, vector<128x1xf32>, vector<128x1xf32>, vector<128x1xf32>, vector<128x1xf32>, vector<128x1xf32>, vector<128x1xf32>, vector<128x1xf32>, vector<128x1xf32>, vector<128x1xf32>, vector<128x1xf32>, vector<128x1xf32>, vector<128x1xf32>, vector<128x1xf32>, vector<128x1xf32>, vector<128x1xf32>, vector<128x1xf32>, vector<128x1xf32>, vector<128x1xf32>, vector<128x1xf32>, vector<128x1xf32>, vector<128x1xf32>, vector<128x1xf32>, vector<128x1xf32>, vector<128x1xf32>, vector<128x1xf32> -> vector<12800x1xf32>
    %mul3A_1235 = vector.broadcast %concatenate3A : vector<12800x1xf32> to vector<12800x128xf32>
    %mul3A_1236 = arith.mulf %dot_general3A_20, %mul3A_1235 : vector<12800x128xf32>
    %swap3A = arith.constant 0 : index
    %swap3A_1237 = arith.constant 0 : index
    %swap3A_1238 = vector.load %arg6[%swap3A, %swap3A_1237] : memref<12800x128xf32, #tpu.memory_space<vmem>>, vector<12800x128xf32>
    tpu.vector_store %arg6[%swap3A, %swap3A_1237], %mul3A_1236 {strides = array<i32>} : memref<12800x128xf32, #tpu.memory_space<vmem>>, vector<12800x128xf32>,
    return
  }
  func.func @transform_0(%arg0: i32) -> (i32, i32) {
    %c0_i32 = arith.constant 0 : i32
    %c0_i32_0 = arith.constant 0 : i32
    return %arg0, %c0_i32 : i32, i32
  }
  func.func @transform_1(%arg0: i32) -> (i32, i32, i32) {
    %c0_i32 = arith.constant 0 : i32
    %c0_i32_0 = arith.constant 0 : i32
    %c0_i32_1 = arith.constant 0 : i32
    return %arg0, %c0_i32, %c0_i32_0 : i32, i32, i32
  }
  func.func @transform_2(%arg0: i32) -> (i32, i32) {
    %c0_i32 = arith.constant 0 : i32
    %c0_i32_0 = arith.constant 0 : i32
    %c0_i32_1 = arith.constant 0 : i32
    return %c0_i32, %c0_i32_0 : i32, i32
  }
  func.func @transform_3(%arg0: i32) -> (i32, i32) {
    %c0_i32 = arith.constant 0 : i32
    %c0_i32_0 = arith.constant 0 : i32
    %c0_i32_1 = arith.constant 0 : i32
    return %c0_i32, %c0_i32_0 : i32, i32
  }
  func.func @transform_4(%arg0: i32) -> (i32, i32) {
    %c0_i32 = arith.constant 0 : i32
    %c0_i32_0 = arith.constant 0 : i32
    %c0_i32_1 = arith.constant 0 : i32
    return %c0_i32, %c0_i32_0 : i32, i32
  }
  func.func @transform_5(%arg0: i32) -> (i32, i32) {
    %c0_i32 = arith.constant 0 : i32
    %c0_i32_0 = arith.constant 0 : i32
    return %arg0, %c0_i32 : i32, i32
  }
}

module attributes {stable_mosaic.version = 14 : i64} {
  func.func @_node_body(%arg0: i32, %arg1: memref<2x1000x128xf32, #tpu.memory_space<vmem>>, %arg2: memref<1000x128xf32, #tpu.memory_space<vmem>>, %arg3: memref<128x128xf32, #tpu.memory_space<vmem>>, %arg4: memref<1x128xf32, #tpu.memory_space<vmem>>, %arg5: memref<1x128xf32, #tpu.memory_space<vmem>>, %arg6: memref<1x128xf32, #tpu.memory_space<vmem>>, %arg7: memref<128x128xf32, #tpu.memory_space<vmem>>, %arg8: memref<1x128xf32, #tpu.memory_space<vmem>>, %arg9: memref<1000x128xf32, #tpu.memory_space<vmem>>) attributes {dimension_semantics = [#tpu.dimension_semantics<arbitrary>], iteration_bounds = array<i64: 10>, scalar_prefetch = 0 : i64, scratch_operands = 0 : i64, tpu.core_type = #tpu.core_type<tc>, window_params = [{transform_indices = @transform_0, window_bounds = array<i64: 2, 1000, 128>}, {transform_indices = @transform_1, window_bounds = array<i64: 1000, 128>}, {pipeline_mode = #tpu.pipeline_mode<synchronous>, transform_indices = @transform_2, window_bounds = array<i64: 128, 128>}, {pipeline_mode = #tpu.pipeline_mode<synchronous>, transform_indices = @transform_3, window_bounds = array<i64: 1, 128>}, {pipeline_mode = #tpu.pipeline_mode<synchronous>, transform_indices = @transform_4, window_bounds = array<i64: 1, 128>}, {pipeline_mode = #tpu.pipeline_mode<synchronous>, transform_indices = @transform_5, window_bounds = array<i64: 1, 128>}, {pipeline_mode = #tpu.pipeline_mode<synchronous>, transform_indices = @transform_6, window_bounds = array<i64: 128, 128>}, {pipeline_mode = #tpu.pipeline_mode<synchronous>, transform_indices = @transform_7, window_bounds = array<i64: 1, 128>}, {transform_indices = @transform_8, window_bounds = array<i64: 1000, 128>}]} {
    %get3A = arith.constant 0 : index
    %get3A_0 = arith.constant 0 : index
    %get3A_1 = arith.constant 0 : index
    %get3A_2 = vector.load %arg1[%get3A, %get3A_0, %get3A_1] : memref<2x1000x128xf32, #tpu.memory_space<vmem>>, vector<1x1000x128xf32>
    %get3A_3 = vector.shape_cast %get3A_2 : vector<1x1000x128xf32> to vector<1000x128xf32>
    %get3A_4 = arith.constant 1 : index
    %get3A_5 = arith.constant 0 : index
    %get3A_6 = arith.constant 0 : index
    %get3A_7 = vector.load %arg1[%get3A_4, %get3A_5, %get3A_6] : memref<2x1000x128xf32, #tpu.memory_space<vmem>>, vector<1x1000x128xf32>
    %get3A_8 = vector.shape_cast %get3A_7 : vector<1x1000x128xf32> to vector<1000x128xf32>
    %add3A = arith.addf %get3A_3, %get3A_8 : vector<1000x128xf32>
    %get3A_9 = arith.constant 0 : index
    %get3A_10 = arith.constant 0 : index
    %get3A_11 = vector.load %arg3[%get3A_9, %get3A_10] : memref<128x128xf32, #tpu.memory_space<vmem>>, vector<128x128xf32>
    %dot_general3A = arith.constant dense<0.000000e+00> : vector<1000x128xf32>
    %dot_general3A_12 = tpu.matmul %add3A, %get3A_11, %dot_general3A {dimension_numbers = #tpu.dot_dimension_numbers<[1], [0], [0], [1], [0, 0, 1, 1], [], []>, transpose_lhs_hint = false} : vector<1000x128xf32>, vector<128x128xf32>, vector<1000x128xf32> -> vector<1000x128xf32>
    %get3A_13 = arith.constant 0 : index
    %get3A_14 = arith.constant 0 : index
    %get3A_15 = vector.load %arg4[%get3A_13, %get3A_14] : memref<1x128xf32, #tpu.memory_space<vmem>>, vector<1x128xf32>
    %add3A_16 = vector.broadcast %get3A_15 : vector<1x128xf32> to vector<1000x128xf32>
    %add3A_17 = arith.addf %dot_general3A_12, %add3A_16 : vector<1000x128xf32>
    %reduce_sum3A = arith.constant dense<0.000000e+00> : vector<1000xf32>
    %reduce_sum3A_18 = vector.multi_reduction <add>, %add3A_17, %reduce_sum3A [1] : vector<1000x128xf32> to vector<1000xf32>
    %broadcast_in_dim3A = vector.shape_cast %reduce_sum3A_18 : vector<1000xf32> to vector<1000x1xf32>
    %div3A = arith.constant 1.280000e+02 : f32
    %div3A_19 = vector.broadcast %div3A : f32 to vector<1000x1xf32>
    %div3A_20 = arith.divf %broadcast_in_dim3A, %div3A_19 : vector<1000x1xf32>
    %sub3A = vector.broadcast %div3A_20 : vector<1000x1xf32> to vector<1000x128xf32>
    %sub3A_21 = arith.subf %add3A_17, %sub3A : vector<1000x128xf32>
    %mul3A = arith.mulf %sub3A_21, %sub3A_21 : vector<1000x128xf32>
    %reduce_sum3A_22 = arith.constant dense<0.000000e+00> : vector<1000xf32>
    %reduce_sum3A_23 = vector.multi_reduction <add>, %mul3A, %reduce_sum3A_22 [1] : vector<1000x128xf32> to vector<1000xf32>
    %broadcast_in_dim3A_24 = vector.shape_cast %reduce_sum3A_23 : vector<1000xf32> to vector<1000x1xf32>
    %div3A_25 = arith.constant 1.280000e+02 : f32
    %div3A_26 = vector.broadcast %div3A_25 : f32 to vector<1000x1xf32>
    %div3A_27 = arith.divf %broadcast_in_dim3A_24, %div3A_26 : vector<1000x1xf32>
    %add3A_28 = arith.constant 9.99999974E-6 : f32
    %add3A_29 = vector.broadcast %add3A_28 : f32 to vector<1000x1xf32>
    %add3A_30 = arith.addf %div3A_27, %add3A_29 : vector<1000x1xf32>
    %rsqrt3A = math.rsqrt %add3A_30 : vector<1000x1xf32>
    %mul3A_31 = vector.broadcast %rsqrt3A : vector<1000x1xf32> to vector<1000x128xf32>
    %mul3A_32 = arith.mulf %sub3A_21, %mul3A_31 : vector<1000x128xf32>
    %get3A_33 = arith.constant 0 : index
    %get3A_34 = arith.constant 0 : index
    %get3A_35 = vector.load %arg5[%get3A_33, %get3A_34] : memref<1x128xf32, #tpu.memory_space<vmem>>, vector<1x128xf32>
    %mul3A_36 = vector.broadcast %get3A_35 : vector<1x128xf32> to vector<1000x128xf32>
    %mul3A_37 = arith.mulf %mul3A_32, %mul3A_36 : vector<1000x128xf32>
    %get3A_38 = arith.constant 0 : index
    %get3A_39 = arith.constant 0 : index
    %get3A_40 = vector.load %arg6[%get3A_38, %get3A_39] : memref<1x128xf32, #tpu.memory_space<vmem>>, vector<1x128xf32>
    %add3A_41 = vector.broadcast %get3A_40 : vector<1x128xf32> to vector<1000x128xf32>
    %add3A_42 = arith.addf %mul3A_37, %add3A_41 : vector<1000x128xf32>
    %logistic3A = arith.negf %add3A_42 : vector<1000x128xf32>
    %logistic3A_43 = math.exp %logistic3A : vector<1000x128xf32>
    %logistic3A_44 = arith.constant 1.000000e+00 : f32
    %logistic3A_45 = vector.broadcast %logistic3A_44 : f32 to vector<1000x128xf32>
    %logistic3A_46 = arith.addf %logistic3A_45, %logistic3A_43 : vector<1000x128xf32>
    %logistic3A_47 = arith.divf %logistic3A_45, %logistic3A_46 : vector<1000x128xf32>
    %mul3A_48 = arith.mulf %add3A_42, %logistic3A_47 : vector<1000x128xf32>
    %get3A_49 = arith.constant 0 : index
    %get3A_50 = arith.constant 0 : index
    %get3A_51 = vector.load %arg7[%get3A_49, %get3A_50] : memref<128x128xf32, #tpu.memory_space<vmem>>, vector<128x128xf32>
    %dot_general3A_52 = arith.constant dense<0.000000e+00> : vector<1000x128xf32>
    %dot_general3A_53 = tpu.matmul %mul3A_48, %get3A_51, %dot_general3A_52 {dimension_numbers = #tpu.dot_dimension_numbers<[1], [0], [0], [1], [0, 0, 1, 1], [], []>, transpose_lhs_hint = false} : vector<1000x128xf32>, vector<128x128xf32>, vector<1000x128xf32> -> vector<1000x128xf32>
    %get3A_54 = arith.constant 0 : index
    %get3A_55 = arith.constant 0 : index
    %get3A_56 = vector.load %arg8[%get3A_54, %get3A_55] : memref<1x128xf32, #tpu.memory_space<vmem>>, vector<1x128xf32>
    %add3A_57 = vector.broadcast %get3A_56 : vector<1x128xf32> to vector<1000x128xf32>
    %add3A_58 = arith.addf %dot_general3A_53, %add3A_57 : vector<1000x128xf32>
    %get3A_59 = arith.constant 0 : index
    %get3A_60 = arith.constant 0 : index
    %get3A_61 = vector.load %arg2[%get3A_59, %get3A_60] : memref<1000x128xf32, #tpu.memory_space<vmem>>, vector<1000x128xf32>
    %add3A_62 = arith.addf %add3A_58, %get3A_61 : vector<1000x128xf32>
    %swap3A = arith.constant 0 : index
    %swap3A_63 = arith.constant 0 : index
    %swap3A_64 = vector.load %arg9[%swap3A, %swap3A_63] : memref<1000x128xf32, #tpu.memory_space<vmem>>, vector<1000x128xf32>
    tpu.vector_store %arg9[%swap3A, %swap3A_63], %add3A_62 {strides = array<i32>} : memref<1000x128xf32, #tpu.memory_space<vmem>>, vector<1000x128xf32>,
    return
  }
  func.func @transform_0(%arg0: i32) -> (i32, i32, i32) {
    %c0_i32 = arith.constant 0 : i32
    %c0_i32_0 = arith.constant 0 : i32
    %c0_i32_1 = arith.constant 0 : i32
    return %c0_i32, %arg0, %c0_i32_0 : i32, i32, i32
  }
  func.func @transform_1(%arg0: i32) -> (i32, i32) {
    %c0_i32 = arith.constant 0 : i32
    %c0_i32_0 = arith.constant 0 : i32
    return %arg0, %c0_i32 : i32, i32
  }
  func.func @transform_2(%arg0: i32) -> (i32, i32) {
    %c0_i32 = arith.constant 0 : i32
    %c0_i32_0 = arith.constant 0 : i32
    %c0_i32_1 = arith.constant 0 : i32
    return %c0_i32, %c0_i32_0 : i32, i32
  }
  func.func @transform_3(%arg0: i32) -> (i32, i32) {
    %c0_i32 = arith.constant 0 : i32
    %c0_i32_0 = arith.constant 0 : i32
    %c0_i32_1 = arith.constant 0 : i32
    return %c0_i32, %c0_i32_0 : i32, i32
  }
  func.func @transform_4(%arg0: i32) -> (i32, i32) {
    %c0_i32 = arith.constant 0 : i32
    %c0_i32_0 = arith.constant 0 : i32
    %c0_i32_1 = arith.constant 0 : i32
    return %c0_i32, %c0_i32_0 : i32, i32
  }
  func.func @transform_5(%arg0: i32) -> (i32, i32) {
    %c0_i32 = arith.constant 0 : i32
    %c0_i32_0 = arith.constant 0 : i32
    %c0_i32_1 = arith.constant 0 : i32
    return %c0_i32, %c0_i32_0 : i32, i32
  }
  func.func @transform_6(%arg0: i32) -> (i32, i32) {
    %c0_i32 = arith.constant 0 : i32
    %c0_i32_0 = arith.constant 0 : i32
    %c0_i32_1 = arith.constant 0 : i32
    return %c0_i32, %c0_i32_0 : i32, i32
  }
  func.func @transform_7(%arg0: i32) -> (i32, i32) {
    %c0_i32 = arith.constant 0 : i32
    %c0_i32_0 = arith.constant 0 : i32
    %c0_i32_1 = arith.constant 0 : i32
    return %c0_i32, %c0_i32_0 : i32, i32
  }
  func.func @transform_8(%arg0: i32) -> (i32, i32) {
    %c0_i32 = arith.constant 0 : i32
    %c0_i32_0 = arith.constant 0 : i32
    return %arg0, %c0_i32 : i32, i32
  }
}

</mosaic_0001>

<sc_bundles>
// kernel: kernel.6.cloned.1.call-start
scs
__scs_entry_jumppad:
0x0: {  	(pc) =	sbr.rel $0x88, $3  }
0x1: {  	(tag) =	ssettag $0x0;
	lr =	simm.s32 $0x1  }
0x2: {  	[smem:$0x3F92] =	sst lr;
	_ =	strace $0xD0000000  }
0x3: {  	_ = 	snop  }
0x4: {  	_ = 	snop  }
0x5: {  	_ = 	snop  }
0x6: {  	_ = 	snop  }
0x7: {  	_ = 	snop  }
__scs_overlays_trampoline_lowered:
0x8: {  	[smem:$0x3FA1] =	sst s0  }
0x9: {  	[smem:$0x3FA2] =	sst s1  }
0xa: {  	[smem:$0x3FA3] =	sst s2  }
0xb: {  	[smem:$0x3FA4] =	sst s3  }
0xc: {  	[smem:$0x3FA5] =	sst s4  }
0xd: {  	[smem:$0x3FA6] =	sst s5  }
0xe: {  	[smem:$0x3FA7] =	sst s6  }
0xf: {  	[smem:$0x3FA8] =	sst s7  }
0x10: {  	[smem:$0x3FA9] =	sst s8  }
0x11: {  	[smem:$0x3FAA] =	sst s9;
	s0 =	simm.s32 @!p0 $0x0  }
0x12: {  	s1 =	sld [smem:$0x3F90];
	s0 =	simm.s32 @p0 $0x1  }
0x13: {  	[smem:$0x3FAB] =	sst s0;
	s0 =	simm.s32 @!p1 $0x0  }
0x14: {  	s2 =	sld [smem:$0x3F8F];
	s0 =	simm.s32 @p1 $0x1  }
0x15: {  	[smem:$0x3FAC] =	sst s0;
	s0 =	simm.s32 @!p2 $0x0  }
0x16: {  	s3 =	sld [smem:$0x3FDB];
	s0 =	simm.s32 @p2 $0x1  }
0x17: {  	s4 =	simm.s32 $0x1BF5;
	[smem:$0x3FAE] =	sst s0  }
0x18: {  	s0 =	sld [smem:$0x3F91];
	_ =	swait.ge [sflag:s4], $0x0  }
0x19: {  	s7 =	sld [smem:$0x3F92]  }
0x1a: {  	s8 =	sadd.s32 $0xFFFFE003, lr  }
0x1b: {  	s9 =	sadd.s32 $0xFFFFFEF7, lr;
	s5 =	simm.s32 $0xFFFFFFFF;
	p2 =	slt.u32 s8, $0xFFFFF086  }
0x1c: {  	p1 =	slt.u32 s9, $0xF7A;
	s5 =	simm.s32 @!p2 $0x0  }
0x1d: {  	s5 =	simm.s32 @p1 $0x1;
	p0 =	seq.s32 s7, s2  }
0x1e: {  	s7 =	smul.u32 @!p0 $0xF7A, s2;
	p2 =	seq.s32 @!p0 s5, $0x0  }
0x1f: {  	s9 =	smul.u32 $0xF7A, s1;
	s8 =	simm.s32 @!p0 $0x1BF5;
	p2 =	por !p2, p0  }
0x20: {  	[sflag:s8] =	ssyncset.s32 @!p0 $0xFFFFF086;
	s6 =	sadd.s32 @!p0 s3, s7;
	s7 =	simm.s32 @!p0 $0x108  }
0x21: {  	s3 =	sadd.s32 s3, s9;
	s6 =	sadd.s32 @!p0 $0x88, s6;
	s7 =	simm.s32 @p2 $0x1082  }
0x22: {  	[simem:s7], [sflag:s8] =	dma.local @!p0 [hbm:s6], $0xF7A  }
0x23: {  	s9 =	sor.u32 $0xD0000000, s2;
	s6 =	simm.s32 $0x108;
	_ =	swait.ge @!p0 [sflag:s8], $0x0  }
0x24: {  	s3 =	sadd.s32 $0x88, s3;
	s6 =	simm.s32 @!p1 $0x1082;
	[sflag:s4] =	ssyncset.s32 $0xFFFFF086  }
0x25: {  	[simem:s6], [sflag:s4] =	dma.local [hbm:s3], $0xF7A  }
0x26: {  	[smem:$0x3F92] =	sst s1;
	(tag) =	ssettag s2;
	_ =	strace s9  }
0x27: {  	s1 =	sld [smem:$0x3FA2]  }
0x28: {  	s2 =	sld [smem:$0x3FA3]  }
0x29: {  	s4 =	sld [smem:$0x3FA5]  }
0x2a: {  	p0 =	seq.s32 s5, $0x0;
	s5 =	sld [smem:$0x3FA6]  }
0x2b: {  	s6 =	sld [smem:$0x3FA7]  }
0x2c: {  	s7 =	sld [smem:$0x3FA8]  }
0x2d: {  	s3 =	simm.s32 $0x108;
	s8 =	sld [smem:$0x3FA9]  }
0x2e: {  	s3 =	simm.s32 @!p0 $0x1082;
	s9 =	sld [smem:$0x3FAA]  }
0x2f: {  	lr =	sadd.s32 s0, s3;
	s0 =	sld [smem:$0x3FA1]  }
0x30: {  	s3 =	sld [smem:$0x3FA4]  }
0x31: {  	[smem:$0x3FAD] =	sst s10  }
0x32: {  	s10 =	sld [smem:$0x3FAB];
	_ =	sdelay $0x3  }
0x33: {  	p0 =	seq.s32 s10, $0x1;
	s10 =	sld [smem:$0x3FAD];
	_ =	sdelay $0x3  }
0x34: {  	[smem:$0x3FAD] =	sst s10  }
0x35: {  	s10 =	sld [smem:$0x3FAC];
	_ =	sdelay $0x3  }
0x36: {  	p1 =	seq.s32 s10, $0x1;
	s10 =	sld [smem:$0x3FAD];
	_ =	sdelay $0x3  }
0x37: {  	[smem:$0x3FAD] =	sst s10  }
0x38: {  	s10 =	sld [smem:$0x3FAE]  }
0x39: {  	_ = 	snop;
	(pc) =	sbr.ind lr, $3  }
0x3a: {  	_ = 	snop  }
0x3b: {  	_ = 	snop  }
0x3c: {  	p2 =	seq.s32 s10, $0x1;
	s10 =	sld [smem:$0x3FAD]  }
0x3d: {  	_ =	shalt  }
0x3e: {  	_ =	shalt  }
0x3f: {  	_ =	shalt  }
0x40: {  	_ =	shalt  }
0x41: {  	_ =	shalt  }
0x42: {  	_ =	shalt  }
0x43: {  	_ =	shalt  }
0x44: {  	_ =	shalt  }
0x45: {  	_ =	shalt  }
0x46: {  	_ =	shalt  }
0x47: {  	_ =	shalt  }
0x48: {  	_ =	shalt  }
0x49: {  	_ =	shalt  }
0x4a: {  	_ =	shalt  }
0x4b: {  	_ =	shalt  }
0x4c: {  	_ =	shalt  }
0x4d: {  	_ =	shalt  }
0x4e: {  	_ =	shalt  }
0x4f: {  	_ =	shalt  }
0x50: {  	_ =	shalt  }
0x51: {  	_ =	shalt  }
0x52: {  	_ =	shalt  }
0x53: {  	_ =	shalt  }
0x54: {  	_ =	shalt  }
0x55: {  	_ =	shalt  }
0x56: {  	_ =	shalt  }
0x57: {  	_ =	shalt  }
0x58: {  	_ =	shalt  }
0x59: {  	_ =	shalt  }
0x5a: {  	_ =	shalt  }
0x5b: {  	_ =	shalt  }
0x5c: {  	_ =	shalt  }
0x5d: {  	_ =	shalt  }
0x5e: {  	_ =	shalt  }
0x5f: {  	_ =	shalt  }
0x60: {  	_ =	shalt  }
0x61: {  	_ =	shalt  }
0x62: {  	_ =	shalt  }
0x63: {  	_ =	shalt  }
0x64: {  	_ =	shalt  }
0x65: {  	_ =	shalt  }
0x66: {  	_ =	shalt  }
0x67: {  	_ =	shalt  }
0x68: {  	_ =	shalt  }
0x69: {  	_ =	shalt  }
0x6a: {  	_ =	shalt  }
0x6b: {  	_ =	shalt  }
0x6c: {  	_ =	shalt  }
0x6d: {  	_ =	shalt  }
0x6e: {  	_ =	shalt  }
0x6f: {  	_ =	shalt  }
0x70: {  	_ =	shalt  }
0x71: {  	_ =	shalt  }
0x72: {  	_ =	shalt  }
0x73: {  	_ =	shalt  }
0x74: {  	_ =	shalt  }
0x75: {  	_ =	shalt  }
0x76: {  	_ =	shalt  }
0x77: {  	_ =	shalt  }
0x78: {  	_ =	shalt  }
0x79: {  	_ =	shalt  }
0x7a: {  	_ =	shalt  }
0x7b: {  	_ =	shalt  }
0x7c: {  	_ =	shalt  }
0x7d: {  	_ =	shalt  }
0x7e: {  	_ =	shalt  }
0x7f: {  	_ =	shalt  }
0x80: {  	_ =	shalt  }
0x81: {  	_ =	shalt  }
0x82: {  	_ =	shalt  }
0x83: {  	_ =	shalt  }
0x84: {  	_ =	shalt  }
0x85: {  	_ =	shalt  }
0x86: {  	_ =	shalt  }
0x87: {  	_ =	shalt  }
.Lfunc_end0:
.L_simem_size_0:
called_computation_lowered:
.L_overlay_start_0:
0x88: {  	s2 =	sld [smem:$0x3FD9]  }
0x89: {  	s3 =	sld [smem:$0x3FFE];
	_ =	sdelay $0x1  }
0x8a: {  	s1 =	srdreg.scid  }
0x8b: {  	s0 =	sand.u32 $0x1, s1  }
0x8c: {  	s17 =	sshll.u32 s0, $0xA;
	s2 =	sadd.s32 s3, s2  }
0x8d: {  	s2 =	sadd.s32 s2, s17  }
0x8e: {  	[smem:$0x3FB9] =	sst s2  }
0x8f: {  	_ = 	snop  }
0x90: {  	s2 =	sld [smem:$0x3FD0];
	(tm) =	ssettm $0x1  }
0x91: {  	s18 =	sld [smem:$0x3FFB];
	_ =	sdelay $0x3  }
0x92: {  	_ =	strace s18  }
0x93: {  	s3 =	sld [smem:$0x3FFC];
	_ =	sdelay $0x3  }
0x94: {  	_ =	strace s3  }
0x95: {  	s3 =	sld [smem:$0x3FFD];
	_ =	sdelay $0x3  }
0x96: {  	_ =	strace s3  }
0x97: {  	_ =	strace $0x8FFFFFFF  }
0x98: {  	s19 =	sld [smem:$0x3FDB];
	_ =	sdelay $0x1  }
0x99: {  	s4 =	simm.s32 $_scs_section_size  }
0x9a: {  	s5 =	simm.s32 $_size__tile_overlayer_lowered;
	s6 =	simm.s32 $_tile_overlayer_lowered  }
0x9b: {  	s22 =	simm.s32 $0x1BFF;
	s21 =	sshll.u32 s6, $0x1;
	s3 =	sadd.s32 s4, s19  }
0x9c: {  	s7 =	simm.s32 $0x0;
	s20 =	sshll.u32 s5, $0x1;
	s5 =	sadd.s32 s21, s3  }
0x9d: {  	[timem:s7], [sflag:s22] =	dma.local [hbm:s5], s20  }
0x9e: {  	_ =	swait.ge [sflag:s22], s20  }
0x9f: {  	s4 =	ssub.s32 $0x0, s20;
	[sflag:s22] =	ssyncset.done $0x0  }
0xa0: {  	[sflag:s22] =	ssyncadd.s32 s4;
	_ =	sdelay $0x1  }
0xa1: {  	s23 =	simm.s32 $0x1B8B  }
0xa2: {  	_ =	swait.ge [sflag:s23], $0x1  }
0xa3: {  	[sflag:s23] =	ssyncset.done $0x0  }
0xa4: {  	s25 =	simm.s32 $0x1B8E;
	s24 =	sld [smem:$0x3FFE];
	[sflag:s23] =	ssyncadd.s32 $0xFFFFFFFF  }
0xa5: {  	s26 =	simm.s32 $execute0_lowered;
	[smem:$0x3FD2] =	sst s25  }
0xa6: {  	s5 =	sshll.u32 s26, $0x1;
	_ =	strace $0x80000046;
	[dreg:$0x1] =	wrdreg $0xFFFFFFFF  }
0xa7: {  	s28 =	simm.s32 $_size_execute0_lowered;
	s3 =	sadd.s32 s3, s5;
	[dreg:$0x0] =	wrdreg $0x0  }
0xa8: {  	s5 =	sshll.u32 s28, $0x1;
	[dreg:$0x2] =	wrdreg s3  }
0xa9: {  	[dreg:$0x3] =	wrdreg s5  }
0xaa: {  	[dreg:$0x4] =	wrdreg $0xC0  }
0xab: {  	_ =	task [dreg:s7], $0x5FFFF  }
0xac: {  	[dreg:$0x1] =	wrdreg $0xFFFFFFFF  }
0xad: {  	[dreg:$0x0] =	wrdreg $0x60  }
0xae: {  	[dreg:$0x2] =	wrdreg s24  }
0xaf: {  	[dreg:$0x3] =	wrdreg s2  }
0xb0: {  	[dreg:$0x4] =	wrdreg $0xBB800  }
0xb1: {  	[dreg:$0x5] =	wrdreg $0x9  }
0xb2: {  	_ =	task.clear_ibuf [dreg:s7], $0x6FFFF;
	_ =	strace $0x90000046  }
0xb3: {  	s29 =	simm.s32 $0x9;
	_ =	strace $0x80000048  }
0xb4: {  	_ =	swait.ge [sflag:s29], $0x1  }
0xb5: {  	[sflag:s29] =	ssyncadd.s32 $0xFFFFFFFF  }
0xb6: {  	_ =	strace $0x90000048  }
0xb7: {  	_ =	sfence  }
0xb8: {  	s30 =	sld [smem:$0x0];
	_ =	sdelay $0x2  }
0xb9: {  	s31 =	sshll.u32 s1, $0xD;
	s1 =	sshrl.u32 s1, $0x2  }
0xba: {  	s3 =	sand.u32 $0x4000, s31;
	s1 =	sadd.s32 s1, s30  }
0xbb: {  	s0 =	sor.u32 s3, s0;
	s1 =	sshll.u32 s1, $0x11  }
0xbc: {  	s0 =	sor.u32 s1, s0  }
0xbd: {  	s0 =	sadd.s32 $0x8F2B, s0  }
0xbe: {  	[sflag:s0] =	ssyncadd.remote.s32 $0x1  }
0xbf: {  	_ =	sfence.sel $0xFFFF  }
0xc0: {  	[dreg:$0x0] =	wrdreg $0xFFFFFFFF;
	(pc) =	sbr.abs _section_cstart, $3  }
0xc1: {  	[dreg:$0x1] =	wrdreg $0xFFFFFFFF  }
0xc2: {  	_ =	task.clear_ibuf [dreg:s7], $0x2FFFF;
	_ =	strace $0x9FFFFFFF  }
0xc3: {  	(tm) =	ssettm $0x7FFFFFFF  }
tec
execute0_lowered:
.L_overlay_start_1:
0x0: {  	(tag) =	ssettag $0x1  }
0x1: {  	s0 =	srdreg.scid  }
0x2: {  	s1 =	rddreg [dreg:$0x0];
	s12 =	stileid.u32  }
0x3: {  	s2 =	rddreg [dreg:$0x1];
	s28 =	simm.s32 $0x3;
	s29 =	simm.s32 $0x6  }
0x4: {  	s30 =	simm.s32 $0x2A00;
	s31 =	simm.s32 $0xA380;
	s13 =	simm.s32 $0x0  }
0x5: {  	s0 =	sand.u32 $0x1, s0;
	s7 =	sshll.u32 s12, $0x7;
	s9 =	smul.u32 $0x13C00, s12  }
0x6: {  	s17 =	smul.u32 $0x4F000, s12;
	s18 =	sadd.s32 $0x4EDC00, s1;
	s20 =	sshll.u32 s12, $0x6  }
0x7: {  	s3 =	sshll.u32 s0, $0x4;
	s7 =	sand.u32 $0x380, s7;
	s8 =	smul.u32 $0x13C000, s0  }
0x8: {  	s0 =	ssub.s32 $0x2, s0;
	s6 =	sor.u32 s12, s3;
	s3 =	rddreg [dreg:$0x2]  }
0x9: {  	s19 =	sshrl.u32 s0, $0x1;
	s12 =	simm.s32 $0x2900;
	s11 =	smul.u32 $0x138800, s6  }
0xa: {  	s4 =	sshrl.u32 s6, $0x3;
	s16 =	sadd.s32 s9, s8;
	s21 =	smul.u32 $0x27100, s6  }
0xb: {  	s8 =	sshrl.u32 s17, $0x2;
	s0 =	ssub.s32 s0, s19;
	s9 =	smul.u32 $0x2710, s6  }
0xc: {  	s17 =	simm.s32 $0x2B80;
	s6 =	simm.s32 $0x5;
	s19 =	simm.s32 $0x5B80  }
0xd: {  	s5 =	smul.u32 $0x13C00, s4;
	s4 =	simm.s32 $0x0;
	s8 =	sadd.s32 s8, s3  }
0xe: {  	s0 =	smax.u32 s0, $0x1;
	[smem:$0x7FF] =	sst s4;
	s22 =	sshrl.u32 s11, $0x3  }
0xf: {  	s14 =	sshrl.u32 s8, $0x3;
	s8 =	simm.s32 $0x2980;
	s11 =	simm.s32 $0x1  }
0x10: {  	s7 =	sor.u32 s7, s5;
	_ =	strace $0x80000047;
	[dreg:$0x4] =	wrdreg s18  }
0x11: {  	s5 =	sadd.s32 $0xBC00, s1;
	[dreg:$0xa] =	wrdreg s0;
	s18 =	simm.s32 $0x2  }
0x12: {  	[dreg:$0xb] =	wrdreg s14;
	s7 =	sshrl.u32 s7, $0x3;
	s23 =	sadd.s32 s5, s22  }
0x13: {  	s24 =	sadd.s32 s5, s21;
	s22 =	simm.s32 $0x7380;
	s21 =	simm.s32 $0x4  }
0x14: {  	s10 =	sadd.s32 s7, s1;
	s7 =	sshrl.u32 s16, $0x3;
	[dreg:$0x6] =	wrdreg s24  }
0x15: {  	s25 =	sadd.s32 $0x300, s23;
	s26 =	sadd.s32 $0x27000, s23;
	s16 =	simm.s32 $0xA  }
0x16: {  	s23 =	simm.s32 $0x4380;
	s24 =	simm.s32 $0x2800;
	s1 =	sadd.s32 s7, s1  }
0x17: {  	s7 =	sor.u32 $0x1C0A, s20;
	s10 =	sadd.s32 $0x1E00, s10;
	[dreg:$0x7] =	wrdreg s25  }
0x18: {  	[dreg:$0x8] =	wrdreg s26;
	s20 =	simm.s32 $0x30;
	s25 =	simm.s32 $0x8B80  }
0x19: {  	s26 =	simm.s32 $0x8;
	[dreg:$0x5] =	wrdreg s10;
	s1 =	sadd.s32 $0x4F0400, s1  }
0x1a: {  	s10 =	simm.s32 $0x2880;
	[dreg:$0x9] =	wrdreg s1;
	s1 =	simm.s32 $0x9  }
.LBB2_1:
0x1b: {  	s0 =	rddreg [dreg:$0x4]  }
0x1c: {  	[spmem:s14], [sflag:s7] =	dma.local [hbm:s0], $0x2780  }
0x1d: {  	_ =	swait.ge [sflag:s16], $0x2780  }
0x1e: {  	s15 =	smov.u32 s7;
	s7 =	simm.s32 $0x80;
	[sflag:s16] =	ssyncset.done $0x0  }
0x1f: {  	s14 =	simm.s32 $0x400;
	s0 =	rddreg [dreg:$0x5];
	[sflag:s16] =	ssyncadd.s32 $0xFFFFD880  }
0x20: {  	[tilespmem:s4], [sflag:$0xA] =	stream.strided.gather [hbm4b:s0+s7], $0x2780, s14, s7, $0x38;
	[tilespmem:$0x1F780] =	vst v63  }
0x21: {  	_ =	swait.ge [sflag:s16], $0x2780  }
0x22: {  	[sflag:s16] =	ssyncset.done $0x0  }
0x23: {  	[sflag:s16] =	ssyncadd.s32 $0xFFFFD880  }
0x24: {  	[bflag:$0x0] =	sbarrier.arrive $0xFFFF  }
0x25: {  	v0 =	vld [tilespmem:$0x0];
	_ =	sdelay $0x1  }
0x26: {  	v1 =	vld [tilespmem:$0x10];
	_ =	sdelay $0x1  }
0x27: {  	v2 =	vld [tilespmem:$0x20]  }
0x28: {  	v3 =	vand.u32 $0xFFFF, v0  }
0x29: {  	v0 =	vshrl.u32 v0, $0x10;
	[tilespmem:$0x2780] =	vst v3  }
0x2a: {  	v52 =	vand.u32 $0xFFFF, v1;
	[tilespmem:$0x2900] =	vst v0  }
0x2b: {  	v53 =	vshrl.u32 v1, $0x10;
	[tilespmem:$0x2790] =	vst v52  }
0x2c: {  	v54 =	vand.u32 $0xFFFF, v2;
	[tilespmem:$0x2910] =	vst v53  }
0x2d: {  	v55 =	vshrl.u32 v2, $0x10;
	[tilespmem:$0x27A0] =	vst v54  }
0x2e: {  	s7 =	rddreg [dreg:$0x6];
	[tilespmem:$0x2920] =	vst v55  }
0x2f: {  	[tilespmem:s17], [sflag:$0x1] =	stream.linear.gather [hbm4b:s7+s4], $0x1800, $0x38;
	[tilespmem:$0x1F780] =	vst v63  }
0x30: {  	s14 =	simm.s32 $0x2780  }
0x31: {  	[tilespmem:s22], [sflag:$0x4] =	stream.indirect.gather [hbm4b:s2+s20], $0x80, s14, s20, $0xb8;
	[tilespmem:$0x1F780] =	vst v63  }
0x32: {  	v56 =	vld [tilespmem:$0x30];
	_ =	sdelay $0x1  }
0x33: {  	v57 =	vld [tilespmem:$0x40];
	_ =	sdelay $0x1  }
0x34: {  	v58 =	vld [tilespmem:$0x50]  }
0x35: {  	v59 =	vand.u32 $0xFFFF, v56  }
0x36: {  	v0 =	vshrl.u32 v56, $0x10;
	[tilespmem:$0x2800] =	vst v59  }
0x37: {  	v60 =	vand.u32 $0xFFFF, v57;
	[tilespmem:$0x2980] =	vst v0  }
0x38: {  	v61 =	vshrl.u32 v57, $0x10;
	[tilespmem:$0x2810] =	vst v60  }
0x39: {  	v62 =	vand.u32 $0xFFFF, v58;
	[tilespmem:$0x2990] =	vst v61  }
.Ltmp0:
0x3a: {  	v63 =	vshrl.u32 v58, $0x10;
	[tilespmem:$0x2820] =	vst v62;
	(pc) =	sbr.rel .LBB2_2-.Ltmp0, $4  }
0x3b: {  	s17 =	rddreg [dreg:$0x7];
	[tilespmem:$0x29A0] =	vst v63  }
0x3c: {  	[tilespmem:s23], [sflag:$0x2] =	stream.linear.gather [hbm4b:s17+s4], $0x1800, $0x38;
	[tilespmem:$0x1F780] =	vst v63  }
0x3d: {  	s14 =	simm.s32 $0x0  }
0x3e: {  	[tilespmem:s25], [sflag:$0x5] =	stream.indirect.gather [hbm4b:s2+s20], $0x80, s24, s20, $0xb8;
	[tilespmem:$0x1F780] =	vst v63  }
.LBB2_21:
0x3f: {  	s14 =	sadd.s32 $0x1, s14  }
0x40: {  	p0 =	sne.s32 s14, $0xD0  }
.Ltmp1:
0x41: {  	_ = 	snop;
	(pc) =	sbr.rel @!p0 .LBB2_22-.Ltmp1, $1  }
0x42: {  	_ =	sdelay $0x3  }
.LBB2_2:
0x43: {  	s0 =	smul.u32 $0xAB, s14;
	_ =	sdelay $0x1  }
0x44: {  	s0 =	sshrl.u32 s0, $0x9  }
0x45: {  	s0 =	sand.u32 $0x7F, s0  }
0x46: {  	s0 =	smul.u32 $0x3, s0;
	_ =	sdelay $0x1  }
0x47: {  	s0 =	ssub.s32 s14, s0  }
0x48: {  	s0 =	sand.u32 $0xFF, s0  }
0x49: {  	p1 =	seq.s32 s0, $0x2  }
.Ltmp2:
0x4a: {  	_ = 	snop;
	(pc) =	sbr.rel @p1 .LBB2_14-.Ltmp2, $3  }
0x4b: {  	_ =	sdelay $0x1  }
0x4c: {  	s17 =	sadd.s32 $0xFFFFFFFF, s14  }
0x4d: {  	p0 =	sgt.u32 s17, $0xCC  }
0x4e: {  	p1 =	seq.s32 s0, $0x1  }
.Ltmp3:
0x4f: {  	_ = 	snop;
	(pc) =	sbr.rel @!p1 .LBB2_4-.Ltmp3, $1  }
0x50: {  	_ =	sdelay $0x3  }
0x51: {  	s0 =	simm.s32 @!p0 $0x7  }
0x52: {  	_ =	swait.ge @!p0 [sflag:s0], $0x1800  }
0x53: {  	s7 =	smul.u32 @!p0 $0x30, s14;
	[sflag:s0] =	ssyncset.done @!p0 $0x0  }
0x54: {  	[sflag:s0] =	ssyncadd.s32 @!p0 $0xFFFFE800  }
0x55: {  	v0 =	vld @!p0 [tilespmem:s7+$0x60];
	_ =	sdelay $0x4  }
0x56: {  	v1 =	vand.u32 @!p0 $0xFFFF, v0  }
0x57: {  	v0 =	vshrl.u32 @!p0 v0, $0x10;
	[tilespmem:$0x2780] =	vst @!p0 v1  }
0x58: {  	[tilespmem:$0x2900] =	vst @!p0 v0  }
0x59: {  	v0 =	vld @!p0 [tilespmem:s7+$0x70];
	_ =	sdelay $0x4  }
0x5a: {  	v1 =	vand.u32 @!p0 $0xFFFF, v0  }
0x5b: {  	v0 =	vshrl.u32 @!p0 v0, $0x10;
	[tilespmem:$0x2790] =	vst @!p0 v1  }
0x5c: {  	[tilespmem:$0x2910] =	vst @!p0 v0  }
0x5d: {  	v0 =	vld @!p0 [tilespmem:s7+$0x80];
	_ =	sdelay $0x3  }
0x5e: {  	s0 =	sadd.s32 @!p0 $0x60, s7  }
0x5f: {  	s0 =	sadd.s32 @!p0 s9, s0;
	v1 =	vand.u32 @!p0 $0xFFFF, v0  }
0x60: {  	s0 =	sshll.u32 @!p0 s0, $0x4;
	v0 =	vshrl.u32 @!p0 v0, $0x10;
	[tilespmem:$0x27A0] =	vst @!p0 v1  }
0x61: {  	s17 =	simm.s32 @!p0 $0x2B80;
	s0 =	sadd.s32 @!p0 s5, s0;
	s7 =	simm.s32 @!p0 $0x0;
	[tilespmem:$0x2920] =	vst @!p0 v0  }
0x62: {  	[tilespmem:s17], [sflag:$0x1] =	stream.linear.gather @!p0 [hbm4b:s0+s7], $0x1800, $0x38;
	[tilespmem:$0x1F780] =	vst v63  }
0x63: {  	s0 =	simm.s32 @!p0 $0x30;
	s7 =	simm.s32 @!p0 $0x2780;
	s17 =	simm.s32 @!p0 $0x7380  }
0x64: {  	[tilespmem:s17], [sflag:$0x4] =	stream.indirect.gather @!p0 [hbm4b:s2+s0], $0x80, s7, s0, $0xb8;
	[tilespmem:$0x1F780] =	vst v63  }
0x65: {  	_ =	swait.ge [sflag:s18], $0x1800  }
0x66: {  	[sflag:s18] =	ssyncset.done $0x0  }
0x67: {  	[sflag:s18] =	ssyncadd.s32 $0xFFFFE800  }
0x68: {  	_ =	swait.ge [sflag:s6], $0x1800  }
0x69: {  	[sflag:s6] =	ssyncset.done $0x0  }
0x6a: {  	s17 =	simm.s32 $0x0;
	[sflag:s6] =	ssyncadd.s32 $0xFFFFE800  }
0x6b: {  	v7 =	vld [tilespmem:s17+$0x4380]  }
0x6c: {  	v11 =	vld [tilespmem:s17+$0x4390]  }
0x6d: {  	v5 =	vld [tilespmem:s17+$0x43A0]  }
0x6e: {  	v4 =	vld [tilespmem:s17+$0x43B0]  }
0x6f: {  	v3 =	vld [tilespmem:s17+$0x43C0]  }
0x70: {  	v2 =	vld [tilespmem:s17+$0x43D0]  }
0x71: {  	v1 =	vld [tilespmem:s17+$0x43E0]  }
0x72: {  	v0 =	vld [tilespmem:s17+$0x43F0]  }
0x73: {  	v12 =	vld [tilespmem:s17+$0x8B80]  }
0x74: {  	v13 =	vld [tilespmem:s17+$0x8B90]  }
0x75: {  	v10 =	vld [tilespmem:s17+$0x8BA0]  }
0x76: {  	v9 =	vld [tilespmem:s17+$0x8BB0]  }
0x77: {  	v8 =	vld [tilespmem:s17+$0x8BC0]  }
0x78: {  	v6 =	vld [tilespmem:s17+$0x8BD0];
	v12 =	vmul.f32 v7, v12  }
0x79: {  	s0 =	simm.s32 $0x200;
	v11 =	vmul.f32 v11, v13;
	v7 =	vld [tilespmem:s17+$0x8BE0]  }
.LBB2_12:
0x7a: {  	s7 =	sshra.s32 s0, $0x2;
	p0 =	sne.s32 s0, $0x5E00;
	[tilespmem:s17+$0x8B80] =	vst v12;
	v5 =	vmul.f32 v5, v10;
	v10 =	vld [tilespmem:s17+$0x8BF0]  }
0x7b: {  	v12 =	vld [tilespmem:s7+$0x4380];
	[tilespmem:s17+$0x8B90] =	vst v11;
	v4 =	vmul.f32 v4, v9  }
0x7c: {  	v11 =	vld [tilespmem:s7+$0x4390];
	[tilespmem:s17+$0x8BA0] =	vst v5;
	v3 =	vmul.f32 v3, v8  }
0x7d: {  	v5 =	vld [tilespmem:s7+$0x43A0];
	[tilespmem:s17+$0x8BB0] =	vst v4;
	v2 =	vmul.f32 v2, v6  }
0x7e: {  	v4 =	vld [tilespmem:s7+$0x43B0];
	[tilespmem:s17+$0x8BC0] =	vst v3;
	v1 =	vmul.f32 v1, v7  }
0x7f: {  	v3 =	vld [tilespmem:s7+$0x43C0];
	[tilespmem:s17+$0x8BD0] =	vst v2;
	v0 =	vmul.f32 v0, v10  }
0x80: {  	v2 =	vld [tilespmem:s7+$0x43D0];
	[tilespmem:s17+$0x8BE0] =	vst v1  }
0x81: {  	v1 =	vld [tilespmem:s7+$0x43E0];
	[tilespmem:s17+$0x8BF0] =	vst v0;
	s17 =	smov.u32 s7  }
0x82: {  	v0 =	vld [tilespmem:s17+$0x43F0]  }
0x83: {  	v6 =	vld [tilespmem:s17+$0x8B80]  }
0x84: {  	v7 =	vld [tilespmem:s17+$0x8B90]  }
.Ltmp4:
0x85: {  	v10 =	vld [tilespmem:s17+$0x8BA0];
	(pc) =	sbr.rel @p0 .LBB2_12-.Ltmp4, $4  }
0x86: {  	v9 =	vld [tilespmem:s17+$0x8BB0]  }
0x87: {  	v8 =	vld [tilespmem:s17+$0x8BC0]  }
0x88: {  	v12 =	vmul.f32 v12, v6;
	v6 =	vld [tilespmem:s17+$0x8BD0]  }
0x89: {  	s0 =	sadd.s32 $0x200, s0;
	v11 =	vmul.f32 v11, v7;
	v7 =	vld [tilespmem:s17+$0x8BE0]  }
0x8a: {  	[tilespmem:s17+$0x8B80] =	vst v12;
	v5 =	vmul.f32 v5, v10;
	v63 =	vld [tilespmem:s17+$0x8BF0]  }
0x8b: {  	[tilespmem:s17+$0x8B90] =	vst v11;
	v4 =	vmul.f32 v4, v9  }
0x8c: {  	[tilespmem:s17+$0x8BA0] =	vst v5;
	v3 =	vmul.f32 v3, v8  }
0x8d: {  	[tilespmem:s17+$0x8BB0] =	vst v4;
	v2 =	vmul.f32 v2, v6  }
.Ltmp5:
0x8e: {  	[tilespmem:s17+$0x8BC0] =	vst v3;
	v1 =	vmul.f32 v1, v7;
	(pc) =	sbr.rel .LBB2_21-.Ltmp5, $4  }
0x8f: {  	[tilespmem:s17+$0x8BD0] =	vst v2;
	v0 =	vmul.f32 v0, v63  }
0x90: {  	[tilespmem:s17+$0x8BE0] =	vst v1  }
0x91: {  	[tilespmem:s17+$0x8BF0] =	vst v0  }
0x92: {  	[spmem:s3] =	stream.indirect.scatter.add.f32 [tilespmem:s25], [sflag:$0x8], $0x80, s8, s20, $0xb8;
	[tilespmem:$0x1F780] =	vst v63  }
.LBB2_14:
.Ltmp6:
0x93: {  	(pc) =	sbr.rel @p0 .LBB2_16-.Ltmp6, $1  }
0x94: {  	_ =	sdelay $0x3  }
.Ltmp7:
0x95: {  	(pc) =	sbr.rel .LBB2_17-.Ltmp7, $4  }
0x96: {  	_ = 	snop  }
0x97: {  	_ =	swait.ge [sflag:s26], $0x1800  }
0x98: {  	[sflag:s26] =	ssyncset.done $0x0  }
0x99: {  	[sflag:s26] =	ssyncadd.s32 $0xFFFFE800  }
.LBB2_4:
.Ltmp8:
0x9a: {  	(pc) =	sbr.rel @p0 .LBB2_6-.Ltmp8, $1  }
0x9b: {  	_ =	sdelay $0x3  }
.Ltmp9:
0x9c: {  	(pc) =	sbr.rel .LBB2_7-.Ltmp9, $4  }
0x9d: {  	_ = 	snop  }
0x9e: {  	_ =	swait.ge [sflag:s1], $0x1800  }
0x9f: {  	[sflag:s1] =	ssyncset.done $0x0  }
0xa0: {  	[sflag:s1] =	ssyncadd.s32 $0xFFFFE800  }
.LBB2_16:
0xa1: {  	p0 =	sgt.u32 s14, $0xCD  }
.Ltmp10:
0xa2: {  	_ = 	snop;
	(pc) =	sbr.rel @p0 .LBB2_18-.Ltmp10, $1  }
0xa3: {  	_ =	sdelay $0x3  }
.LBB2_17:
0xa4: {  	s0 =	smul.u32 $0x30, s14;
	_ =	sdelay $0x1  }
0xa5: {  	v0 =	vld [tilespmem:s0+$0x60];
	_ =	sdelay $0x4  }
0xa6: {  	v1 =	vand.u32 $0xFFFF, v0  }
0xa7: {  	v0 =	vshrl.u32 v0, $0x10;
	[tilespmem:$0x2800] =	vst v1  }
0xa8: {  	[tilespmem:$0x2980] =	vst v0  }
0xa9: {  	v0 =	vld [tilespmem:s0+$0x70];
	_ =	sdelay $0x4  }
0xaa: {  	v62 =	vand.u32 $0xFFFF, v0  }
0xab: {  	v0 =	vshrl.u32 v0, $0x10;
	[tilespmem:$0x2810] =	vst v62  }
0xac: {  	[tilespmem:$0x2990] =	vst v0  }
0xad: {  	v0 =	vld [tilespmem:s0+$0x80];
	_ =	sdelay $0x3  }
0xae: {  	s0 =	sadd.s32 $0x60, s0  }
0xaf: {  	s0 =	sadd.s32 s9, s0;
	v63 =	vand.u32 $0xFFFF, v0  }
0xb0: {  	s0 =	sshll.u32 s0, $0x4;
	v0 =	vshrl.u32 v0, $0x10;
	[tilespmem:$0x2820] =	vst v63  }
0xb1: {  	s0 =	sadd.s32 s5, s0;
	[tilespmem:$0x29A0] =	vst v0  }
0xb2: {  	[tilespmem:s23], [sflag:$0x2] =	stream.linear.gather [hbm4b:s0+s4], $0x1800, $0x38;
	[tilespmem:$0x1F780] =	vst v63  }
0xb3: {  	_ = 	snop  }
0xb4: {  	[tilespmem:s25], [sflag:$0x5] =	stream.indirect.gather [hbm4b:s2+s20], $0x80, s24, s20, $0xb8;
	[tilespmem:$0x1F780] =	vst v63  }
.LBB2_18:
0xb5: {  	_ =	swait.ge [sflag:s28], $0x1800  }
0xb6: {  	[sflag:s28] =	ssyncset.done $0x0  }
0xb7: {  	[sflag:s28] =	ssyncadd.s32 $0xFFFFE800  }
0xb8: {  	_ =	swait.ge [sflag:s29], $0x1800  }
0xb9: {  	[sflag:s29] =	ssyncset.done $0x0  }
0xba: {  	s17 =	simm.s32 $0x0;
	[sflag:s29] =	ssyncadd.s32 $0xFFFFE800  }
0xbb: {  	v7 =	vld [tilespmem:s17+$0x5B80]  }
0xbc: {  	v11 =	vld [tilespmem:s17+$0x5B90]  }
0xbd: {  	v5 =	vld [tilespmem:s17+$0x5BA0]  }
0xbe: {  	v4 =	vld [tilespmem:s17+$0x5BB0]  }
0xbf: {  	v3 =	vld [tilespmem:s17+$0x5BC0]  }
0xc0: {  	v2 =	vld [tilespmem:s17+$0x5BD0]  }
0xc1: {  	v1 =	vld [tilespmem:s17+$0x5BE0]  }
0xc2: {  	v0 =	vld [tilespmem:s17+$0x5BF0]  }
0xc3: {  	v12 =	vld [tilespmem:s17+$0xA380]  }
0xc4: {  	v13 =	vld [tilespmem:s17+$0xA390]  }
0xc5: {  	v10 =	vld [tilespmem:s17+$0xA3A0]  }
0xc6: {  	v9 =	vld [tilespmem:s17+$0xA3B0]  }
0xc7: {  	v8 =	vld [tilespmem:s17+$0xA3C0]  }
0xc8: {  	v6 =	vld [tilespmem:s17+$0xA3D0];
	v12 =	vmul.f32 v7, v12  }
0xc9: {  	s0 =	simm.s32 $0x200;
	v11 =	vmul.f32 v11, v13;
	v7 =	vld [tilespmem:s17+$0xA3E0]  }
.LBB2_19:
0xca: {  	s7 =	sshra.s32 s0, $0x2;
	p0 =	sne.s32 s0, $0x5E00;
	[tilespmem:s17+$0xA380] =	vst v12;
	v5 =	vmul.f32 v5, v10;
	v10 =	vld [tilespmem:s17+$0xA3F0]  }
0xcb: {  	v12 =	vld [tilespmem:s7+$0x5B80];
	[tilespmem:s17+$0xA390] =	vst v11;
	v4 =	vmul.f32 v4, v9  }
0xcc: {  	v11 =	vld [tilespmem:s7+$0x5B90];
	[tilespmem:s17+$0xA3A0] =	vst v5;
	v3 =	vmul.f32 v3, v8  }
0xcd: {  	v5 =	vld [tilespmem:s7+$0x5BA0];
	[tilespmem:s17+$0xA3B0] =	vst v4;
	v2 =	vmul.f32 v2, v6  }
0xce: {  	v4 =	vld [tilespmem:s7+$0x5BB0];
	[tilespmem:s17+$0xA3C0] =	vst v3;
	v1 =	vmul.f32 v1, v7  }
0xcf: {  	v3 =	vld [tilespmem:s7+$0x5BC0];
	[tilespmem:s17+$0xA3D0] =	vst v2;
	v0 =	vmul.f32 v0, v10  }
0xd0: {  	v2 =	vld [tilespmem:s7+$0x5BD0];
	[tilespmem:s17+$0xA3E0] =	vst v1  }
0xd1: {  	v1 =	vld [tilespmem:s7+$0x5BE0];
	[tilespmem:s17+$0xA3F0] =	vst v0;
	s17 =	smov.u32 s7  }
0xd2: {  	v0 =	vld [tilespmem:s17+$0x5BF0]  }
0xd3: {  	v6 =	vld [tilespmem:s17+$0xA380]  }
0xd4: {  	v7 =	vld [tilespmem:s17+$0xA390]  }
.Ltmp11:
0xd5: {  	v10 =	vld [tilespmem:s17+$0xA3A0];
	(pc) =	sbr.rel @p0 .LBB2_19-.Ltmp11, $4  }
0xd6: {  	v9 =	vld [tilespmem:s17+$0xA3B0]  }
0xd7: {  	v8 =	vld [tilespmem:s17+$0xA3C0]  }
0xd8: {  	v12 =	vmul.f32 v12, v6;
	v6 =	vld [tilespmem:s17+$0xA3D0]  }
0xd9: {  	s0 =	sadd.s32 $0x200, s0;
	v11 =	vmul.f32 v11, v7;
	v7 =	vld [tilespmem:s17+$0xA3E0]  }
0xda: {  	[tilespmem:s17+$0xA380] =	vst v12;
	v5 =	vmul.f32 v5, v10;
	v63 =	vld [tilespmem:s17+$0xA3F0]  }
0xdb: {  	[tilespmem:s17+$0xA390] =	vst v11;
	v4 =	vmul.f32 v4, v9  }
0xdc: {  	[tilespmem:s17+$0xA3A0] =	vst v5;
	v3 =	vmul.f32 v3, v8  }
0xdd: {  	[tilespmem:s17+$0xA3B0] =	vst v4;
	v2 =	vmul.f32 v2, v6  }
.Ltmp12:
0xde: {  	[tilespmem:s17+$0xA3C0] =	vst v3;
	v1 =	vmul.f32 v1, v7;
	(pc) =	sbr.rel .LBB2_21-.Ltmp12, $4  }
0xdf: {  	[tilespmem:s17+$0xA3D0] =	vst v2;
	v0 =	vmul.f32 v0, v63  }
0xe0: {  	[tilespmem:s17+$0xA3E0] =	vst v1  }
0xe1: {  	[tilespmem:s17+$0xA3F0] =	vst v0  }
0xe2: {  	[spmem:s3] =	stream.indirect.scatter.add.f32 [tilespmem:s31], [sflag:$0x9], $0x80, s30, s20, $0xb8;
	[tilespmem:$0x1F780] =	vst v63  }
.LBB2_6:
0xe3: {  	p0 =	sgt.u32 s14, $0xCD  }
.Ltmp13:
0xe4: {  	_ = 	snop;
	(pc) =	sbr.rel @p0 .LBB2_8-.Ltmp13, $1  }
0xe5: {  	_ =	sdelay $0x3  }
.LBB2_7:
0xe6: {  	s0 =	smul.u32 $0x30, s14;
	_ =	sdelay $0x1  }
0xe7: {  	v0 =	vld [tilespmem:s0+$0x60];
	_ =	sdelay $0x4  }
0xe8: {  	v1 =	vand.u32 $0xFFFF, v0  }
0xe9: {  	v0 =	vshrl.u32 v0, $0x10;
	[tilespmem:$0x2880] =	vst v1  }
0xea: {  	[tilespmem:$0x2A00] =	vst v0  }
0xeb: {  	v0 =	vld [tilespmem:s0+$0x70];
	_ =	sdelay $0x4  }
0xec: {  	v62 =	vand.u32 $0xFFFF, v0  }
0xed: {  	v0 =	vshrl.u32 v0, $0x10;
	[tilespmem:$0x2890] =	vst v62  }
0xee: {  	[tilespmem:$0x2A10] =	vst v0  }
0xef: {  	v0 =	vld [tilespmem:s0+$0x80];
	_ =	sdelay $0x3  }
0xf0: {  	s0 =	sadd.s32 $0x60, s0  }
0xf1: {  	s0 =	sadd.s32 s9, s0;
	v63 =	vand.u32 $0xFFFF, v0  }
0xf2: {  	s0 =	sshll.u32 s0, $0x4;
	v0 =	vshrl.u32 v0, $0x10;
	[tilespmem:$0x28A0] =	vst v63  }
0xf3: {  	s0 =	sadd.s32 s5, s0;
	[tilespmem:$0x2A20] =	vst v0  }
0xf4: {  	[tilespmem:s19], [sflag:$0x3] =	stream.linear.gather [hbm4b:s0+s4], $0x1800, $0x38;
	[tilespmem:$0x1F780] =	vst v63  }
0xf5: {  	_ = 	snop  }
0xf6: {  	[tilespmem:s31], [sflag:$0x6] =	stream.indirect.gather [hbm4b:s2+s20], $0x80, s10, s20, $0xb8;
	[tilespmem:$0x1F780] =	vst v63  }
.LBB2_8:
0xf7: {  	_ =	swait.ge [sflag:s11], $0x1800  }
0xf8: {  	[sflag:s11] =	ssyncset.done $0x0  }
0xf9: {  	[sflag:s11] =	ssyncadd.s32 $0xFFFFE800  }
0xfa: {  	_ =	swait.ge [sflag:s21], $0x1800  }
0xfb: {  	[sflag:s21] =	ssyncset.done $0x0  }
0xfc: {  	s17 =	simm.s32 $0x0;
	[sflag:s21] =	ssyncadd.s32 $0xFFFFE800  }
0xfd: {  	v7 =	vld [tilespmem:s17+$0x2B80]  }
0xfe: {  	v11 =	vld [tilespmem:s17+$0x2B90]  }
0xff: {  	v5 =	vld [tilespmem:s17+$0x2BA0]  }
0x100: {  	v4 =	vld [tilespmem:s17+$0x2BB0]  }
0x101: {  	v3 =	vld [tilespmem:s17+$0x2BC0]  }
0x102: {  	v2 =	vld [tilespmem:s17+$0x2BD0]  }
0x103: {  	v1 =	vld [tilespmem:s17+$0x2BE0]  }
0x104: {  	v0 =	vld [tilespmem:s17+$0x2BF0]  }
0x105: {  	v12 =	vld [tilespmem:s17+$0x7380]  }
0x106: {  	v13 =	vld [tilespmem:s17+$0x7390]  }
0x107: {  	v10 =	vld [tilespmem:s17+$0x73A0]  }
0x108: {  	v9 =	vld [tilespmem:s17+$0x73B0]  }
0x109: {  	v8 =	vld [tilespmem:s17+$0x73C0]  }
0x10a: {  	v6 =	vld [tilespmem:s17+$0x73D0];
	v12 =	vmul.f32 v7, v12  }
0x10b: {  	s0 =	simm.s32 $0x200;
	v11 =	vmul.f32 v11, v13;
	v7 =	vld [tilespmem:s17+$0x73E0]  }
.LBB2_9:
0x10c: {  	s7 =	sshra.s32 s0, $0x2;
	p0 =	sne.s32 s0, $0x5E00;
	[tilespmem:s17+$0x7380] =	vst v12;
	v5 =	vmul.f32 v5, v10;
	v10 =	vld [tilespmem:s17+$0x73F0]  }
0x10d: {  	v12 =	vld [tilespmem:s7+$0x2B80];
	[tilespmem:s17+$0x7390] =	vst v11;
	v4 =	vmul.f32 v4, v9  }
0x10e: {  	v11 =	vld [tilespmem:s7+$0x2B90];
	[tilespmem:s17+$0x73A0] =	vst v5;
	v3 =	vmul.f32 v3, v8  }
0x10f: {  	v5 =	vld [tilespmem:s7+$0x2BA0];
	[tilespmem:s17+$0x73B0] =	vst v4;
	v2 =	vmul.f32 v2, v6  }
0x110: {  	v4 =	vld [tilespmem:s7+$0x2BB0];
	[tilespmem:s17+$0x73C0] =	vst v3;
	v1 =	vmul.f32 v1, v7  }
0x111: {  	v3 =	vld [tilespmem:s7+$0x2BC0];
	[tilespmem:s17+$0x73D0] =	vst v2;
	v0 =	vmul.f32 v0, v10  }
0x112: {  	v2 =	vld [tilespmem:s7+$0x2BD0];
	[tilespmem:s17+$0x73E0] =	vst v1  }
0x113: {  	v1 =	vld [tilespmem:s7+$0x2BE0];
	[tilespmem:s17+$0x73F0] =	vst v0;
	s17 =	smov.u32 s7  }
0x114: {  	v0 =	vld [tilespmem:s17+$0x2BF0]  }
0x115: {  	v6 =	vld [tilespmem:s17+$0x7380]  }
0x116: {  	v7 =	vld [tilespmem:s17+$0x7390]  }
.Ltmp14:
0x117: {  	v10 =	vld [tilespmem:s17+$0x73A0];
	(pc) =	sbr.rel @p0 .LBB2_9-.Ltmp14, $4  }
0x118: {  	v9 =	vld [tilespmem:s17+$0x73B0]  }
0x119: {  	v8 =	vld [tilespmem:s17+$0x73C0]  }
0x11a: {  	v12 =	vmul.f32 v12, v6;
	v6 =	vld [tilespmem:s17+$0x73D0]  }
0x11b: {  	s0 =	sadd.s32 $0x200, s0;
	v11 =	vmul.f32 v11, v7;
	v7 =	vld [tilespmem:s17+$0x73E0]  }
0x11c: {  	[tilespmem:s17+$0x7380] =	vst v12;
	v5 =	vmul.f32 v5, v10;
	v63 =	vld [tilespmem:s17+$0x73F0]  }
0x11d: {  	[tilespmem:s17+$0x7390] =	vst v11;
	v4 =	vmul.f32 v4, v9  }
0x11e: {  	[tilespmem:s17+$0x73A0] =	vst v5;
	v3 =	vmul.f32 v3, v8  }
0x11f: {  	[tilespmem:s17+$0x73B0] =	vst v4;
	v2 =	vmul.f32 v2, v6  }
.Ltmp15:
0x120: {  	[tilespmem:s17+$0x73C0] =	vst v3;
	v1 =	vmul.f32 v1, v7;
	(pc) =	sbr.rel .LBB2_21-.Ltmp15, $4  }
0x121: {  	[tilespmem:s17+$0x73D0] =	vst v2;
	v0 =	vmul.f32 v0, v63  }
0x122: {  	[tilespmem:s17+$0x73E0] =	vst v1  }
0x123: {  	[tilespmem:s17+$0x73F0] =	vst v0  }
0x124: {  	[spmem:s3] =	stream.indirect.scatter.add.f32 [tilespmem:s22], [sflag:$0x7], $0x80, s12, s20, $0xb8;
	[tilespmem:$0x1F780] =	vst v63  }
.LBB2_22:
0x125: {  	_ =	swait.ge [sflag:s26], $0x1800  }
0x126: {  	[sflag:s26] =	ssyncset.done $0x0  }
0x127: {  	[sflag:s26] =	ssyncadd.s32 $0xFFFFE800  }
0x128: {  	_ =	swait.ge [sflag:s1], $0x1800  }
0x129: {  	[sflag:s1] =	ssyncset.done $0x0  }
0x12a: {  	s0 =	simm.s32 $0x7;
	[sflag:s1] =	ssyncadd.s32 $0xFFFFE800  }
0x12b: {  	_ =	swait.ge [sflag:s0], $0x1800  }
0x12c: {  	[sflag:s0] =	ssyncset.done $0x0  }
0x12d: {  	[sflag:s0] =	ssyncadd.s32 $0xFFFFE800  }
0x12e: {  	v0 =	vld [tilespmem:$0x2700];
	_ =	sdelay $0x4  }
0x12f: {  	v1 =	vand.u32 $0xFFFF, v0  }
0x130: {  	v0 =	vshrl.u32 v0, $0x10;
	[tilespmem:$0x2A80] =	vst v1  }
0x131: {  	s14 =	simm.s32 $0x0;
	s17 =	simm.s32 $0x2B80;
	s7 =	rddreg [dreg:$0x8];
	[tilespmem:$0x2B00] =	vst v0  }
0x132: {  	[tilespmem:s17], [sflag:$0xA] =	stream.linear.gather [hbm4b:s7+s14], $0x800, $0x38;
	[tilespmem:$0x1F780] =	vst v63  }
0x133: {  	_ =	swait.ge [sflag:s16], $0x800  }
0x134: {  	[sflag:s16] =	ssyncset.done $0x0  }
0x135: {  	s7 =	simm.s32 $0x10;
	s14 =	simm.s32 $0x2A80;
	[sflag:s16] =	ssyncadd.s32 $0xFFFFF800  }
0x136: {  	[tilespmem:s22], [sflag:$0x4] =	stream.indirect.gather [hbm4b:s2+s7], $0x80, s14, s7, $0xb8;
	[tilespmem:$0x1F780] =	vst v63  }
0x137: {  	_ =	swait.ge [sflag:s21], $0x800  }
0x138: {  	[sflag:s21] =	ssyncset.done $0x0  }
0x139: {  	s14 =	simm.s32 $0x0;
	[sflag:s21] =	ssyncadd.s32 $0xFFFFF800  }
0x13a: {  	v7 =	vld [tilespmem:s14+$0x2B80]  }
0x13b: {  	v11 =	vld [tilespmem:s14+$0x2B90]  }
0x13c: {  	v5 =	vld [tilespmem:s14+$0x2BA0]  }
0x13d: {  	v4 =	vld [tilespmem:s14+$0x2BB0]  }
0x13e: {  	v3 =	vld [tilespmem:s14+$0x2BC0]  }
0x13f: {  	v2 =	vld [tilespmem:s14+$0x2BD0]  }
0x140: {  	v1 =	vld [tilespmem:s14+$0x2BE0]  }
0x141: {  	v0 =	vld [tilespmem:s14+$0x2BF0]  }
0x142: {  	v12 =	vld [tilespmem:s14+$0x7380]  }
0x143: {  	v13 =	vld [tilespmem:s14+$0x7390]  }
0x144: {  	v10 =	vld [tilespmem:s14+$0x73A0]  }
0x145: {  	v9 =	vld [tilespmem:s14+$0x73B0]  }
0x146: {  	v8 =	vld [tilespmem:s14+$0x73C0]  }
0x147: {  	v6 =	vld [tilespmem:s14+$0x73D0];
	v12 =	vmul.f32 v7, v12  }
0x148: {  	s0 =	simm.s32 $0x200;
	v11 =	vmul.f32 v11, v13;
	v7 =	vld [tilespmem:s14+$0x73E0]  }
.LBB2_23:
0x149: {  	s7 =	sshra.s32 s0, $0x2;
	p0 =	sne.s32 s0, $0x1E00;
	[tilespmem:s14+$0x7380] =	vst v12;
	v5 =	vmul.f32 v5, v10;
	v10 =	vld [tilespmem:s14+$0x73F0]  }
0x14a: {  	v12 =	vld [tilespmem:s7+$0x2B80];
	[tilespmem:s14+$0x7390] =	vst v11;
	v4 =	vmul.f32 v4, v9  }
0x14b: {  	v11 =	vld [tilespmem:s7+$0x2B90];
	[tilespmem:s14+$0x73A0] =	vst v5;
	v3 =	vmul.f32 v3, v8  }
0x14c: {  	v5 =	vld [tilespmem:s7+$0x2BA0];
	[tilespmem:s14+$0x73B0] =	vst v4;
	v2 =	vmul.f32 v2, v6  }
0x14d: {  	v4 =	vld [tilespmem:s7+$0x2BB0];
	[tilespmem:s14+$0x73C0] =	vst v3;
	v1 =	vmul.f32 v1, v7  }
0x14e: {  	v3 =	vld [tilespmem:s7+$0x2BC0];
	[tilespmem:s14+$0x73D0] =	vst v2;
	v0 =	vmul.f32 v0, v10  }
0x14f: {  	v2 =	vld [tilespmem:s7+$0x2BD0];
	[tilespmem:s14+$0x73E0] =	vst v1  }
0x150: {  	v1 =	vld [tilespmem:s7+$0x2BE0];
	[tilespmem:s14+$0x73F0] =	vst v0;
	s14 =	smov.u32 s7  }
0x151: {  	v0 =	vld [tilespmem:s14+$0x2BF0]  }
0x152: {  	v6 =	vld [tilespmem:s14+$0x7380]  }
0x153: {  	v7 =	vld [tilespmem:s14+$0x7390]  }
.Ltmp16:
0x154: {  	v10 =	vld [tilespmem:s14+$0x73A0];
	(pc) =	sbr.rel @p0 .LBB2_23-.Ltmp16, $4  }
0x155: {  	v9 =	vld [tilespmem:s14+$0x73B0]  }
0x156: {  	v8 =	vld [tilespmem:s14+$0x73C0]  }
0x157: {  	v12 =	vmul.f32 v12, v6;
	v6 =	vld [tilespmem:s14+$0x73D0]  }
0x158: {  	s0 =	sadd.s32 $0x200, s0;
	v11 =	vmul.f32 v11, v7;
	v7 =	vld [tilespmem:s14+$0x73E0]  }
0x159: {  	[tilespmem:s14+$0x7380] =	vst v12;
	v5 =	vmul.f32 v5, v10;
	v63 =	vld [tilespmem:s14+$0x73F0]  }
0x15a: {  	[tilespmem:s14+$0x7390] =	vst v11;
	v4 =	vmul.f32 v4, v9  }
0x15b: {  	[tilespmem:s14+$0x73A0] =	vst v5;
	v3 =	vmul.f32 v3, v8  }
0x15c: {  	[tilespmem:s14+$0x73B0] =	vst v4;
	v2 =	vmul.f32 v2, v6  }
0x15d: {  	[tilespmem:s14+$0x73C0] =	vst v3;
	v1 =	vmul.f32 v1, v7  }
0x15e: {  	[tilespmem:s14+$0x73D0] =	vst v2;
	v0 =	vmul.f32 v0, v63  }
0x15f: {  	[tilespmem:s14+$0x73E0] =	vst v1  }
0x160: {  	s0 =	simm.s32 $0x10;
	s7 =	simm.s32 $0x2B00;
	[tilespmem:s14+$0x73F0] =	vst v0  }
0x161: {  	[spmem:s3] =	stream.indirect.scatter.add.f32 [tilespmem:s22], [sflag:$0xA], $0x80, s7, s0, $0xb8;
	[tilespmem:$0x1F780] =	vst v63  }
0x162: {  	_ =	swait.ge [sflag:s16], $0x800  }
0x163: {  	[sflag:s16] =	ssyncset.done $0x0  }
0x164: {  	[sflag:s16] =	ssyncadd.s32 $0xFFFFF800  }
0x165: {  	[bflag:$0x0] =	sbarrier.arrive $0xFFFF  }
0x166: {  	s0 =	rddreg [dreg:$0x9]  }
0x167: {  	s14 =	rddreg [dreg:$0xb]  }
0x168: {  	[hbm:s0], [sflag:s15] =	dma.local [spmem:s14], $0x2780  }
0x169: {  	_ =	swait.ge [sflag:s16], $0x2780  }
0x16a: {  	s13 =	sadd.s32 $0x1, s13;
	s7 =	smov.u32 s15;
	s15 =	rddreg [dreg:$0xa]  }
0x16b: {  	p0 =	sne.s32 s13, s15  }
.Ltmp17:
0x16c: {  	_ = 	snop;
	(pc) =	sbr.rel @p0 .LBB2_1-.Ltmp17, $3  }
0x16d: {  	_ =	sdelay $0x1  }
0x16e: {  	[sflag:s16] =	ssyncset.done $0x0  }
0x16f: {  	[sflag:s16] =	ssyncadd.s32 $0xFFFFD880  }
0x170: {  	_ =	sfence.sel $0x180000  }
0x171: {  	[bflag:$0x0] =	sbarrier.arrive $0xFFFF  }
0x172: {  	_ =	strace $0x90000047  }
0x173: {  	s0 =	stileid.u32;
	[bflag:$0x2] =	sbarrier.arrive $0xFFFF  }
0x174: {  	p0 =	sne.s32 s0, $0x0;
	s0 =	rddreg [dreg:$0x3]  }
0x175: {  	s0 =	sadd.s32 @!p0 $0x100000, s0  }
0x176: {  	[sflag:s0] =	ssyncadd.tile.s32 @!p0 $0x1;
	_ =	shalt  }
.Lfunc_end2:
_tile_overlayer_lowered:
.L_overlay_start_2:
0x177: {  	(tag) =	ssettag $0x2  }
0x178: {  	s0 =	rddreg [dreg:$0x0];
	s2 =	stileid.u32  }
0x179: {  	s1 =	rddreg [dreg:$0x1];
	p0 =	sne.s32 s2, $0x0  }
0x17a: {  	s3 =	rddreg [dreg:$0x2];
	[bflag:$0x3] =	sbarrier.arrive $0xFFFF;
	s2 =	simm.s32 @!p0 $0x1C0A  }
0x17b: {  	[timem:s3], [sflag:s2] =	dma.local @!p0 [hbm:s0], s1  }
0x17c: {  	s0 =	simm.s32 @!p0 $0xA  }
0x17d: {  	_ =	swait.ge @!p0 [sflag:s0], s1  }
0x17e: {  	s1 =	ssub.s32 @!p0 $0x0, s1;
	[sflag:s0] =	ssyncset.done @!p0 $0x0  }
0x17f: {  	[sflag:s0] =	ssyncadd.s32 @!p0 s1  }
0x180: {  	[bflag:$0x3] =	sbarrier.arrive $0xFFFF  }
0x181: {  	_ =	shalt  }

</sc_bundles>
